<compile_context>
chip_gen: v7x
topology: tpu7x:2x2x1
jax: 0.10.2.dev20260603
libtpu: 0.0.44.dev20260713+nightly
codegen_flags: <defaults>
</compile_context>

<pallas_src>
import functools

import jax
import jax.numpy as jnp
from jax import lax
from jax.experimental import pallas as pl
from jax.experimental.pallas import tpu as pltpu
from jax.experimental.pallas import tpu_sc as plsc

NNODE = 10000
NPAD = 10240
NC = 2
NS = 16
NW = NC * NS
EDGES = 160000
EPT = EDGES // NW
BB = 128
NB = 40
RZ = NPAD // NS

_mesh = plsc.VectorSubcoreMesh(
    core_axis_name="c", subcore_axis_name="s", num_cores=NC, num_subcores=NS)



@functools.partial(
    pl.kernel,
    out_type=jax.ShapeDtypeStruct((NC, NPAD, 128), jnp.float32),
    mesh=_mesh,
    scratch_types=[
        pltpu.VMEM((NB, BB), jnp.int32),
        pltpu.VMEM((BB, 128), jnp.float32),
        pltpu.VMEM_SHARED((NPAD, 128), jnp.float32),
    ],
)
def _sc_deg(dst_hbm, ones_hbm, zeros_hbm, out_hbm, idx_v, ones_v, acc):
    cid = lax.axis_index("c")
    sid = lax.axis_index("s")
    wid = sid * NC + cid

    pltpu.sync_copy(ones_hbm, ones_v)
    pltpu.sync_copy(dst_hbm.at[wid], idx_v)
    pltpu.sync_copy(zeros_hbm, acc.at[pl.ds(sid * RZ, RZ)])
    plsc.subcore_barrier()

    def body(j, carry):
        pltpu.sync_copy(ones_v, acc.at[idx_v.at[j]], add=True)
        return carry
    lax.fori_loop(0, NB, body, 0)
    plsc.subcore_barrier()

    pltpu.sync_copy(acc.at[pl.ds(sid * RZ, RZ)],
                    out_hbm.at[cid, pl.ds(sid * RZ, RZ)])


def _make_prop(nc_chunks):

    @functools.partial(
        pl.kernel,
        out_type=jax.ShapeDtypeStruct((NC, nc_chunks, NPAD, 128), jnp.float32),
        mesh=_mesh,
        scratch_types=[
            pltpu.VMEM((NB, BB), jnp.int32),
            pltpu.VMEM((NB, BB), jnp.int32),
            pltpu.VMEM((2, BB, 128), jnp.float32),
            pltpu.VMEM_SHARED((NPAD, 128), jnp.float32),
            pltpu.SemaphoreType.DMA,
            pltpu.SemaphoreType.DMA,
            pltpu.SemaphoreType.DMA,
            pltpu.SemaphoreType.DMA,
        ],
    )
    def _prop(*refs):
        g_refs = refs[:nc_chunks]
        (src_hbm, dst_hbm, zeros_hbm, out_hbm,
         src_v, dst_v, gbuf, acc) = refs[nc_chunks:nc_chunks + 8]
        gsem = refs[nc_chunks + 8:nc_chunks + 10]
        ssem = refs[nc_chunks + 10:nc_chunks + 12]
        cid = lax.axis_index("c")
        sid = lax.axis_index("s")
        wid = sid * NC + cid

        pltpu.sync_copy(src_hbm.at[wid], src_v)
        pltpu.sync_copy(dst_hbm.at[wid], dst_v)

        def fire_gather(g, j, b):
            pltpu.async_copy(g.at[src_v.at[j]], gbuf.at[b], gsem[b])

        def wait_gather(b):
            pltpu.make_async_copy(zeros_hbm.at[pl.ds(0, BB)],
                                  gbuf.at[b], gsem[b]).wait()

        def fire_scatter(j, b):
            pltpu.async_copy(gbuf.at[b], acc.at[dst_v.at[j]], ssem[b],
                             add=True)

        def wait_scatter(b):
            pltpu.make_async_copy(zeros_hbm.at[pl.ds(0, BB)],
                                  gbuf.at[b], ssem[b]).wait()

        pltpu.sync_copy(zeros_hbm, acc.at[pl.ds(sid * RZ, RZ)])
        fire_gather(g_refs[0], 0, 0)
        fire_gather(g_refs[0], 1, 1)
        plsc.subcore_barrier()

        for c in range(nc_chunks):
            g = g_refs[c]

            def group(gi, carry):
                j0 = gi * 2
                for b in range(2):
                    wait_gather(b)
                    fire_scatter(j0 + b, b)
                    wait_scatter(b)
                    fire_gather(g, j0 + b + 2, b)
                return carry
            lax.fori_loop(0, (NB - 2) // 2, group, 0)

            for j in range(NB - 2, NB):
                b = j % 2
                wait_gather(b)
                fire_scatter(j, b)
                wait_scatter(b)
            if c + 1 < nc_chunks:
                fire_gather(g_refs[c + 1], 0, 0)
                fire_gather(g_refs[c + 1], 1, 1)
            plsc.subcore_barrier()

            pltpu.sync_copy(acc.at[pl.ds(sid * RZ, RZ)],
                            out_hbm.at[cid, c, pl.ds(sid * RZ, RZ)])
            if c + 1 < nc_chunks:
                pltpu.sync_copy(zeros_hbm, acc.at[pl.ds(sid * RZ, RZ)])
                plsc.subcore_barrier()

    return _prop


_sc_prop2 = _make_prop(2)
_sc_prop4 = _make_prop(4)



R = 1000
GRID = NNODE // R


def _dinv_of(degp):
    deg = degp[0, :, :1] + degp[1, :, :1] + 1.0
    return lax.rsqrt(deg)


def _mm(a, b):
    return lax.dot_general(a, b, (((1,), (0,)), ((), ())),
                           preferred_element_type=jnp.float32)


def _tc_prep_body(degp_ref, x_ref, ga_ref, gb_ref):
    dinv = _dinv_of(degp_ref[...])
    g = x_ref[...] * dinv
    ga_ref[...] = g[:, :128]
    gb_ref[...] = g[:, 128:]


_tc_prep = pl.pallas_call(
    _tc_prep_body,
    grid=(GRID,),
    in_specs=[
        pl.BlockSpec((NC, R, 128), lambda i: (0, i, 0)),
        pl.BlockSpec((R, 256), lambda i: (i, 0)),
    ],
    out_specs=[pl.BlockSpec((R, 128), lambda i: (i, 0))] * 2,
    out_shape=[jax.ShapeDtypeStruct((NNODE, 128), jnp.float32)] * 2,
)


def _tc_layer1_body(degp_ref, x_ref, s0_ref, W1_ref, b1_ref,
                    h1_ref, g0_ref, g1_ref, g2_ref, g3_ref):
    dinv = _dinv_of(degp_ref[...])
    s0 = s0_ref[...]
    ssum = s0[0] + s0[1]
    scat = jnp.concatenate([ssum[0], ssum[1]], axis=-1)
    xp = dinv * scat + (dinv * dinv) * x_ref[...]
    h1 = jnp.maximum(_mm(xp, W1_ref[...]) + b1_ref[...], 0.0)
    h1_ref[...] = h1
    g = h1 * dinv
    g0_ref[...] = g[:, 0:128]
    g1_ref[...] = g[:, 128:256]
    g2_ref[...] = g[:, 256:384]
    g3_ref[...] = g[:, 384:512]


_tc_layer1 = pl.pallas_call(
    _tc_layer1_body,
    grid=(GRID,),
    in_specs=[
        pl.BlockSpec((NC, R, 128), lambda i: (0, i, 0)),
        pl.BlockSpec((R, 256), lambda i: (i, 0)),
        pl.BlockSpec((NC, 2, R, 128), lambda i: (0, 0, i, 0)),
        pl.BlockSpec((256, 512), lambda i: (0, 0)),
        pl.BlockSpec((1, 512), lambda i: (0, 0)),
    ],
    out_specs=[pl.BlockSpec((R, 512), lambda i: (i, 0))]
    + [pl.BlockSpec((R, 128), lambda i: (i, 0))] * 4,
    out_shape=[jax.ShapeDtypeStruct((NNODE, 512), jnp.float32)]
    + [jax.ShapeDtypeStruct((NNODE, 128), jnp.float32)] * 4,
)


def _tc_final_body(degp_ref, h1_ref, s1_ref, W2_ref, b2_ref,
                   Wa_ref, Wb_ref, bl_ref, out_ref):
    dinv = _dinv_of(degp_ref[...])
    s1 = s1_ref[...]
    ss = s1[0] + s1[1]
    hcat = jnp.concatenate([ss[0], ss[1], ss[2], ss[3]], axis=-1)
    h1 = h1_ref[...]
    h1p = dinv * hcat + (dinv * dinv) * h1
    h2 = jnp.maximum(_mm(h1p, W2_ref[...]) + b2_ref[...], 0.0)
    logits = _mm(h1, Wa_ref[...]) + _mm(h2, Wb_ref[...]) + bl_ref[...]
    m = jnp.max(logits, axis=1, keepdims=True)
    e = jnp.exp(logits - m)
    out_ref[...] = (logits - m) - jnp.log(jnp.sum(e, axis=1, keepdims=True))


_tc_final = pl.pallas_call(
    _tc_final_body,
    grid=(GRID,),
    in_specs=[
        pl.BlockSpec((NC, R, 128), lambda i: (0, i, 0)),
        pl.BlockSpec((R, 512), lambda i: (i, 0)),
        pl.BlockSpec((NC, 4, R, 128), lambda i: (0, 0, i, 0)),
        pl.BlockSpec((512, 512), lambda i: (0, 0)),
        pl.BlockSpec((1, 512), lambda i: (0, 0)),
        pl.BlockSpec((512, 64), lambda i: (0, 0)),
        pl.BlockSpec((512, 64), lambda i: (0, 0)),
        pl.BlockSpec((1, 64), lambda i: (0, 0)),
    ],
    out_specs=pl.BlockSpec((R, 64), lambda i: (i, 0)),
    out_shape=jax.ShapeDtypeStruct((NNODE, 64), jnp.float32),
)



@jax.jit
def kernel(x, edge_index, W1, b1, W2, b2, Wlin, blin):
    src = edge_index[0].reshape(NW, EPT)
    dst = edge_index[1].reshape(NW, EPT)
    pad = NB * BB - EPT
    src3 = jnp.pad(src, ((0, 0), (0, pad))).reshape(NW, NB, BB)
    dst3 = jnp.pad(dst, ((0, 0), (0, pad)),
                   constant_values=NNODE).reshape(NW, NB, BB)

    onesb = jnp.ones((BB, 128), jnp.float32)
    zerosb = jnp.zeros((RZ, 128), jnp.float32)
    degp = _sc_deg(dst3, onesb, zerosb)
    g0a, g0b = _tc_prep(degp, x)
    s0 = _sc_prop2(g0a, g0b, src3, dst3, zerosb)
    h1, g1a, g1b, g1c, g1d = _tc_layer1(
        degp, x, s0, W1, b1.reshape(1, 512))
    s1 = _sc_prop4(g1a, g1b, g1c, g1d, src3, dst3, zerosb)
    out = _tc_final(degp, h1, s1, W2, b2.reshape(1, 512),
                    Wlin[:512], Wlin[512:], blin.reshape(1, 64))
    return out

# --- scband reference (transcript-rebuilt; emitter-appended) ---
"""Pipeline reference for scband-gcn-45681272160854 (READ-ONLY COPY).

The authoritative reference and input builder live on the scoring server;
editing this copy changes nothing except your own understanding.
"""

import jax, jax.numpy as jnp
import numpy as np

N = 10000
E = 160000
NFEAT = 256
NHID = 512
NCLASS = 64


def setup_inputs(seed: int = 0) -> dict:
    key = jax.random.key(seed)
    ks = jax.random.split(key, 8)
    x = jax.random.normal(ks[0], (N, NFEAT), dtype=jnp.float32)
    edge_index = jax.random.randint(ks[1], (2, E), 0, N, dtype=jnp.int32)
    W1 = jax.random.normal(ks[2], (NFEAT, NHID), dtype=jnp.float32) * (1.0 / np.sqrt(NFEAT))
    b1 = jnp.zeros((NHID,), dtype=jnp.float32)
    W2 = jax.random.normal(ks[3], (NHID, NHID), dtype=jnp.float32) * (1.0 / np.sqrt(NHID))
    b2 = jnp.zeros((NHID,), dtype=jnp.float32)
    Wlin = jax.random.normal(ks[4], (NHID * 2, NCLASS), dtype=jnp.float32) * (1.0 / np.sqrt(NHID * 2))
    blin = jnp.zeros((NCLASS,), dtype=jnp.float32)
    return {"x": x, "edge_index": edge_index, "W1": W1, "b1": b1, "W2": W2, "b2": b2, "Wlin": Wlin, "blin": blin}


def gcn_conv(x, edge_index, W, b, num_nodes):
    # PyG GCNConv with add_self_loops=True, normalize=True, edge_weight=None
    src = edge_index[0]
    dst = edge_index[1]
    loop = jnp.arange(num_nodes, dtype=src.dtype)
    src = jnp.concatenate([src, loop])
    dst = jnp.concatenate([dst, loop])
    ew = jnp.ones((src.shape[0],), dtype=x.dtype)
    deg = jnp.zeros((num_nodes,), dtype=x.dtype).at[dst].add(ew)
    dinv = jnp.where(deg > 0, jax.lax.rsqrt(jnp.maximum(deg, 1e-12)), 0.0)
    norm = dinv[src] * ew * dinv[dst]
    h = x @ W
    msg = h[src] * norm[:, None]
    out = jnp.zeros((num_nodes, W.shape[1]), dtype=x.dtype).at[dst].add(msg)
    return out + b


def reference(x, edge_index, W1, b1, W2, b2, Wlin, blin):
    # layer 1
    h1 = jax.nn.relu(gcn_conv(x, edge_index, W1, b1, N))
    # dropout p=0.0 in eval -> identity
    # layer 2
    h2 = jax.nn.relu(gcn_conv(h1, edge_index, W2, b2, N))
    # res=True: concatenate per-layer embeddings
    h = jnp.concatenate([h1, h2], axis=-1)
    logits = h @ Wlin + blin
    return jax.nn.log_softmax(logits, axis=1)

if __name__ == "__main__":
    import jax
    _d = setup_inputs()
    print(jax.jit(kernel)(*tuple(_d.values())))

</pallas_src>

<mosaic_0001>
#map = affine_map<(d0, d1) -> (0, 0)>
#map1 = affine_map<(d0, d1) -> (0, 0, 0)>
#map2 = affine_map<(d0, d1) -> (0, 0, 0, 0)>
module attributes {stable_mosaic.version = 14 : i64} {
  func.func @_prop(%arg0: i32, %arg1: i32, %arg2: memref<10000x128xf32, #tpu.memory_space<hbm>>, %arg3: memref<10000x128xf32, #tpu.memory_space<hbm>>, %arg4: memref<10000x128xf32, #tpu.memory_space<hbm>>, %arg5: memref<10000x128xf32, #tpu.memory_space<hbm>>, %arg6: memref<32x40x128xi32, #tpu.memory_space<hbm>>, %arg7: memref<32x40x128xi32, #tpu.memory_space<hbm>>, %arg8: memref<640x128xf32, #tpu.memory_space<hbm>>, %arg9: memref<2x4x10240x128xf32, #tpu.memory_space<hbm>>, %arg10: memref<40x128xi32, #tpu.memory_space<vmem>>, %arg11: memref<40x128xi32, #tpu.memory_space<vmem>>, %arg12: memref<2x128x128xf32, #tpu.memory_space<vmem>>, %arg13: memref<10240x128xf32, #tpu.memory_space<vmem_shared>>, %arg14: memref<!tpu.dma_semaphore, #tpu.memory_space<semaphore_mem>>, %arg15: memref<!tpu.dma_semaphore, #tpu.memory_space<semaphore_mem>>, %arg16: memref<!tpu.dma_semaphore, #tpu.memory_space<semaphore_mem>>, %arg17: memref<!tpu.dma_semaphore, #tpu.memory_space<semaphore_mem>>) attributes {dimension_semantics = [#tpu.dimension_semantics<core_parallel>, #tpu.dimension_semantics<subcore_parallel>], iteration_bounds = array<i64: 2, 16>, scalar_prefetch = 0 : i64, scratch_operands = 8 : i64, tpu.core_type = #tpu.core_type<sc_vector_subcore>, window_params = [{transform_indices = #map}, {transform_indices = #map}, {transform_indices = #map}, {transform_indices = #map}, {transform_indices = #map1}, {transform_indices = #map1}, {transform_indices = #map}, {transform_indices = #map2}]} {
    %mul3A = arith.constant 2 : i32
    %mul3A_0 = arith.muli %arg1, %mul3A : i32
    %add3A = arith.addi %mul3A_0, %arg0 : i32
    "tpu.region"() ({
      %run_scoped3A_488 = tpu.sem_alloc : memref<!tpu.dma_semaphore, #tpu.memory_space<semaphore_mem>>
      %dma_start3A_489 = arith.constant 0 : i32
      %dma_start3A_490 = arith.constant 0 : i32
      %dma_start3A_491 = tpu.memref_slice %arg6[%add3A, %dma_start3A_489, %dma_start3A_490] : memref<32x40x128xi32, #tpu.memory_space<hbm>> -> memref<1x40x128xi32, #tpu.memory_space<hbm>>
      %dma_start3A_492 = tpu.memref_squeeze %dma_start3A_491 : memref<1x40x128xi32, #tpu.memory_space<hbm>> -> memref<40x128xi32, #tpu.memory_space<hbm>>
      %dma_start3A_493 = arith.constant 0 : i32
      %dma_start3A_494 = arith.constant 0 : i32
      %dma_start3A_495 = tpu.memref_slice %arg6[%add3A, %dma_start3A_493, %dma_start3A_494] : memref<32x40x128xi32, #tpu.memory_space<hbm>> -> memref<1x40x128xi32, #tpu.memory_space<hbm>>
      %dma_start3A_496 = tpu.memref_squeeze %dma_start3A_495 : memref<1x40x128xi32, #tpu.memory_space<hbm>> -> memref<40x128xi32, #tpu.memory_space<hbm>>
      tpu.enqueue_dma source(%dma_start3A_496 : memref<40x128xi32, #tpu.memory_space<hbm>>) target(%arg10 : memref<40x128xi32, #tpu.memory_space<vmem>>) target_semaphore(%run_scoped3A_488 : memref<!tpu.dma_semaphore, #tpu.memory_space<semaphore_mem>>)
      %dma_wait3A_497 = arith.constant 0 : i32
      %dma_wait3A_498 = arith.constant 0 : i32
      %dma_wait3A_499 = tpu.memref_slice %arg6[%add3A, %dma_wait3A_497, %dma_wait3A_498] : memref<32x40x128xi32, #tpu.memory_space<hbm>> -> memref<1x40x128xi32, #tpu.memory_space<hbm>>
      %dma_wait3A_500 = tpu.memref_squeeze %dma_wait3A_499 : memref<1x40x128xi32, #tpu.memory_space<hbm>> -> memref<40x128xi32, #tpu.memory_space<hbm>>
      %dma_wait3A_501 = arith.constant 0 : i32
      %dma_wait3A_502 = arith.constant 0 : i32
      %dma_wait3A_503 = tpu.memref_slice %arg6[%add3A, %dma_wait3A_501, %dma_wait3A_502] : memref<32x40x128xi32, #tpu.memory_space<hbm>> -> memref<1x40x128xi32, #tpu.memory_space<hbm>>
      %dma_wait3A_504 = tpu.memref_squeeze %dma_wait3A_503 : memref<1x40x128xi32, #tpu.memory_space<hbm>> -> memref<40x128xi32, #tpu.memory_space<hbm>>
      tpu.wait_dma2 semaphore(%run_scoped3A_488 : memref<!tpu.dma_semaphore, #tpu.memory_space<semaphore_mem>>) src(%dma_wait3A_504 : memref<40x128xi32, #tpu.memory_space<hbm>>) dst(%arg10 : memref<40x128xi32, #tpu.memory_space<vmem>>)
      tpu.yield
    }) : () -> ()
    "tpu.region"() ({
      %run_scoped3A_488 = tpu.sem_alloc : memref<!tpu.dma_semaphore, #tpu.memory_space<semaphore_mem>>
      %dma_start3A_489 = arith.constant 0 : i32
      %dma_start3A_490 = arith.constant 0 : i32
      %dma_start3A_491 = tpu.memref_slice %arg7[%add3A, %dma_start3A_489, %dma_start3A_490] : memref<32x40x128xi32, #tpu.memory_space<hbm>> -> memref<1x40x128xi32, #tpu.memory_space<hbm>>
      %dma_start3A_492 = tpu.memref_squeeze %dma_start3A_491 : memref<1x40x128xi32, #tpu.memory_space<hbm>> -> memref<40x128xi32, #tpu.memory_space<hbm>>
      %dma_start3A_493 = arith.constant 0 : i32
      %dma_start3A_494 = arith.constant 0 : i32
      %dma_start3A_495 = tpu.memref_slice %arg7[%add3A, %dma_start3A_493, %dma_start3A_494] : memref<32x40x128xi32, #tpu.memory_space<hbm>> -> memref<1x40x128xi32, #tpu.memory_space<hbm>>
      %dma_start3A_496 = tpu.memref_squeeze %dma_start3A_495 : memref<1x40x128xi32, #tpu.memory_space<hbm>> -> memref<40x128xi32, #tpu.memory_space<hbm>>
      tpu.enqueue_dma source(%dma_start3A_496 : memref<40x128xi32, #tpu.memory_space<hbm>>) target(%arg11 : memref<40x128xi32, #tpu.memory_space<vmem>>) target_semaphore(%run_scoped3A_488 : memref<!tpu.dma_semaphore, #tpu.memory_space<semaphore_mem>>)
      %dma_wait3A_497 = arith.constant 0 : i32
      %dma_wait3A_498 = arith.constant 0 : i32
      %dma_wait3A_499 = tpu.memref_slice %arg7[%add3A, %dma_wait3A_497, %dma_wait3A_498] : memref<32x40x128xi32, #tpu.memory_space<hbm>> -> memref<1x40x128xi32, #tpu.memory_space<hbm>>
      %dma_wait3A_500 = tpu.memref_squeeze %dma_wait3A_499 : memref<1x40x128xi32, #tpu.memory_space<hbm>> -> memref<40x128xi32, #tpu.memory_space<hbm>>
      %dma_wait3A_501 = arith.constant 0 : i32
      %dma_wait3A_502 = arith.constant 0 : i32
      %dma_wait3A_503 = tpu.memref_slice %arg7[%add3A, %dma_wait3A_501, %dma_wait3A_502] : memref<32x40x128xi32, #tpu.memory_space<hbm>> -> memref<1x40x128xi32, #tpu.memory_space<hbm>>
      %dma_wait3A_504 = tpu.memref_squeeze %dma_wait3A_503 : memref<1x40x128xi32, #tpu.memory_space<hbm>> -> memref<40x128xi32, #tpu.memory_space<hbm>>
      tpu.wait_dma2 semaphore(%run_scoped3A_488 : memref<!tpu.dma_semaphore, #tpu.memory_space<semaphore_mem>>) src(%dma_wait3A_504 : memref<40x128xi32, #tpu.memory_space<hbm>>) dst(%arg11 : memref<40x128xi32, #tpu.memory_space<vmem>>)
      tpu.yield
    }) : () -> ()
    %mul3A_1 = arith.constant 640 : i32
    %mul3A_2 = arith.muli %arg1, %mul3A_1 : i32
    "tpu.region"() ({
      %run_scoped3A_488 = tpu.sem_alloc : memref<!tpu.dma_semaphore, #tpu.memory_space<semaphore_mem>>
      %dma_start3A_489 = arith.constant 0 : i32
      %dma_start3A_490 = tpu.memref_slice %arg13[%mul3A_2, %dma_start3A_489] : memref<10240x128xf32, #tpu.memory_space<vmem_shared>> -> memref<640x128xf32, #tpu.memory_space<vmem_shared>>
      tpu.enqueue_dma source(%arg8 : memref<640x128xf32, #tpu.memory_space<hbm>>) target(%dma_start3A_490 : memref<640x128xf32, #tpu.memory_space<vmem_shared>>) target_semaphore(%run_scoped3A_488 : memref<!tpu.dma_semaphore, #tpu.memory_space<semaphore_mem>>)
      %dma_wait3A_491 = arith.constant 0 : i32
      %dma_wait3A_492 = tpu.memref_slice %arg13[%mul3A_2, %dma_wait3A_491] : memref<10240x128xf32, #tpu.memory_space<vmem_shared>> -> memref<640x128xf32, #tpu.memory_space<vmem_shared>>
      tpu.wait_dma2 semaphore(%run_scoped3A_488 : memref<!tpu.dma_semaphore, #tpu.memory_space<semaphore_mem>>) src(%arg8 : memref<640x128xf32, #tpu.memory_space<hbm>>) dst(%dma_wait3A_492 : memref<640x128xf32, #tpu.memory_space<vmem_shared>>)
      tpu.yield
    }) : () -> ()
    %dma_start3A = arith.constant 0 : i32
    %dma_start3A_3 = arith.constant 0 : i32
    %dma_start3A_4 = arith.constant 0 : i32
    %dma_start3A_5 = arith.constant 0 : i32
    %dma_start3A_6 = tpu.memref_slice %arg12[%dma_start3A_3, %dma_start3A_4, %dma_start3A_5] : memref<2x128x128xf32, #tpu.memory_space<vmem>> -> memref<1x128x128xf32, #tpu.memory_space<vmem>>
    %dma_start3A_7 = tpu.memref_squeeze %dma_start3A_6 : memref<1x128x128xf32, #tpu.memory_space<vmem>> -> memref<128x128xf32, #tpu.memory_space<vmem>>
    %dma_start3A_8 = arith.constant 0 : i32
    %dma_start3A_9 = tpu.memref_slice %arg10[%dma_start3A, %dma_start3A_8] : memref<40x128xi32, #tpu.memory_space<vmem>> -> memref<1x128xi32, #tpu.memory_space<vmem>>
    %dma_start3A_10 = tpu.memref_squeeze %dma_start3A_9 : memref<1x128xi32, #tpu.memory_space<vmem>> -> memref<128xi32, #tpu.memory_space<vmem>>
    %dma_start3A_11 = arith.constant 0 : i32
    %dma_start3A_12 = arith.constant 0 : i32
    %dma_start3A_13 = tpu.memref_slice %arg2[%dma_start3A_11, %dma_start3A_12] : memref<10000x128xf32, #tpu.memory_space<hbm>> -> memref<10000x128xf32, #tpu.memory_space<hbm>>
    tpu.enqueue_indirect_dma source(%dma_start3A_13 : memref<10000x128xf32, #tpu.memory_space<hbm>>) target(%dma_start3A_7 : memref<128x128xf32, #tpu.memory_space<vmem>>) offsets(%dma_start3A_10 : memref<128xi32, #tpu.memory_space<vmem>>) semaphore(%arg14 : memref<!tpu.dma_semaphore, #tpu.memory_space<semaphore_mem>>)
    %dma_start3A_14 = arith.constant 1 : i32
    %dma_start3A_15 = arith.constant 1 : i32
    %dma_start3A_16 = arith.constant 0 : i32
    %dma_start3A_17 = arith.constant 0 : i32
    %dma_start3A_18 = tpu.memref_slice %arg12[%dma_start3A_15, %dma_start3A_16, %dma_start3A_17] : memref<2x128x128xf32, #tpu.memory_space<vmem>> -> memref<1x128x128xf32, #tpu.memory_space<vmem>>
    %dma_start3A_19 = tpu.memref_squeeze %dma_start3A_18 : memref<1x128x128xf32, #tpu.memory_space<vmem>> -> memref<128x128xf32, #tpu.memory_space<vmem>>
    %dma_start3A_20 = arith.constant 0 : i32
    %dma_start3A_21 = tpu.memref_slice %arg10[%dma_start3A_14, %dma_start3A_20] : memref<40x128xi32, #tpu.memory_space<vmem>> -> memref<1x128xi32, #tpu.memory_space<vmem>>
    %dma_start3A_22 = tpu.memref_squeeze %dma_start3A_21 : memref<1x128xi32, #tpu.memory_space<vmem>> -> memref<128xi32, #tpu.memory_space<vmem>>
    %dma_start3A_23 = arith.constant 0 : i32
    %dma_start3A_24 = arith.constant 0 : i32
    %dma_start3A_25 = tpu.memref_slice %arg2[%dma_start3A_23, %dma_start3A_24] : memref<10000x128xf32, #tpu.memory_space<hbm>> -> memref<10000x128xf32, #tpu.memory_space<hbm>>
    tpu.enqueue_indirect_dma source(%dma_start3A_25 : memref<10000x128xf32, #tpu.memory_space<hbm>>) target(%dma_start3A_19 : memref<128x128xf32, #tpu.memory_space<vmem>>) offsets(%dma_start3A_22 : memref<128xi32, #tpu.memory_space<vmem>>) semaphore(%arg15 : memref<!tpu.dma_semaphore, #tpu.memory_space<semaphore_mem>>)
    %barrier3A = arith.constant 0 : index
    tpu.barrier barrier_id(%barrier3A)
    %scan3A = arith.constant 0 : i32
    %scan3A_26 = arith.constant 0 : i32
    %scan3A_27 = arith.constant 19 : i32
    %scan3A_28 = arith.addi %scan3A_26, %scan3A_27 : i32
    %scan3A_29 = arith.constant 1 : i32
    scf.for %scan3A_488 = %scan3A_26 to %scan3A_28 step %scan3A_29  : i32 {
      %mul3A_489 = arith.constant 2 : i32
      %mul3A_490 = arith.muli %scan3A_488, %mul3A_489 : i32
      %dma_wait3A_491 = arith.constant 0 : i32
      %dma_wait3A_492 = arith.constant 0 : i32
      %dma_wait3A_493 = arith.constant 0 : i32
      %dma_wait3A_494 = tpu.memref_slice %arg12[%dma_wait3A_491, %dma_wait3A_492, %dma_wait3A_493] : memref<2x128x128xf32, #tpu.memory_space<vmem>> -> memref<1x128x128xf32, #tpu.memory_space<vmem>>
      %dma_wait3A_495 = tpu.memref_squeeze %dma_wait3A_494 : memref<1x128x128xf32, #tpu.memory_space<vmem>> -> memref<128x128xf32, #tpu.memory_space<vmem>>
      %dma_wait3A_496 = arith.constant 0 : i32
      %dma_wait3A_497 = arith.constant 0 : i32
      %dma_wait3A_498 = tpu.memref_slice %arg8[%dma_wait3A_496, %dma_wait3A_497] : memref<640x128xf32, #tpu.memory_space<hbm>> -> memref<128x128xf32, #tpu.memory_space<hbm>>
      %dma_wait3A_499 = arith.constant 0 : i32
      %dma_wait3A_500 = arith.constant 0 : i32
      %dma_wait3A_501 = tpu.memref_slice %arg12[%dma_wait3A_491, %dma_wait3A_499, %dma_wait3A_500] : memref<2x128x128xf32, #tpu.memory_space<vmem>> -> memref<1x128x128xf32, #tpu.memory_space<vmem>>
      %dma_wait3A_502 = tpu.memref_squeeze %dma_wait3A_501 : memref<1x128x128xf32, #tpu.memory_space<vmem>> -> memref<128x128xf32, #tpu.memory_space<vmem>>
      %dma_wait3A_503 = arith.constant 0 : i32
      %dma_wait3A_504 = arith.constant 0 : i32
      %dma_wait3A_505 = tpu.memref_slice %arg8[%dma_wait3A_503, %dma_wait3A_504] : memref<640x128xf32, #tpu.memory_space<hbm>> -> memref<128x128xf32, #tpu.memory_space<hbm>>
      tpu.wait_dma2 semaphore(%arg14 : memref<!tpu.dma_semaphore, #tpu.memory_space<semaphore_mem>>) src(%dma_wait3A_505 : memref<128x128xf32, #tpu.memory_space<hbm>>) dst(%dma_wait3A_502 : memref<128x128xf32, #tpu.memory_space<vmem>>)
      %add3A_506 = arith.constant 0 : i32
      %add3A_507 = arith.addi %mul3A_490, %add3A_506 : i32
      %dma_start3A_508 = arith.constant 0 : i32
      %dma_start3A_509 = arith.constant 0 : i32
      %dma_start3A_510 = arith.constant 0 : i32
      %dma_start3A_511 = tpu.memref_slice %arg12[%dma_start3A_508, %dma_start3A_509, %dma_start3A_510] : memref<2x128x128xf32, #tpu.memory_space<vmem>> -> memref<1x128x128xf32, #tpu.memory_space<vmem>>
      %dma_start3A_512 = tpu.memref_squeeze %dma_start3A_511 : memref<1x128x128xf32, #tpu.memory_space<vmem>> -> memref<128x128xf32, #tpu.memory_space<vmem>>
      %dma_start3A_513 = arith.constant 0 : i32
      %dma_start3A_514 = tpu.memref_slice %arg11[%add3A_507, %dma_start3A_513] : memref<40x128xi32, #tpu.memory_space<vmem>> -> memref<1x128xi32, #tpu.memory_space<vmem>>
      %dma_start3A_515 = tpu.memref_squeeze %dma_start3A_514 : memref<1x128xi32, #tpu.memory_space<vmem>> -> memref<128xi32, #tpu.memory_space<vmem>>
      %dma_start3A_516 = arith.constant 0 : i32
      %dma_start3A_517 = arith.constant 0 : i32
      %dma_start3A_518 = tpu.memref_slice %arg13[%dma_start3A_516, %dma_start3A_517] : memref<10240x128xf32, #tpu.memory_space<vmem_shared>> -> memref<10240x128xf32, #tpu.memory_space<vmem_shared>>
      tpu.enqueue_indirect_dma source(%dma_start3A_512 : memref<128x128xf32, #tpu.memory_space<vmem>>) target(%dma_start3A_518 : memref<10240x128xf32, #tpu.memory_space<vmem_shared>>) offsets(%dma_start3A_515 : memref<128xi32, #tpu.memory_space<vmem>>) semaphore(%arg16 : memref<!tpu.dma_semaphore, #tpu.memory_space<semaphore_mem>>) {add = true}
      %dma_wait3A_519 = arith.constant 0 : i32
      %dma_wait3A_520 = arith.constant 0 : i32
      %dma_wait3A_521 = arith.constant 0 : i32
      %dma_wait3A_522 = tpu.memref_slice %arg12[%dma_wait3A_519, %dma_wait3A_520, %dma_wait3A_521] : memref<2x128x128xf32, #tpu.memory_space<vmem>> -> memref<1x128x128xf32, #tpu.memory_space<vmem>>
      %dma_wait3A_523 = tpu.memref_squeeze %dma_wait3A_522 : memref<1x128x128xf32, #tpu.memory_space<vmem>> -> memref<128x128xf32, #tpu.memory_space<vmem>>
      %dma_wait3A_524 = arith.constant 0 : i32
      %dma_wait3A_525 = arith.constant 0 : i32
      %dma_wait3A_526 = tpu.memref_slice %arg8[%dma_wait3A_524, %dma_wait3A_525] : memref<640x128xf32, #tpu.memory_space<hbm>> -> memref<128x128xf32, #tpu.memory_space<hbm>>
      %dma_wait3A_527 = arith.constant 0 : i32
      %dma_wait3A_528 = arith.constant 0 : i32
      %dma_wait3A_529 = tpu.memref_slice %arg12[%dma_wait3A_519, %dma_wait3A_527, %dma_wait3A_528] : memref<2x128x128xf32, #tpu.memory_space<vmem>> -> memref<1x128x128xf32, #tpu.memory_space<vmem>>
      %dma_wait3A_530 = tpu.memref_squeeze %dma_wait3A_529 : memref<1x128x128xf32, #tpu.memory_space<vmem>> -> memref<128x128xf32, #tpu.memory_space<vmem>>
      %dma_wait3A_531 = arith.constant 0 : i32
      %dma_wait3A_532 = arith.constant 0 : i32
      %dma_wait3A_533 = tpu.memref_slice %arg8[%dma_wait3A_531, %dma_wait3A_532] : memref<640x128xf32, #tpu.memory_space<hbm>> -> memref<128x128xf32, #tpu.memory_space<hbm>>
      tpu.wait_dma2 semaphore(%arg16 : memref<!tpu.dma_semaphore, #tpu.memory_space<semaphore_mem>>) src(%dma_wait3A_533 : memref<128x128xf32, #tpu.memory_space<hbm>>) dst(%dma_wait3A_530 : memref<128x128xf32, #tpu.memory_space<vmem>>)
      %add3A_534 = arith.constant 0 : i32
      %add3A_535 = arith.addi %mul3A_490, %add3A_534 : i32
      %add3A_536 = arith.constant 2 : i32
      %add3A_537 = arith.addi %add3A_535, %add3A_536 : i32
      %dma_start3A_538 = arith.constant 0 : i32
      %dma_start3A_539 = arith.constant 0 : i32
      %dma_start3A_540 = arith.constant 0 : i32
      %dma_start3A_541 = tpu.memref_slice %arg12[%dma_start3A_538, %dma_start3A_539, %dma_start3A_540] : memref<2x128x128xf32, #tpu.memory_space<vmem>> -> memref<1x128x128xf32, #tpu.memory_space<vmem>>
      %dma_start3A_542 = tpu.memref_squeeze %dma_start3A_541 : memref<1x128x128xf32, #tpu.memory_space<vmem>> -> memref<128x128xf32, #tpu.memory_space<vmem>>
      %dma_start3A_543 = arith.constant 0 : i32
      %dma_start3A_544 = tpu.memref_slice %arg10[%add3A_537, %dma_start3A_543] : memref<40x128xi32, #tpu.memory_space<vmem>> -> memref<1x128xi32, #tpu.memory_space<vmem>>
      %dma_start3A_545 = tpu.memref_squeeze %dma_start3A_544 : memref<1x128xi32, #tpu.memory_space<vmem>> -> memref<128xi32, #tpu.memory_space<vmem>>
      %dma_start3A_546 = arith.constant 0 : i32
      %dma_start3A_547 = arith.constant 0 : i32
      %dma_start3A_548 = tpu.memref_slice %arg2[%dma_start3A_546, %dma_start3A_547] : memref<10000x128xf32, #tpu.memory_space<hbm>> -> memref<10000x128xf32, #tpu.memory_space<hbm>>
      tpu.enqueue_indirect_dma source(%dma_start3A_548 : memref<10000x128xf32, #tpu.memory_space<hbm>>) target(%dma_start3A_542 : memref<128x128xf32, #tpu.memory_space<vmem>>) offsets(%dma_start3A_545 : memref<128xi32, #tpu.memory_space<vmem>>) semaphore(%arg14 : memref<!tpu.dma_semaphore, #tpu.memory_space<semaphore_mem>>)
      %dma_wait3A_549 = arith.constant 1 : i32
      %dma_wait3A_550 = arith.constant 0 : i32
      %dma_wait3A_551 = arith.constant 0 : i32
      %dma_wait3A_552 = tpu.memref_slice %arg12[%dma_wait3A_549, %dma_wait3A_550, %dma_wait3A_551] : memref<2x128x128xf32, #tpu.memory_space<vmem>> -> memref<1x128x128xf32, #tpu.memory_space<vmem>>
      %dma_wait3A_553 = tpu.memref_squeeze %dma_wait3A_552 : memref<1x128x128xf32, #tpu.memory_space<vmem>> -> memref<128x128xf32, #tpu.memory_space<vmem>>
      %dma_wait3A_554 = arith.constant 0 : i32
      %dma_wait3A_555 = arith.constant 0 : i32
      %dma_wait3A_556 = tpu.memref_slice %arg8[%dma_wait3A_554, %dma_wait3A_555] : memref<640x128xf32, #tpu.memory_space<hbm>> -> memref<128x128xf32, #tpu.memory_space<hbm>>
      %dma_wait3A_557 = arith.constant 0 : i32
      %dma_wait3A_558 = arith.constant 0 : i32
      %dma_wait3A_559 = tpu.memref_slice %arg12[%dma_wait3A_549, %dma_wait3A_557, %dma_wait3A_558] : memref<2x128x128xf32, #tpu.memory_space<vmem>> -> memref<1x128x128xf32, #tpu.memory_space<vmem>>
      %dma_wait3A_560 = tpu.memref_squeeze %dma_wait3A_559 : memref<1x128x128xf32, #tpu.memory_space<vmem>> -> memref<128x128xf32, #tpu.memory_space<vmem>>
      %dma_wait3A_561 = arith.constant 0 : i32
      %dma_wait3A_562 = arith.constant 0 : i32
      %dma_wait3A_563 = tpu.memref_slice %arg8[%dma_wait3A_561, %dma_wait3A_562] : memref<640x128xf32, #tpu.memory_space<hbm>> -> memref<128x128xf32, #tpu.memory_space<hbm>>
      tpu.wait_dma2 semaphore(%arg15 : memref<!tpu.dma_semaphore, #tpu.memory_space<semaphore_mem>>) src(%dma_wait3A_563 : memref<128x128xf32, #tpu.memory_space<hbm>>) dst(%dma_wait3A_560 : memref<128x128xf32, #tpu.memory_space<vmem>>)
      %add3A_564 = arith.constant 1 : i32
      %add3A_565 = arith.addi %mul3A_490, %add3A_564 : i32
      %dma_start3A_566 = arith.constant 1 : i32
      %dma_start3A_567 = arith.constant 0 : i32
      %dma_start3A_568 = arith.constant 0 : i32
      %dma_start3A_569 = tpu.memref_slice %arg12[%dma_start3A_566, %dma_start3A_567, %dma_start3A_568] : memref<2x128x128xf32, #tpu.memory_space<vmem>> -> memref<1x128x128xf32, #tpu.memory_space<vmem>>
      %dma_start3A_570 = tpu.memref_squeeze %dma_start3A_569 : memref<1x128x128xf32, #tpu.memory_space<vmem>> -> memref<128x128xf32, #tpu.memory_space<vmem>>
      %dma_start3A_571 = arith.constant 0 : i32
      %dma_start3A_572 = tpu.memref_slice %arg11[%add3A_565, %dma_start3A_571] : memref<40x128xi32, #tpu.memory_space<vmem>> -> memref<1x128xi32, #tpu.memory_space<vmem>>
      %dma_start3A_573 = tpu.memref_squeeze %dma_start3A_572 : memref<1x128xi32, #tpu.memory_space<vmem>> -> memref<128xi32, #tpu.memory_space<vmem>>
      %dma_start3A_574 = arith.constant 0 : i32
      %dma_start3A_575 = arith.constant 0 : i32
      %dma_start3A_576 = tpu.memref_slice %arg13[%dma_start3A_574, %dma_start3A_575] : memref<10240x128xf32, #tpu.memory_space<vmem_shared>> -> memref<10240x128xf32, #tpu.memory_space<vmem_shared>>
      tpu.enqueue_indirect_dma source(%dma_start3A_570 : memref<128x128xf32, #tpu.memory_space<vmem>>) target(%dma_start3A_576 : memref<10240x128xf32, #tpu.memory_space<vmem_shared>>) offsets(%dma_start3A_573 : memref<128xi32, #tpu.memory_space<vmem>>) semaphore(%arg17 : memref<!tpu.dma_semaphore, #tpu.memory_space<semaphore_mem>>) {add = true}
      %dma_wait3A_577 = arith.constant 1 : i32
      %dma_wait3A_578 = arith.constant 0 : i32
      %dma_wait3A_579 = arith.constant 0 : i32
      %dma_wait3A_580 = tpu.memref_slice %arg12[%dma_wait3A_577, %dma_wait3A_578, %dma_wait3A_579] : memref<2x128x128xf32, #tpu.memory_space<vmem>> -> memref<1x128x128xf32, #tpu.memory_space<vmem>>
      %dma_wait3A_581 = tpu.memref_squeeze %dma_wait3A_580 : memref<1x128x128xf32, #tpu.memory_space<vmem>> -> memref<128x128xf32, #tpu.memory_space<vmem>>
      %dma_wait3A_582 = arith.constant 0 : i32
      %dma_wait3A_583 = arith.constant 0 : i32
      %dma_wait3A_584 = tpu.memref_slice %arg8[%dma_wait3A_582, %dma_wait3A_583] : memref<640x128xf32, #tpu.memory_space<hbm>> -> memref<128x128xf32, #tpu.memory_space<hbm>>
      %dma_wait3A_585 = arith.constant 0 : i32
      %dma_wait3A_586 = arith.constant 0 : i32
      %dma_wait3A_587 = tpu.memref_slice %arg12[%dma_wait3A_577, %dma_wait3A_585, %dma_wait3A_586] : memref<2x128x128xf32, #tpu.memory_space<vmem>> -> memref<1x128x128xf32, #tpu.memory_space<vmem>>
      %dma_wait3A_588 = tpu.memref_squeeze %dma_wait3A_587 : memref<1x128x128xf32, #tpu.memory_space<vmem>> -> memref<128x128xf32, #tpu.memory_space<vmem>>
      %dma_wait3A_589 = arith.constant 0 : i32
      %dma_wait3A_590 = arith.constant 0 : i32
      %dma_wait3A_591 = tpu.memref_slice %arg8[%dma_wait3A_589, %dma_wait3A_590] : memref<640x128xf32, #tpu.memory_space<hbm>> -> memref<128x128xf32, #tpu.memory_space<hbm>>
      tpu.wait_dma2 semaphore(%arg17 : memref<!tpu.dma_semaphore, #tpu.memory_space<semaphore_mem>>) src(%dma_wait3A_591 : memref<128x128xf32, #tpu.memory_space<hbm>>) dst(%dma_wait3A_588 : memref<128x128xf32, #tpu.memory_space<vmem>>)
      %add3A_592 = arith.constant 1 : i32
      %add3A_593 = arith.addi %mul3A_490, %add3A_592 : i32
      %add3A_594 = arith.constant 2 : i32
      %add3A_595 = arith.addi %add3A_593, %add3A_594 : i32
      %dma_start3A_596 = arith.constant 1 : i32
      %dma_start3A_597 = arith.constant 0 : i32
      %dma_start3A_598 = arith.constant 0 : i32
      %dma_start3A_599 = tpu.memref_slice %arg12[%dma_start3A_596, %dma_start3A_597, %dma_start3A_598] : memref<2x128x128xf32, #tpu.memory_space<vmem>> -> memref<1x128x128xf32, #tpu.memory_space<vmem>>
      %dma_start3A_600 = tpu.memref_squeeze %dma_start3A_599 : memref<1x128x128xf32, #tpu.memory_space<vmem>> -> memref<128x128xf32, #tpu.memory_space<vmem>>
      %dma_start3A_601 = arith.constant 0 : i32
      %dma_start3A_602 = tpu.memref_slice %arg10[%add3A_595, %dma_start3A_601] : memref<40x128xi32, #tpu.memory_space<vmem>> -> memref<1x128xi32, #tpu.memory_space<vmem>>
      %dma_start3A_603 = tpu.memref_squeeze %dma_start3A_602 : memref<1x128xi32, #tpu.memory_space<vmem>> -> memref<128xi32, #tpu.memory_space<vmem>>
      %dma_start3A_604 = arith.constant 0 : i32
      %dma_start3A_605 = arith.constant 0 : i32
      %dma_start3A_606 = tpu.memref_slice %arg2[%dma_start3A_604, %dma_start3A_605] : memref<10000x128xf32, #tpu.memory_space<hbm>> -> memref<10000x128xf32, #tpu.memory_space<hbm>>
      tpu.enqueue_indirect_dma source(%dma_start3A_606 : memref<10000x128xf32, #tpu.memory_space<hbm>>) target(%dma_start3A_600 : memref<128x128xf32, #tpu.memory_space<vmem>>) offsets(%dma_start3A_603 : memref<128xi32, #tpu.memory_space<vmem>>) semaphore(%arg15 : memref<!tpu.dma_semaphore, #tpu.memory_space<semaphore_mem>>)
    }
    %scan3A_30 = arith.constant 19 : i32
    %dma_wait3A = arith.constant 0 : i32
    %dma_wait3A_31 = arith.constant 0 : i32
    %dma_wait3A_32 = arith.constant 0 : i32
    %dma_wait3A_33 = tpu.memref_slice %arg12[%dma_wait3A, %dma_wait3A_31, %dma_wait3A_32] : memref<2x128x128xf32, #tpu.memory_space<vmem>> -> memref<1x128x128xf32, #tpu.memory_space<vmem>>
    %dma_wait3A_34 = tpu.memref_squeeze %dma_wait3A_33 : memref<1x128x128xf32, #tpu.memory_space<vmem>> -> memref<128x128xf32, #tpu.memory_space<vmem>>
    %dma_wait3A_35 = arith.constant 0 : i32
    %dma_wait3A_36 = arith.constant 0 : i32
    %dma_wait3A_37 = tpu.memref_slice %arg8[%dma_wait3A_35, %dma_wait3A_36] : memref<640x128xf32, #tpu.memory_space<hbm>> -> memref<128x128xf32, #tpu.memory_space<hbm>>
    %dma_wait3A_38 = arith.constant 0 : i32
    %dma_wait3A_39 = arith.constant 0 : i32
    %dma_wait3A_40 = tpu.memref_slice %arg12[%dma_wait3A, %dma_wait3A_38, %dma_wait3A_39] : memref<2x128x128xf32, #tpu.memory_space<vmem>> -> memref<1x128x128xf32, #tpu.memory_space<vmem>>
    %dma_wait3A_41 = tpu.memref_squeeze %dma_wait3A_40 : memref<1x128x128xf32, #tpu.memory_space<vmem>> -> memref<128x128xf32, #tpu.memory_space<vmem>>
    %dma_wait3A_42 = arith.constant 0 : i32
    %dma_wait3A_43 = arith.constant 0 : i32
    %dma_wait3A_44 = tpu.memref_slice %arg8[%dma_wait3A_42, %dma_wait3A_43] : memref<640x128xf32, #tpu.memory_space<hbm>> -> memref<128x128xf32, #tpu.memory_space<hbm>>
    tpu.wait_dma2 semaphore(%arg14 : memref<!tpu.dma_semaphore, #tpu.memory_space<semaphore_mem>>) src(%dma_wait3A_44 : memref<128x128xf32, #tpu.memory_space<hbm>>) dst(%dma_wait3A_41 : memref<128x128xf32, #tpu.memory_space<vmem>>)
    %dma_start3A_45 = arith.constant 0 : i32
    %dma_start3A_46 = arith.constant 38 : i32
    %dma_start3A_47 = arith.constant 0 : i32
    %dma_start3A_48 = arith.constant 0 : i32
    %dma_start3A_49 = tpu.memref_slice %arg12[%dma_start3A_45, %dma_start3A_47, %dma_start3A_48] : memref<2x128x128xf32, #tpu.memory_space<vmem>> -> memref<1x128x128xf32, #tpu.memory_space<vmem>>
    %dma_start3A_50 = tpu.memref_squeeze %dma_start3A_49 : memref<1x128x128xf32, #tpu.memory_space<vmem>> -> memref<128x128xf32, #tpu.memory_space<vmem>>
    %dma_start3A_51 = arith.constant 0 : i32
    %dma_start3A_52 = tpu.memref_slice %arg11[%dma_start3A_46, %dma_start3A_51] : memref<40x128xi32, #tpu.memory_space<vmem>> -> memref<1x128xi32, #tpu.memory_space<vmem>>
    %dma_start3A_53 = tpu.memref_squeeze %dma_start3A_52 : memref<1x128xi32, #tpu.memory_space<vmem>> -> memref<128xi32, #tpu.memory_space<vmem>>
    %dma_start3A_54 = arith.constant 0 : i32
    %dma_start3A_55 = arith.constant 0 : i32
    %dma_start3A_56 = tpu.memref_slice %arg13[%dma_start3A_54, %dma_start3A_55] : memref<10240x128xf32, #tpu.memory_space<vmem_shared>> -> memref<10240x128xf32, #tpu.memory_space<vmem_shared>>
    tpu.enqueue_indirect_dma source(%dma_start3A_50 : memref<128x128xf32, #tpu.memory_space<vmem>>) target(%dma_start3A_56 : memref<10240x128xf32, #tpu.memory_space<vmem_shared>>) offsets(%dma_start3A_53 : memref<128xi32, #tpu.memory_space<vmem>>) semaphore(%arg16 : memref<!tpu.dma_semaphore, #tpu.memory_space<semaphore_mem>>) {add = true}
    %dma_wait3A_57 = arith.constant 0 : i32
    %dma_wait3A_58 = arith.constant 0 : i32
    %dma_wait3A_59 = arith.constant 0 : i32
    %dma_wait3A_60 = tpu.memref_slice %arg12[%dma_wait3A_57, %dma_wait3A_58, %dma_wait3A_59] : memref<2x128x128xf32, #tpu.memory_space<vmem>> -> memref<1x128x128xf32, #tpu.memory_space<vmem>>
    %dma_wait3A_61 = tpu.memref_squeeze %dma_wait3A_60 : memref<1x128x128xf32, #tpu.memory_space<vmem>> -> memref<128x128xf32, #tpu.memory_space<vmem>>
    %dma_wait3A_62 = arith.constant 0 : i32
    %dma_wait3A_63 = arith.constant 0 : i32
    %dma_wait3A_64 = tpu.memref_slice %arg8[%dma_wait3A_62, %dma_wait3A_63] : memref<640x128xf32, #tpu.memory_space<hbm>> -> memref<128x128xf32, #tpu.memory_space<hbm>>
    %dma_wait3A_65 = arith.constant 0 : i32
    %dma_wait3A_66 = arith.constant 0 : i32
    %dma_wait3A_67 = tpu.memref_slice %arg12[%dma_wait3A_57, %dma_wait3A_65, %dma_wait3A_66] : memref<2x128x128xf32, #tpu.memory_space<vmem>> -> memref<1x128x128xf32, #tpu.memory_space<vmem>>
    %dma_wait3A_68 = tpu.memref_squeeze %dma_wait3A_67 : memref<1x128x128xf32, #tpu.memory_space<vmem>> -> memref<128x128xf32, #tpu.memory_space<vmem>>
    %dma_wait3A_69 = arith.constant 0 : i32
    %dma_wait3A_70 = arith.constant 0 : i32
    %dma_wait3A_71 = tpu.memref_slice %arg8[%dma_wait3A_69, %dma_wait3A_70] : memref<640x128xf32, #tpu.memory_space<hbm>> -> memref<128x128xf32, #tpu.memory_space<hbm>>
    tpu.wait_dma2 semaphore(%arg16 : memref<!tpu.dma_semaphore, #tpu.memory_space<semaphore_mem>>) src(%dma_wait3A_71 : memref<128x128xf32, #tpu.memory_space<hbm>>) dst(%dma_wait3A_68 : memref<128x128xf32, #tpu.memory_space<vmem>>)
    %dma_wait3A_72 = arith.constant 1 : i32
    %dma_wait3A_73 = arith.constant 0 : i32
    %dma_wait3A_74 = arith.constant 0 : i32
    %dma_wait3A_75 = tpu.memref_slice %arg12[%dma_wait3A_72, %dma_wait3A_73, %dma_wait3A_74] : memref<2x128x128xf32, #tpu.memory_space<vmem>> -> memref<1x128x128xf32, #tpu.memory_space<vmem>>
    %dma_wait3A_76 = tpu.memref_squeeze %dma_wait3A_75 : memref<1x128x128xf32, #tpu.memory_space<vmem>> -> memref<128x128xf32, #tpu.memory_space<vmem>>
    %dma_wait3A_77 = arith.constant 0 : i32
    %dma_wait3A_78 = arith.constant 0 : i32
    %dma_wait3A_79 = tpu.memref_slice %arg8[%dma_wait3A_77, %dma_wait3A_78] : memref<640x128xf32, #tpu.memory_space<hbm>> -> memref<128x128xf32, #tpu.memory_space<hbm>>
    %dma_wait3A_80 = arith.constant 0 : i32
    %dma_wait3A_81 = arith.constant 0 : i32
    %dma_wait3A_82 = tpu.memref_slice %arg12[%dma_wait3A_72, %dma_wait3A_80, %dma_wait3A_81] : memref<2x128x128xf32, #tpu.memory_space<vmem>> -> memref<1x128x128xf32, #tpu.memory_space<vmem>>
    %dma_wait3A_83 = tpu.memref_squeeze %dma_wait3A_82 : memref<1x128x128xf32, #tpu.memory_space<vmem>> -> memref<128x128xf32, #tpu.memory_space<vmem>>
    %dma_wait3A_84 = arith.constant 0 : i32
    %dma_wait3A_85 = arith.constant 0 : i32
    %dma_wait3A_86 = tpu.memref_slice %arg8[%dma_wait3A_84, %dma_wait3A_85] : memref<640x128xf32, #tpu.memory_space<hbm>> -> memref<128x128xf32, #tpu.memory_space<hbm>>
    tpu.wait_dma2 semaphore(%arg15 : memref<!tpu.dma_semaphore, #tpu.memory_space<semaphore_mem>>) src(%dma_wait3A_86 : memref<128x128xf32, #tpu.memory_space<hbm>>) dst(%dma_wait3A_83 : memref<128x128xf32, #tpu.memory_space<vmem>>)
    %dma_start3A_87 = arith.constant 1 : i32
    %dma_start3A_88 = arith.constant 39 : i32
    %dma_start3A_89 = arith.constant 0 : i32
    %dma_start3A_90 = arith.constant 0 : i32
    %dma_start3A_91 = tpu.memref_slice %arg12[%dma_start3A_87, %dma_start3A_89, %dma_start3A_90] : memref<2x128x128xf32, #tpu.memory_space<vmem>> -> memref<1x128x128xf32, #tpu.memory_space<vmem>>
    %dma_start3A_92 = tpu.memref_squeeze %dma_start3A_91 : memref<1x128x128xf32, #tpu.memory_space<vmem>> -> memref<128x128xf32, #tpu.memory_space<vmem>>
    %dma_start3A_93 = arith.constant 0 : i32
    %dma_start3A_94 = tpu.memref_slice %arg11[%dma_start3A_88, %dma_start3A_93] : memref<40x128xi32, #tpu.memory_space<vmem>> -> memref<1x128xi32, #tpu.memory_space<vmem>>
    %dma_start3A_95 = tpu.memref_squeeze %dma_start3A_94 : memref<1x128xi32, #tpu.memory_space<vmem>> -> memref<128xi32, #tpu.memory_space<vmem>>
    %dma_start3A_96 = arith.constant 0 : i32
    %dma_start3A_97 = arith.constant 0 : i32
    %dma_start3A_98 = tpu.memref_slice %arg13[%dma_start3A_96, %dma_start3A_97] : memref<10240x128xf32, #tpu.memory_space<vmem_shared>> -> memref<10240x128xf32, #tpu.memory_space<vmem_shared>>
    tpu.enqueue_indirect_dma source(%dma_start3A_92 : memref<128x128xf32, #tpu.memory_space<vmem>>) target(%dma_start3A_98 : memref<10240x128xf32, #tpu.memory_space<vmem_shared>>) offsets(%dma_start3A_95 : memref<128xi32, #tpu.memory_space<vmem>>) semaphore(%arg17 : memref<!tpu.dma_semaphore, #tpu.memory_space<semaphore_mem>>) {add = true}
    %dma_wait3A_99 = arith.constant 1 : i32
    %dma_wait3A_100 = arith.constant 0 : i32
    %dma_wait3A_101 = arith.constant 0 : i32
    %dma_wait3A_102 = tpu.memref_slice %arg12[%dma_wait3A_99, %dma_wait3A_100, %dma_wait3A_101] : memref<2x128x128xf32, #tpu.memory_space<vmem>> -> memref<1x128x128xf32, #tpu.memory_space<vmem>>
    %dma_wait3A_103 = tpu.memref_squeeze %dma_wait3A_102 : memref<1x128x128xf32, #tpu.memory_space<vmem>> -> memref<128x128xf32, #tpu.memory_space<vmem>>
    %dma_wait3A_104 = arith.constant 0 : i32
    %dma_wait3A_105 = arith.constant 0 : i32
    %dma_wait3A_106 = tpu.memref_slice %arg8[%dma_wait3A_104, %dma_wait3A_105] : memref<640x128xf32, #tpu.memory_space<hbm>> -> memref<128x128xf32, #tpu.memory_space<hbm>>
    %dma_wait3A_107 = arith.constant 0 : i32
    %dma_wait3A_108 = arith.constant 0 : i32
    %dma_wait3A_109 = tpu.memref_slice %arg12[%dma_wait3A_99, %dma_wait3A_107, %dma_wait3A_108] : memref<2x128x128xf32, #tpu.memory_space<vmem>> -> memref<1x128x128xf32, #tpu.memory_space<vmem>>
    %dma_wait3A_110 = tpu.memref_squeeze %dma_wait3A_109 : memref<1x128x128xf32, #tpu.memory_space<vmem>> -> memref<128x128xf32, #tpu.memory_space<vmem>>
    %dma_wait3A_111 = arith.constant 0 : i32
    %dma_wait3A_112 = arith.constant 0 : i32
    %dma_wait3A_113 = tpu.memref_slice %arg8[%dma_wait3A_111, %dma_wait3A_112] : memref<640x128xf32, #tpu.memory_space<hbm>> -> memref<128x128xf32, #tpu.memory_space<hbm>>
    tpu.wait_dma2 semaphore(%arg17 : memref<!tpu.dma_semaphore, #tpu.memory_space<semaphore_mem>>) src(%dma_wait3A_113 : memref<128x128xf32, #tpu.memory_space<hbm>>) dst(%dma_wait3A_110 : memref<128x128xf32, #tpu.memory_space<vmem>>)
    %dma_start3A_114 = arith.constant 0 : i32
    %dma_start3A_115 = arith.constant 0 : i32
    %dma_start3A_116 = arith.constant 0 : i32
    %dma_start3A_117 = arith.constant 0 : i32
    %dma_start3A_118 = tpu.memref_slice %arg12[%dma_start3A_115, %dma_start3A_116, %dma_start3A_117] : memref<2x128x128xf32, #tpu.memory_space<vmem>> -> memref<1x128x128xf32, #tpu.memory_space<vmem>>
    %dma_start3A_119 = tpu.memref_squeeze %dma_start3A_118 : memref<1x128x128xf32, #tpu.memory_space<vmem>> -> memref<128x128xf32, #tpu.memory_space<vmem>>
    %dma_start3A_120 = arith.constant 0 : i32
    %dma_start3A_121 = tpu.memref_slice %arg10[%dma_start3A_114, %dma_start3A_120] : memref<40x128xi32, #tpu.memory_space<vmem>> -> memref<1x128xi32, #tpu.memory_space<vmem>>
    %dma_start3A_122 = tpu.memref_squeeze %dma_start3A_121 : memref<1x128xi32, #tpu.memory_space<vmem>> -> memref<128xi32, #tpu.memory_space<vmem>>
    %dma_start3A_123 = arith.constant 0 : i32
    %dma_start3A_124 = arith.constant 0 : i32
    %dma_start3A_125 = tpu.memref_slice %arg3[%dma_start3A_123, %dma_start3A_124] : memref<10000x128xf32, #tpu.memory_space<hbm>> -> memref<10000x128xf32, #tpu.memory_space<hbm>>
    tpu.enqueue_indirect_dma source(%dma_start3A_125 : memref<10000x128xf32, #tpu.memory_space<hbm>>) target(%dma_start3A_119 : memref<128x128xf32, #tpu.memory_space<vmem>>) offsets(%dma_start3A_122 : memref<128xi32, #tpu.memory_space<vmem>>) semaphore(%arg14 : memref<!tpu.dma_semaphore, #tpu.memory_space<semaphore_mem>>)
    %dma_start3A_126 = arith.constant 1 : i32
    %dma_start3A_127 = arith.constant 1 : i32
    %dma_start3A_128 = arith.constant 0 : i32
    %dma_start3A_129 = arith.constant 0 : i32
    %dma_start3A_130 = tpu.memref_slice %arg12[%dma_start3A_127, %dma_start3A_128, %dma_start3A_129] : memref<2x128x128xf32, #tpu.memory_space<vmem>> -> memref<1x128x128xf32, #tpu.memory_space<vmem>>
    %dma_start3A_131 = tpu.memref_squeeze %dma_start3A_130 : memref<1x128x128xf32, #tpu.memory_space<vmem>> -> memref<128x128xf32, #tpu.memory_space<vmem>>
    %dma_start3A_132 = arith.constant 0 : i32
    %dma_start3A_133 = tpu.memref_slice %arg10[%dma_start3A_126, %dma_start3A_132] : memref<40x128xi32, #tpu.memory_space<vmem>> -> memref<1x128xi32, #tpu.memory_space<vmem>>
    %dma_start3A_134 = tpu.memref_squeeze %dma_start3A_133 : memref<1x128xi32, #tpu.memory_space<vmem>> -> memref<128xi32, #tpu.memory_space<vmem>>
    %dma_start3A_135 = arith.constant 0 : i32
    %dma_start3A_136 = arith.constant 0 : i32
    %dma_start3A_137 = tpu.memref_slice %arg3[%dma_start3A_135, %dma_start3A_136] : memref<10000x128xf32, #tpu.memory_space<hbm>> -> memref<10000x128xf32, #tpu.memory_space<hbm>>
    tpu.enqueue_indirect_dma source(%dma_start3A_137 : memref<10000x128xf32, #tpu.memory_space<hbm>>) target(%dma_start3A_131 : memref<128x128xf32, #tpu.memory_space<vmem>>) offsets(%dma_start3A_134 : memref<128xi32, #tpu.memory_space<vmem>>) semaphore(%arg15 : memref<!tpu.dma_semaphore, #tpu.memory_space<semaphore_mem>>)
    %barrier3A_138 = arith.constant 0 : index
    tpu.barrier barrier_id(%barrier3A_138)
    %mul3A_139 = arith.constant 640 : i32
    %mul3A_140 = arith.muli %arg1, %mul3A_139 : i32
    %mul3A_141 = arith.constant 640 : i32
    %mul3A_142 = arith.muli %arg1, %mul3A_141 : i32
    %run_scoped3A = arith.constant 0 : i32
    "tpu.region"() ({
      %run_scoped3A_488 = tpu.sem_alloc : memref<!tpu.dma_semaphore, #tpu.memory_space<semaphore_mem>>
      %dma_start3A_489 = arith.constant 0 : i32
      %dma_start3A_490 = tpu.memref_slice %arg9[%arg0, %run_scoped3A, %mul3A_142, %dma_start3A_489] : memref<2x4x10240x128xf32, #tpu.memory_space<hbm>> -> memref<1x1x640x128xf32, #tpu.memory_space<hbm>>
      %dma_start3A_491 = tpu.memref_squeeze %dma_start3A_490 : memref<1x1x640x128xf32, #tpu.memory_space<hbm>> -> memref<640x128xf32, #tpu.memory_space<hbm>>
      %dma_start3A_492 = arith.constant 0 : i32
      %dma_start3A_493 = tpu.memref_slice %arg13[%mul3A_140, %dma_start3A_492] : memref<10240x128xf32, #tpu.memory_space<vmem_shared>> -> memref<640x128xf32, #tpu.memory_space<vmem_shared>>
      tpu.enqueue_dma source(%dma_start3A_493 : memref<640x128xf32, #tpu.memory_space<vmem_shared>>) target(%dma_start3A_491 : memref<640x128xf32, #tpu.memory_space<hbm>>) target_semaphore(%run_scoped3A_488 : memref<!tpu.dma_semaphore, #tpu.memory_space<semaphore_mem>>)
      %dma_wait3A_494 = arith.constant 0 : i32
      %dma_wait3A_495 = tpu.memref_slice %arg9[%arg0, %run_scoped3A, %mul3A_142, %dma_wait3A_494] : memref<2x4x10240x128xf32, #tpu.memory_space<hbm>> -> memref<1x1x640x128xf32, #tpu.memory_space<hbm>>
      %dma_wait3A_496 = tpu.memref_squeeze %dma_wait3A_495 : memref<1x1x640x128xf32, #tpu.memory_space<hbm>> -> memref<640x128xf32, #tpu.memory_space<hbm>>
      %dma_wait3A_497 = arith.constant 0 : i32
      %dma_wait3A_498 = tpu.memref_slice %arg13[%mul3A_140, %dma_wait3A_497] : memref<10240x128xf32, #tpu.memory_space<vmem_shared>> -> memref<640x128xf32, #tpu.memory_space<vmem_shared>>
      tpu.wait_dma2 semaphore(%run_scoped3A_488 : memref<!tpu.dma_semaphore, #tpu.memory_space<semaphore_mem>>) src(%dma_wait3A_498 : memref<640x128xf32, #tpu.memory_space<vmem_shared>>) dst(%dma_wait3A_496 : memref<640x128xf32, #tpu.memory_space<hbm>>)
      tpu.yield
    }) : () -> ()
    %mul3A_143 = arith.constant 640 : i32
    %mul3A_144 = arith.muli %arg1, %mul3A_143 : i32
    "tpu.region"() ({
      %run_scoped3A_488 = tpu.sem_alloc : memref<!tpu.dma_semaphore, #tpu.memory_space<semaphore_mem>>
      %dma_start3A_489 = arith.constant 0 : i32
      %dma_start3A_490 = tpu.memref_slice %arg13[%mul3A_144, %dma_start3A_489] : memref<10240x128xf32, #tpu.memory_space<vmem_shared>> -> memref<640x128xf32, #tpu.memory_space<vmem_shared>>
      tpu.enqueue_dma source(%arg8 : memref<640x128xf32, #tpu.memory_space<hbm>>) target(%dma_start3A_490 : memref<640x128xf32, #tpu.memory_space<vmem_shared>>) target_semaphore(%run_scoped3A_488 : memref<!tpu.dma_semaphore, #tpu.memory_space<semaphore_mem>>)
      %dma_wait3A_491 = arith.constant 0 : i32
      %dma_wait3A_492 = tpu.memref_slice %arg13[%mul3A_144, %dma_wait3A_491] : memref<10240x128xf32, #tpu.memory_space<vmem_shared>> -> memref<640x128xf32, #tpu.memory_space<vmem_shared>>
      tpu.wait_dma2 semaphore(%run_scoped3A_488 : memref<!tpu.dma_semaphore, #tpu.memory_space<semaphore_mem>>) src(%arg8 : memref<640x128xf32, #tpu.memory_space<hbm>>) dst(%dma_wait3A_492 : memref<640x128xf32, #tpu.memory_space<vmem_shared>>)
      tpu.yield
    }) : () -> ()
    %barrier3A_145 = arith.constant 0 : index
    tpu.barrier barrier_id(%barrier3A_145)
    %scan3A_146 = arith.constant 0 : i32
    %scan3A_147 = arith.constant 0 : i32
    %scan3A_148 = arith.constant 19 : i32
    %scan3A_149 = arith.addi %scan3A_147, %scan3A_148 : i32
    %scan3A_150 = arith.constant 1 : i32
    scf.for %scan3A_488 = %scan3A_147 to %scan3A_149 step %scan3A_150  : i32 {
      %mul3A_489 = arith.constant 2 : i32
      %mul3A_490 = arith.muli %scan3A_488, %mul3A_489 : i32
      %dma_wait3A_491 = arith.constant 0 : i32
      %dma_wait3A_492 = arith.constant 0 : i32
      %dma_wait3A_493 = arith.constant 0 : i32
      %dma_wait3A_494 = tpu.memref_slice %arg12[%dma_wait3A_491, %dma_wait3A_492, %dma_wait3A_493] : memref<2x128x128xf32, #tpu.memory_space<vmem>> -> memref<1x128x128xf32, #tpu.memory_space<vmem>>
      %dma_wait3A_495 = tpu.memref_squeeze %dma_wait3A_494 : memref<1x128x128xf32, #tpu.memory_space<vmem>> -> memref<128x128xf32, #tpu.memory_space<vmem>>
      %dma_wait3A_496 = arith.constant 0 : i32
      %dma_wait3A_497 = arith.constant 0 : i32
      %dma_wait3A_498 = tpu.memref_slice %arg8[%dma_wait3A_496, %dma_wait3A_497] : memref<640x128xf32, #tpu.memory_space<hbm>> -> memref<128x128xf32, #tpu.memory_space<hbm>>
      %dma_wait3A_499 = arith.constant 0 : i32
      %dma_wait3A_500 = arith.constant 0 : i32
      %dma_wait3A_501 = tpu.memref_slice %arg12[%dma_wait3A_491, %dma_wait3A_499, %dma_wait3A_500] : memref<2x128x128xf32, #tpu.memory_space<vmem>> -> memref<1x128x128xf32, #tpu.memory_space<vmem>>
      %dma_wait3A_502 = tpu.memref_squeeze %dma_wait3A_501 : memref<1x128x128xf32, #tpu.memory_space<vmem>> -> memref<128x128xf32, #tpu.memory_space<vmem>>
      %dma_wait3A_503 = arith.constant 0 : i32
      %dma_wait3A_504 = arith.constant 0 : i32
      %dma_wait3A_505 = tpu.memref_slice %arg8[%dma_wait3A_503, %dma_wait3A_504] : memref<640x128xf32, #tpu.memory_space<hbm>> -> memref<128x128xf32, #tpu.memory_space<hbm>>
      tpu.wait_dma2 semaphore(%arg14 : memref<!tpu.dma_semaphore, #tpu.memory_space<semaphore_mem>>) src(%dma_wait3A_505 : memref<128x128xf32, #tpu.memory_space<hbm>>) dst(%dma_wait3A_502 : memref<128x128xf32, #tpu.memory_space<vmem>>)
      %add3A_506 = arith.constant 0 : i32
      %add3A_507 = arith.addi %mul3A_490, %add3A_506 : i32
      %dma_start3A_508 = arith.constant 0 : i32
      %dma_start3A_509 = arith.constant 0 : i32
      %dma_start3A_510 = arith.constant 0 : i32
      %dma_start3A_511 = tpu.memref_slice %arg12[%dma_start3A_508, %dma_start3A_509, %dma_start3A_510] : memref<2x128x128xf32, #tpu.memory_space<vmem>> -> memref<1x128x128xf32, #tpu.memory_space<vmem>>
      %dma_start3A_512 = tpu.memref_squeeze %dma_start3A_511 : memref<1x128x128xf32, #tpu.memory_space<vmem>> -> memref<128x128xf32, #tpu.memory_space<vmem>>
      %dma_start3A_513 = arith.constant 0 : i32
      %dma_start3A_514 = tpu.memref_slice %arg11[%add3A_507, %dma_start3A_513] : memref<40x128xi32, #tpu.memory_space<vmem>> -> memref<1x128xi32, #tpu.memory_space<vmem>>
      %dma_start3A_515 = tpu.memref_squeeze %dma_start3A_514 : memref<1x128xi32, #tpu.memory_space<vmem>> -> memref<128xi32, #tpu.memory_space<vmem>>
      %dma_start3A_516 = arith.constant 0 : i32
      %dma_start3A_517 = arith.constant 0 : i32
      %dma_start3A_518 = tpu.memref_slice %arg13[%dma_start3A_516, %dma_start3A_517] : memref<10240x128xf32, #tpu.memory_space<vmem_shared>> -> memref<10240x128xf32, #tpu.memory_space<vmem_shared>>
      tpu.enqueue_indirect_dma source(%dma_start3A_512 : memref<128x128xf32, #tpu.memory_space<vmem>>) target(%dma_start3A_518 : memref<10240x128xf32, #tpu.memory_space<vmem_shared>>) offsets(%dma_start3A_515 : memref<128xi32, #tpu.memory_space<vmem>>) semaphore(%arg16 : memref<!tpu.dma_semaphore, #tpu.memory_space<semaphore_mem>>) {add = true}
      %dma_wait3A_519 = arith.constant 0 : i32
      %dma_wait3A_520 = arith.constant 0 : i32
      %dma_wait3A_521 = arith.constant 0 : i32
      %dma_wait3A_522 = tpu.memref_slice %arg12[%dma_wait3A_519, %dma_wait3A_520, %dma_wait3A_521] : memref<2x128x128xf32, #tpu.memory_space<vmem>> -> memref<1x128x128xf32, #tpu.memory_space<vmem>>
      %dma_wait3A_523 = tpu.memref_squeeze %dma_wait3A_522 : memref<1x128x128xf32, #tpu.memory_space<vmem>> -> memref<128x128xf32, #tpu.memory_space<vmem>>
      %dma_wait3A_524 = arith.constant 0 : i32
      %dma_wait3A_525 = arith.constant 0 : i32
      %dma_wait3A_526 = tpu.memref_slice %arg8[%dma_wait3A_524, %dma_wait3A_525] : memref<640x128xf32, #tpu.memory_space<hbm>> -> memref<128x128xf32, #tpu.memory_space<hbm>>
      %dma_wait3A_527 = arith.constant 0 : i32
      %dma_wait3A_528 = arith.constant 0 : i32
      %dma_wait3A_529 = tpu.memref_slice %arg12[%dma_wait3A_519, %dma_wait3A_527, %dma_wait3A_528] : memref<2x128x128xf32, #tpu.memory_space<vmem>> -> memref<1x128x128xf32, #tpu.memory_space<vmem>>
      %dma_wait3A_530 = tpu.memref_squeeze %dma_wait3A_529 : memref<1x128x128xf32, #tpu.memory_space<vmem>> -> memref<128x128xf32, #tpu.memory_space<vmem>>
      %dma_wait3A_531 = arith.constant 0 : i32
      %dma_wait3A_532 = arith.constant 0 : i32
      %dma_wait3A_533 = tpu.memref_slice %arg8[%dma_wait3A_531, %dma_wait3A_532] : memref<640x128xf32, #tpu.memory_space<hbm>> -> memref<128x128xf32, #tpu.memory_space<hbm>>
      tpu.wait_dma2 semaphore(%arg16 : memref<!tpu.dma_semaphore, #tpu.memory_space<semaphore_mem>>) src(%dma_wait3A_533 : memref<128x128xf32, #tpu.memory_space<hbm>>) dst(%dma_wait3A_530 : memref<128x128xf32, #tpu.memory_space<vmem>>)
      %add3A_534 = arith.constant 0 : i32
      %add3A_535 = arith.addi %mul3A_490, %add3A_534 : i32
      %add3A_536 = arith.constant 2 : i32
      %add3A_537 = arith.addi %add3A_535, %add3A_536 : i32
      %dma_start3A_538 = arith.constant 0 : i32
      %dma_start3A_539 = arith.constant 0 : i32
      %dma_start3A_540 = arith.constant 0 : i32
      %dma_start3A_541 = tpu.memref_slice %arg12[%dma_start3A_538, %dma_start3A_539, %dma_start3A_540] : memref<2x128x128xf32, #tpu.memory_space<vmem>> -> memref<1x128x128xf32, #tpu.memory_space<vmem>>
      %dma_start3A_542 = tpu.memref_squeeze %dma_start3A_541 : memref<1x128x128xf32, #tpu.memory_space<vmem>> -> memref<128x128xf32, #tpu.memory_space<vmem>>
      %dma_start3A_543 = arith.constant 0 : i32
      %dma_start3A_544 = tpu.memref_slice %arg10[%add3A_537, %dma_start3A_543] : memref<40x128xi32, #tpu.memory_space<vmem>> -> memref<1x128xi32, #tpu.memory_space<vmem>>
      %dma_start3A_545 = tpu.memref_squeeze %dma_start3A_544 : memref<1x128xi32, #tpu.memory_space<vmem>> -> memref<128xi32, #tpu.memory_space<vmem>>
      %dma_start3A_546 = arith.constant 0 : i32
      %dma_start3A_547 = arith.constant 0 : i32
      %dma_start3A_548 = tpu.memref_slice %arg3[%dma_start3A_546, %dma_start3A_547] : memref<10000x128xf32, #tpu.memory_space<hbm>> -> memref<10000x128xf32, #tpu.memory_space<hbm>>
      tpu.enqueue_indirect_dma source(%dma_start3A_548 : memref<10000x128xf32, #tpu.memory_space<hbm>>) target(%dma_start3A_542 : memref<128x128xf32, #tpu.memory_space<vmem>>) offsets(%dma_start3A_545 : memref<128xi32, #tpu.memory_space<vmem>>) semaphore(%arg14 : memref<!tpu.dma_semaphore, #tpu.memory_space<semaphore_mem>>)
      %dma_wait3A_549 = arith.constant 1 : i32
      %dma_wait3A_550 = arith.constant 0 : i32
      %dma_wait3A_551 = arith.constant 0 : i32
      %dma_wait3A_552 = tpu.memref_slice %arg12[%dma_wait3A_549, %dma_wait3A_550, %dma_wait3A_551] : memref<2x128x128xf32, #tpu.memory_space<vmem>> -> memref<1x128x128xf32, #tpu.memory_space<vmem>>
      %dma_wait3A_553 = tpu.memref_squeeze %dma_wait3A_552 : memref<1x128x128xf32, #tpu.memory_space<vmem>> -> memref<128x128xf32, #tpu.memory_space<vmem>>
      %dma_wait3A_554 = arith.constant 0 : i32
      %dma_wait3A_555 = arith.constant 0 : i32
      %dma_wait3A_556 = tpu.memref_slice %arg8[%dma_wait3A_554, %dma_wait3A_555] : memref<640x128xf32, #tpu.memory_space<hbm>> -> memref<128x128xf32, #tpu.memory_space<hbm>>
      %dma_wait3A_557 = arith.constant 0 : i32
      %dma_wait3A_558 = arith.constant 0 : i32
      %dma_wait3A_559 = tpu.memref_slice %arg12[%dma_wait3A_549, %dma_wait3A_557, %dma_wait3A_558] : memref<2x128x128xf32, #tpu.memory_space<vmem>> -> memref<1x128x128xf32, #tpu.memory_space<vmem>>
      %dma_wait3A_560 = tpu.memref_squeeze %dma_wait3A_559 : memref<1x128x128xf32, #tpu.memory_space<vmem>> -> memref<128x128xf32, #tpu.memory_space<vmem>>
      %dma_wait3A_561 = arith.constant 0 : i32
      %dma_wait3A_562 = arith.constant 0 : i32
      %dma_wait3A_563 = tpu.memref_slice %arg8[%dma_wait3A_561, %dma_wait3A_562] : memref<640x128xf32, #tpu.memory_space<hbm>> -> memref<128x128xf32, #tpu.memory_space<hbm>>
      tpu.wait_dma2 semaphore(%arg15 : memref<!tpu.dma_semaphore, #tpu.memory_space<semaphore_mem>>) src(%dma_wait3A_563 : memref<128x128xf32, #tpu.memory_space<hbm>>) dst(%dma_wait3A_560 : memref<128x128xf32, #tpu.memory_space<vmem>>)
      %add3A_564 = arith.constant 1 : i32
      %add3A_565 = arith.addi %mul3A_490, %add3A_564 : i32
      %dma_start3A_566 = arith.constant 1 : i32
      %dma_start3A_567 = arith.constant 0 : i32
      %dma_start3A_568 = arith.constant 0 : i32
      %dma_start3A_569 = tpu.memref_slice %arg12[%dma_start3A_566, %dma_start3A_567, %dma_start3A_568] : memref<2x128x128xf32, #tpu.memory_space<vmem>> -> memref<1x128x128xf32, #tpu.memory_space<vmem>>
      %dma_start3A_570 = tpu.memref_squeeze %dma_start3A_569 : memref<1x128x128xf32, #tpu.memory_space<vmem>> -> memref<128x128xf32, #tpu.memory_space<vmem>>
      %dma_start3A_571 = arith.constant 0 : i32
      %dma_start3A_572 = tpu.memref_slice %arg11[%add3A_565, %dma_start3A_571] : memref<40x128xi32, #tpu.memory_space<vmem>> -> memref<1x128xi32, #tpu.memory_space<vmem>>
      %dma_start3A_573 = tpu.memref_squeeze %dma_start3A_572 : memref<1x128xi32, #tpu.memory_space<vmem>> -> memref<128xi32, #tpu.memory_space<vmem>>
      %dma_start3A_574 = arith.constant 0 : i32
      %dma_start3A_575 = arith.constant 0 : i32
      %dma_start3A_576 = tpu.memref_slice %arg13[%dma_start3A_574, %dma_start3A_575] : memref<10240x128xf32, #tpu.memory_space<vmem_shared>> -> memref<10240x128xf32, #tpu.memory_space<vmem_shared>>
      tpu.enqueue_indirect_dma source(%dma_start3A_570 : memref<128x128xf32, #tpu.memory_space<vmem>>) target(%dma_start3A_576 : memref<10240x128xf32, #tpu.memory_space<vmem_shared>>) offsets(%dma_start3A_573 : memref<128xi32, #tpu.memory_space<vmem>>) semaphore(%arg17 : memref<!tpu.dma_semaphore, #tpu.memory_space<semaphore_mem>>) {add = true}
      %dma_wait3A_577 = arith.constant 1 : i32
      %dma_wait3A_578 = arith.constant 0 : i32
      %dma_wait3A_579 = arith.constant 0 : i32
      %dma_wait3A_580 = tpu.memref_slice %arg12[%dma_wait3A_577, %dma_wait3A_578, %dma_wait3A_579] : memref<2x128x128xf32, #tpu.memory_space<vmem>> -> memref<1x128x128xf32, #tpu.memory_space<vmem>>
      %dma_wait3A_581 = tpu.memref_squeeze %dma_wait3A_580 : memref<1x128x128xf32, #tpu.memory_space<vmem>> -> memref<128x128xf32, #tpu.memory_space<vmem>>
      %dma_wait3A_582 = arith.constant 0 : i32
      %dma_wait3A_583 = arith.constant 0 : i32
      %dma_wait3A_584 = tpu.memref_slice %arg8[%dma_wait3A_582, %dma_wait3A_583] : memref<640x128xf32, #tpu.memory_space<hbm>> -> memref<128x128xf32, #tpu.memory_space<hbm>>
      %dma_wait3A_585 = arith.constant 0 : i32
      %dma_wait3A_586 = arith.constant 0 : i32
      %dma_wait3A_587 = tpu.memref_slice %arg12[%dma_wait3A_577, %dma_wait3A_585, %dma_wait3A_586] : memref<2x128x128xf32, #tpu.memory_space<vmem>> -> memref<1x128x128xf32, #tpu.memory_space<vmem>>
      %dma_wait3A_588 = tpu.memref_squeeze %dma_wait3A_587 : memref<1x128x128xf32, #tpu.memory_space<vmem>> -> memref<128x128xf32, #tpu.memory_space<vmem>>
      %dma_wait3A_589 = arith.constant 0 : i32
      %dma_wait3A_590 = arith.constant 0 : i32
      %dma_wait3A_591 = tpu.memref_slice %arg8[%dma_wait3A_589, %dma_wait3A_590] : memref<640x128xf32, #tpu.memory_space<hbm>> -> memref<128x128xf32, #tpu.memory_space<hbm>>
      tpu.wait_dma2 semaphore(%arg17 : memref<!tpu.dma_semaphore, #tpu.memory_space<semaphore_mem>>) src(%dma_wait3A_591 : memref<128x128xf32, #tpu.memory_space<hbm>>) dst(%dma_wait3A_588 : memref<128x128xf32, #tpu.memory_space<vmem>>)
      %add3A_592 = arith.constant 1 : i32
      %add3A_593 = arith.addi %mul3A_490, %add3A_592 : i32
      %add3A_594 = arith.constant 2 : i32
      %add3A_595 = arith.addi %add3A_593, %add3A_594 : i32
      %dma_start3A_596 = arith.constant 1 : i32
      %dma_start3A_597 = arith.constant 0 : i32
      %dma_start3A_598 = arith.constant 0 : i32
      %dma_start3A_599 = tpu.memref_slice %arg12[%dma_start3A_596, %dma_start3A_597, %dma_start3A_598] : memref<2x128x128xf32, #tpu.memory_space<vmem>> -> memref<1x128x128xf32, #tpu.memory_space<vmem>>
      %dma_start3A_600 = tpu.memref_squeeze %dma_start3A_599 : memref<1x128x128xf32, #tpu.memory_space<vmem>> -> memref<128x128xf32, #tpu.memory_space<vmem>>
      %dma_start3A_601 = arith.constant 0 : i32
      %dma_start3A_602 = tpu.memref_slice %arg10[%add3A_595, %dma_start3A_601] : memref<40x128xi32, #tpu.memory_space<vmem>> -> memref<1x128xi32, #tpu.memory_space<vmem>>
      %dma_start3A_603 = tpu.memref_squeeze %dma_start3A_602 : memref<1x128xi32, #tpu.memory_space<vmem>> -> memref<128xi32, #tpu.memory_space<vmem>>
      %dma_start3A_604 = arith.constant 0 : i32
      %dma_start3A_605 = arith.constant 0 : i32
      %dma_start3A_606 = tpu.memref_slice %arg3[%dma_start3A_604, %dma_start3A_605] : memref<10000x128xf32, #tpu.memory_space<hbm>> -> memref<10000x128xf32, #tpu.memory_space<hbm>>
      tpu.enqueue_indirect_dma source(%dma_start3A_606 : memref<10000x128xf32, #tpu.memory_space<hbm>>) target(%dma_start3A_600 : memref<128x128xf32, #tpu.memory_space<vmem>>) offsets(%dma_start3A_603 : memref<128xi32, #tpu.memory_space<vmem>>) semaphore(%arg15 : memref<!tpu.dma_semaphore, #tpu.memory_space<semaphore_mem>>)
    }
    %scan3A_151 = arith.constant 19 : i32
    %dma_wait3A_152 = arith.constant 0 : i32
    %dma_wait3A_153 = arith.constant 0 : i32
    %dma_wait3A_154 = arith.constant 0 : i32
    %dma_wait3A_155 = tpu.memref_slice %arg12[%dma_wait3A_152, %dma_wait3A_153, %dma_wait3A_154] : memref<2x128x128xf32, #tpu.memory_space<vmem>> -> memref<1x128x128xf32, #tpu.memory_space<vmem>>
    %dma_wait3A_156 = tpu.memref_squeeze %dma_wait3A_155 : memref<1x128x128xf32, #tpu.memory_space<vmem>> -> memref<128x128xf32, #tpu.memory_space<vmem>>
    %dma_wait3A_157 = arith.constant 0 : i32
    %dma_wait3A_158 = arith.constant 0 : i32
    %dma_wait3A_159 = tpu.memref_slice %arg8[%dma_wait3A_157, %dma_wait3A_158] : memref<640x128xf32, #tpu.memory_space<hbm>> -> memref<128x128xf32, #tpu.memory_space<hbm>>
    %dma_wait3A_160 = arith.constant 0 : i32
    %dma_wait3A_161 = arith.constant 0 : i32
    %dma_wait3A_162 = tpu.memref_slice %arg12[%dma_wait3A_152, %dma_wait3A_160, %dma_wait3A_161] : memref<2x128x128xf32, #tpu.memory_space<vmem>> -> memref<1x128x128xf32, #tpu.memory_space<vmem>>
    %dma_wait3A_163 = tpu.memref_squeeze %dma_wait3A_162 : memref<1x128x128xf32, #tpu.memory_space<vmem>> -> memref<128x128xf32, #tpu.memory_space<vmem>>
    %dma_wait3A_164 = arith.constant 0 : i32
    %dma_wait3A_165 = arith.constant 0 : i32
    %dma_wait3A_166 = tpu.memref_slice %arg8[%dma_wait3A_164, %dma_wait3A_165] : memref<640x128xf32, #tpu.memory_space<hbm>> -> memref<128x128xf32, #tpu.memory_space<hbm>>
    tpu.wait_dma2 semaphore(%arg14 : memref<!tpu.dma_semaphore, #tpu.memory_space<semaphore_mem>>) src(%dma_wait3A_166 : memref<128x128xf32, #tpu.memory_space<hbm>>) dst(%dma_wait3A_163 : memref<128x128xf32, #tpu.memory_space<vmem>>)
    %dma_start3A_167 = arith.constant 0 : i32
    %dma_start3A_168 = arith.constant 38 : i32
    %dma_start3A_169 = arith.constant 0 : i32
    %dma_start3A_170 = arith.constant 0 : i32
    %dma_start3A_171 = tpu.memref_slice %arg12[%dma_start3A_167, %dma_start3A_169, %dma_start3A_170] : memref<2x128x128xf32, #tpu.memory_space<vmem>> -> memref<1x128x128xf32, #tpu.memory_space<vmem>>
    %dma_start3A_172 = tpu.memref_squeeze %dma_start3A_171 : memref<1x128x128xf32, #tpu.memory_space<vmem>> -> memref<128x128xf32, #tpu.memory_space<vmem>>
    %dma_start3A_173 = arith.constant 0 : i32
    %dma_start3A_174 = tpu.memref_slice %arg11[%dma_start3A_168, %dma_start3A_173] : memref<40x128xi32, #tpu.memory_space<vmem>> -> memref<1x128xi32, #tpu.memory_space<vmem>>
    %dma_start3A_175 = tpu.memref_squeeze %dma_start3A_174 : memref<1x128xi32, #tpu.memory_space<vmem>> -> memref<128xi32, #tpu.memory_space<vmem>>
    %dma_start3A_176 = arith.constant 0 : i32
    %dma_start3A_177 = arith.constant 0 : i32
    %dma_start3A_178 = tpu.memref_slice %arg13[%dma_start3A_176, %dma_start3A_177] : memref<10240x128xf32, #tpu.memory_space<vmem_shared>> -> memref<10240x128xf32, #tpu.memory_space<vmem_shared>>
    tpu.enqueue_indirect_dma source(%dma_start3A_172 : memref<128x128xf32, #tpu.memory_space<vmem>>) target(%dma_start3A_178 : memref<10240x128xf32, #tpu.memory_space<vmem_shared>>) offsets(%dma_start3A_175 : memref<128xi32, #tpu.memory_space<vmem>>) semaphore(%arg16 : memref<!tpu.dma_semaphore, #tpu.memory_space<semaphore_mem>>) {add = true}
    %dma_wait3A_179 = arith.constant 0 : i32
    %dma_wait3A_180 = arith.constant 0 : i32
    %dma_wait3A_181 = arith.constant 0 : i32
    %dma_wait3A_182 = tpu.memref_slice %arg12[%dma_wait3A_179, %dma_wait3A_180, %dma_wait3A_181] : memref<2x128x128xf32, #tpu.memory_space<vmem>> -> memref<1x128x128xf32, #tpu.memory_space<vmem>>
    %dma_wait3A_183 = tpu.memref_squeeze %dma_wait3A_182 : memref<1x128x128xf32, #tpu.memory_space<vmem>> -> memref<128x128xf32, #tpu.memory_space<vmem>>
    %dma_wait3A_184 = arith.constant 0 : i32
    %dma_wait3A_185 = arith.constant 0 : i32
    %dma_wait3A_186 = tpu.memref_slice %arg8[%dma_wait3A_184, %dma_wait3A_185] : memref<640x128xf32, #tpu.memory_space<hbm>> -> memref<128x128xf32, #tpu.memory_space<hbm>>
    %dma_wait3A_187 = arith.constant 0 : i32
    %dma_wait3A_188 = arith.constant 0 : i32
    %dma_wait3A_189 = tpu.memref_slice %arg12[%dma_wait3A_179, %dma_wait3A_187, %dma_wait3A_188] : memref<2x128x128xf32, #tpu.memory_space<vmem>> -> memref<1x128x128xf32, #tpu.memory_space<vmem>>
    %dma_wait3A_190 = tpu.memref_squeeze %dma_wait3A_189 : memref<1x128x128xf32, #tpu.memory_space<vmem>> -> memref<128x128xf32, #tpu.memory_space<vmem>>
    %dma_wait3A_191 = arith.constant 0 : i32
    %dma_wait3A_192 = arith.constant 0 : i32
    %dma_wait3A_193 = tpu.memref_slice %arg8[%dma_wait3A_191, %dma_wait3A_192] : memref<640x128xf32, #tpu.memory_space<hbm>> -> memref<128x128xf32, #tpu.memory_space<hbm>>
    tpu.wait_dma2 semaphore(%arg16 : memref<!tpu.dma_semaphore, #tpu.memory_space<semaphore_mem>>) src(%dma_wait3A_193 : memref<128x128xf32, #tpu.memory_space<hbm>>) dst(%dma_wait3A_190 : memref<128x128xf32, #tpu.memory_space<vmem>>)
    %dma_wait3A_194 = arith.constant 1 : i32
    %dma_wait3A_195 = arith.constant 0 : i32
    %dma_wait3A_196 = arith.constant 0 : i32
    %dma_wait3A_197 = tpu.memref_slice %arg12[%dma_wait3A_194, %dma_wait3A_195, %dma_wait3A_196] : memref<2x128x128xf32, #tpu.memory_space<vmem>> -> memref<1x128x128xf32, #tpu.memory_space<vmem>>
    %dma_wait3A_198 = tpu.memref_squeeze %dma_wait3A_197 : memref<1x128x128xf32, #tpu.memory_space<vmem>> -> memref<128x128xf32, #tpu.memory_space<vmem>>
    %dma_wait3A_199 = arith.constant 0 : i32
    %dma_wait3A_200 = arith.constant 0 : i32
    %dma_wait3A_201 = tpu.memref_slice %arg8[%dma_wait3A_199, %dma_wait3A_200] : memref<640x128xf32, #tpu.memory_space<hbm>> -> memref<128x128xf32, #tpu.memory_space<hbm>>
    %dma_wait3A_202 = arith.constant 0 : i32
    %dma_wait3A_203 = arith.constant 0 : i32
    %dma_wait3A_204 = tpu.memref_slice %arg12[%dma_wait3A_194, %dma_wait3A_202, %dma_wait3A_203] : memref<2x128x128xf32, #tpu.memory_space<vmem>> -> memref<1x128x128xf32, #tpu.memory_space<vmem>>
    %dma_wait3A_205 = tpu.memref_squeeze %dma_wait3A_204 : memref<1x128x128xf32, #tpu.memory_space<vmem>> -> memref<128x128xf32, #tpu.memory_space<vmem>>
    %dma_wait3A_206 = arith.constant 0 : i32
    %dma_wait3A_207 = arith.constant 0 : i32
    %dma_wait3A_208 = tpu.memref_slice %arg8[%dma_wait3A_206, %dma_wait3A_207] : memref<640x128xf32, #tpu.memory_space<hbm>> -> memref<128x128xf32, #tpu.memory_space<hbm>>
    tpu.wait_dma2 semaphore(%arg15 : memref<!tpu.dma_semaphore, #tpu.memory_space<semaphore_mem>>) src(%dma_wait3A_208 : memref<128x128xf32, #tpu.memory_space<hbm>>) dst(%dma_wait3A_205 : memref<128x128xf32, #tpu.memory_space<vmem>>)
    %dma_start3A_209 = arith.constant 1 : i32
    %dma_start3A_210 = arith.constant 39 : i32
    %dma_start3A_211 = arith.constant 0 : i32
    %dma_start3A_212 = arith.constant 0 : i32
    %dma_start3A_213 = tpu.memref_slice %arg12[%dma_start3A_209, %dma_start3A_211, %dma_start3A_212] : memref<2x128x128xf32, #tpu.memory_space<vmem>> -> memref<1x128x128xf32, #tpu.memory_space<vmem>>
    %dma_start3A_214 = tpu.memref_squeeze %dma_start3A_213 : memref<1x128x128xf32, #tpu.memory_space<vmem>> -> memref<128x128xf32, #tpu.memory_space<vmem>>
    %dma_start3A_215 = arith.constant 0 : i32
    %dma_start3A_216 = tpu.memref_slice %arg11[%dma_start3A_210, %dma_start3A_215] : memref<40x128xi32, #tpu.memory_space<vmem>> -> memref<1x128xi32, #tpu.memory_space<vmem>>
    %dma_start3A_217 = tpu.memref_squeeze %dma_start3A_216 : memref<1x128xi32, #tpu.memory_space<vmem>> -> memref<128xi32, #tpu.memory_space<vmem>>
    %dma_start3A_218 = arith.constant 0 : i32
    %dma_start3A_219 = arith.constant 0 : i32
    %dma_start3A_220 = tpu.memref_slice %arg13[%dma_start3A_218, %dma_start3A_219] : memref<10240x128xf32, #tpu.memory_space<vmem_shared>> -> memref<10240x128xf32, #tpu.memory_space<vmem_shared>>
    tpu.enqueue_indirect_dma source(%dma_start3A_214 : memref<128x128xf32, #tpu.memory_space<vmem>>) target(%dma_start3A_220 : memref<10240x128xf32, #tpu.memory_space<vmem_shared>>) offsets(%dma_start3A_217 : memref<128xi32, #tpu.memory_space<vmem>>) semaphore(%arg17 : memref<!tpu.dma_semaphore, #tpu.memory_space<semaphore_mem>>) {add = true}
    %dma_wait3A_221 = arith.constant 1 : i32
    %dma_wait3A_222 = arith.constant 0 : i32
    %dma_wait3A_223 = arith.constant 0 : i32
    %dma_wait3A_224 = tpu.memref_slice %arg12[%dma_wait3A_221, %dma_wait3A_222, %dma_wait3A_223] : memref<2x128x128xf32, #tpu.memory_space<vmem>> -> memref<1x128x128xf32, #tpu.memory_space<vmem>>
    %dma_wait3A_225 = tpu.memref_squeeze %dma_wait3A_224 : memref<1x128x128xf32, #tpu.memory_space<vmem>> -> memref<128x128xf32, #tpu.memory_space<vmem>>
    %dma_wait3A_226 = arith.constant 0 : i32
    %dma_wait3A_227 = arith.constant 0 : i32
    %dma_wait3A_228 = tpu.memref_slice %arg8[%dma_wait3A_226, %dma_wait3A_227] : memref<640x128xf32, #tpu.memory_space<hbm>> -> memref<128x128xf32, #tpu.memory_space<hbm>>
    %dma_wait3A_229 = arith.constant 0 : i32
    %dma_wait3A_230 = arith.constant 0 : i32
    %dma_wait3A_231 = tpu.memref_slice %arg12[%dma_wait3A_221, %dma_wait3A_229, %dma_wait3A_230] : memref<2x128x128xf32, #tpu.memory_space<vmem>> -> memref<1x128x128xf32, #tpu.memory_space<vmem>>
    %dma_wait3A_232 = tpu.memref_squeeze %dma_wait3A_231 : memref<1x128x128xf32, #tpu.memory_space<vmem>> -> memref<128x128xf32, #tpu.memory_space<vmem>>
    %dma_wait3A_233 = arith.constant 0 : i32
    %dma_wait3A_234 = arith.constant 0 : i32
    %dma_wait3A_235 = tpu.memref_slice %arg8[%dma_wait3A_233, %dma_wait3A_234] : memref<640x128xf32, #tpu.memory_space<hbm>> -> memref<128x128xf32, #tpu.memory_space<hbm>>
    tpu.wait_dma2 semaphore(%arg17 : memref<!tpu.dma_semaphore, #tpu.memory_space<semaphore_mem>>) src(%dma_wait3A_235 : memref<128x128xf32, #tpu.memory_space<hbm>>) dst(%dma_wait3A_232 : memref<128x128xf32, #tpu.memory_space<vmem>>)
    %dma_start3A_236 = arith.constant 0 : i32
    %dma_start3A_237 = arith.constant 0 : i32
    %dma_start3A_238 = arith.constant 0 : i32
    %dma_start3A_239 = arith.constant 0 : i32
    %dma_start3A_240 = tpu.memref_slice %arg12[%dma_start3A_237, %dma_start3A_238, %dma_start3A_239] : memref<2x128x128xf32, #tpu.memory_space<vmem>> -> memref<1x128x128xf32, #tpu.memory_space<vmem>>
    %dma_start3A_241 = tpu.memref_squeeze %dma_start3A_240 : memref<1x128x128xf32, #tpu.memory_space<vmem>> -> memref<128x128xf32, #tpu.memory_space<vmem>>
    %dma_start3A_242 = arith.constant 0 : i32
    %dma_start3A_243 = tpu.memref_slice %arg10[%dma_start3A_236, %dma_start3A_242] : memref<40x128xi32, #tpu.memory_space<vmem>> -> memref<1x128xi32, #tpu.memory_space<vmem>>
    %dma_start3A_244 = tpu.memref_squeeze %dma_start3A_243 : memref<1x128xi32, #tpu.memory_space<vmem>> -> memref<128xi32, #tpu.memory_space<vmem>>
    %dma_start3A_245 = arith.constant 0 : i32
    %dma_start3A_246 = arith.constant 0 : i32
    %dma_start3A_247 = tpu.memref_slice %arg4[%dma_start3A_245, %dma_start3A_246] : memref<10000x128xf32, #tpu.memory_space<hbm>> -> memref<10000x128xf32, #tpu.memory_space<hbm>>
    tpu.enqueue_indirect_dma source(%dma_start3A_247 : memref<10000x128xf32, #tpu.memory_space<hbm>>) target(%dma_start3A_241 : memref<128x128xf32, #tpu.memory_space<vmem>>) offsets(%dma_start3A_244 : memref<128xi32, #tpu.memory_space<vmem>>) semaphore(%arg14 : memref<!tpu.dma_semaphore, #tpu.memory_space<semaphore_mem>>)
    %dma_start3A_248 = arith.constant 1 : i32
    %dma_start3A_249 = arith.constant 1 : i32
    %dma_start3A_250 = arith.constant 0 : i32
    %dma_start3A_251 = arith.constant 0 : i32
    %dma_start3A_252 = tpu.memref_slice %arg12[%dma_start3A_249, %dma_start3A_250, %dma_start3A_251] : memref<2x128x128xf32, #tpu.memory_space<vmem>> -> memref<1x128x128xf32, #tpu.memory_space<vmem>>
    %dma_start3A_253 = tpu.memref_squeeze %dma_start3A_252 : memref<1x128x128xf32, #tpu.memory_space<vmem>> -> memref<128x128xf32, #tpu.memory_space<vmem>>
    %dma_start3A_254 = arith.constant 0 : i32
    %dma_start3A_255 = tpu.memref_slice %arg10[%dma_start3A_248, %dma_start3A_254] : memref<40x128xi32, #tpu.memory_space<vmem>> -> memref<1x128xi32, #tpu.memory_space<vmem>>
    %dma_start3A_256 = tpu.memref_squeeze %dma_start3A_255 : memref<1x128xi32, #tpu.memory_space<vmem>> -> memref<128xi32, #tpu.memory_space<vmem>>
    %dma_start3A_257 = arith.constant 0 : i32
    %dma_start3A_258 = arith.constant 0 : i32
    %dma_start3A_259 = tpu.memref_slice %arg4[%dma_start3A_257, %dma_start3A_258] : memref<10000x128xf32, #tpu.memory_space<hbm>> -> memref<10000x128xf32, #tpu.memory_space<hbm>>
    tpu.enqueue_indirect_dma source(%dma_start3A_259 : memref<10000x128xf32, #tpu.memory_space<hbm>>) target(%dma_start3A_253 : memref<128x128xf32, #tpu.memory_space<vmem>>) offsets(%dma_start3A_256 : memref<128xi32, #tpu.memory_space<vmem>>) semaphore(%arg15 : memref<!tpu.dma_semaphore, #tpu.memory_space<semaphore_mem>>)
    %barrier3A_260 = arith.constant 0 : index
    tpu.barrier barrier_id(%barrier3A_260)
    %mul3A_261 = arith.constant 640 : i32
    %mul3A_262 = arith.muli %arg1, %mul3A_261 : i32
    %mul3A_263 = arith.constant 640 : i32
    %mul3A_264 = arith.muli %arg1, %mul3A_263 : i32
    %run_scoped3A_265 = arith.constant 1 : i32
    "tpu.region"() ({
      %run_scoped3A_488 = tpu.sem_alloc : memref<!tpu.dma_semaphore, #tpu.memory_space<semaphore_mem>>
      %dma_start3A_489 = arith.constant 0 : i32
      %dma_start3A_490 = tpu.memref_slice %arg9[%arg0, %run_scoped3A_265, %mul3A_264, %dma_start3A_489] : memref<2x4x10240x128xf32, #tpu.memory_space<hbm>> -> memref<1x1x640x128xf32, #tpu.memory_space<hbm>>
      %dma_start3A_491 = tpu.memref_squeeze %dma_start3A_490 : memref<1x1x640x128xf32, #tpu.memory_space<hbm>> -> memref<640x128xf32, #tpu.memory_space<hbm>>
      %dma_start3A_492 = arith.constant 0 : i32
      %dma_start3A_493 = tpu.memref_slice %arg13[%mul3A_262, %dma_start3A_492] : memref<10240x128xf32, #tpu.memory_space<vmem_shared>> -> memref<640x128xf32, #tpu.memory_space<vmem_shared>>
      tpu.enqueue_dma source(%dma_start3A_493 : memref<640x128xf32, #tpu.memory_space<vmem_shared>>) target(%dma_start3A_491 : memref<640x128xf32, #tpu.memory_space<hbm>>) target_semaphore(%run_scoped3A_488 : memref<!tpu.dma_semaphore, #tpu.memory_space<semaphore_mem>>)
      %dma_wait3A_494 = arith.constant 0 : i32
      %dma_wait3A_495 = tpu.memref_slice %arg9[%arg0, %run_scoped3A_265, %mul3A_264, %dma_wait3A_494] : memref<2x4x10240x128xf32, #tpu.memory_space<hbm>> -> memref<1x1x640x128xf32, #tpu.memory_space<hbm>>
      %dma_wait3A_496 = tpu.memref_squeeze %dma_wait3A_495 : memref<1x1x640x128xf32, #tpu.memory_space<hbm>> -> memref<640x128xf32, #tpu.memory_space<hbm>>
      %dma_wait3A_497 = arith.constant 0 : i32
      %dma_wait3A_498 = tpu.memref_slice %arg13[%mul3A_262, %dma_wait3A_497] : memref<10240x128xf32, #tpu.memory_space<vmem_shared>> -> memref<640x128xf32, #tpu.memory_space<vmem_shared>>
      tpu.wait_dma2 semaphore(%run_scoped3A_488 : memref<!tpu.dma_semaphore, #tpu.memory_space<semaphore_mem>>) src(%dma_wait3A_498 : memref<640x128xf32, #tpu.memory_space<vmem_shared>>) dst(%dma_wait3A_496 : memref<640x128xf32, #tpu.memory_space<hbm>>)
      tpu.yield
    }) : () -> ()
    %mul3A_266 = arith.constant 640 : i32
    %mul3A_267 = arith.muli %arg1, %mul3A_266 : i32
    "tpu.region"() ({
      %run_scoped3A_488 = tpu.sem_alloc : memref<!tpu.dma_semaphore, #tpu.memory_space<semaphore_mem>>
      %dma_start3A_489 = arith.constant 0 : i32
      %dma_start3A_490 = tpu.memref_slice %arg13[%mul3A_267, %dma_start3A_489] : memref<10240x128xf32, #tpu.memory_space<vmem_shared>> -> memref<640x128xf32, #tpu.memory_space<vmem_shared>>
      tpu.enqueue_dma source(%arg8 : memref<640x128xf32, #tpu.memory_space<hbm>>) target(%dma_start3A_490 : memref<640x128xf32, #tpu.memory_space<vmem_shared>>) target_semaphore(%run_scoped3A_488 : memref<!tpu.dma_semaphore, #tpu.memory_space<semaphore_mem>>)
      %dma_wait3A_491 = arith.constant 0 : i32
      %dma_wait3A_492 = tpu.memref_slice %arg13[%mul3A_267, %dma_wait3A_491] : memref<10240x128xf32, #tpu.memory_space<vmem_shared>> -> memref<640x128xf32, #tpu.memory_space<vmem_shared>>
      tpu.wait_dma2 semaphore(%run_scoped3A_488 : memref<!tpu.dma_semaphore, #tpu.memory_space<semaphore_mem>>) src(%arg8 : memref<640x128xf32, #tpu.memory_space<hbm>>) dst(%dma_wait3A_492 : memref<640x128xf32, #tpu.memory_space<vmem_shared>>)
      tpu.yield
    }) : () -> ()
    %barrier3A_268 = arith.constant 0 : index
    tpu.barrier barrier_id(%barrier3A_268)
    %scan3A_269 = arith.constant 0 : i32
    %scan3A_270 = arith.constant 0 : i32
    %scan3A_271 = arith.constant 19 : i32
    %scan3A_272 = arith.addi %scan3A_270, %scan3A_271 : i32
    %scan3A_273 = arith.constant 1 : i32
    scf.for %scan3A_488 = %scan3A_270 to %scan3A_272 step %scan3A_273  : i32 {
      %mul3A_489 = arith.constant 2 : i32
      %mul3A_490 = arith.muli %scan3A_488, %mul3A_489 : i32
      %dma_wait3A_491 = arith.constant 0 : i32
      %dma_wait3A_492 = arith.constant 0 : i32
      %dma_wait3A_493 = arith.constant 0 : i32
      %dma_wait3A_494 = tpu.memref_slice %arg12[%dma_wait3A_491, %dma_wait3A_492, %dma_wait3A_493] : memref<2x128x128xf32, #tpu.memory_space<vmem>> -> memref<1x128x128xf32, #tpu.memory_space<vmem>>
      %dma_wait3A_495 = tpu.memref_squeeze %dma_wait3A_494 : memref<1x128x128xf32, #tpu.memory_space<vmem>> -> memref<128x128xf32, #tpu.memory_space<vmem>>
      %dma_wait3A_496 = arith.constant 0 : i32
      %dma_wait3A_497 = arith.constant 0 : i32
      %dma_wait3A_498 = tpu.memref_slice %arg8[%dma_wait3A_496, %dma_wait3A_497] : memref<640x128xf32, #tpu.memory_space<hbm>> -> memref<128x128xf32, #tpu.memory_space<hbm>>
      %dma_wait3A_499 = arith.constant 0 : i32
      %dma_wait3A_500 = arith.constant 0 : i32
      %dma_wait3A_501 = tpu.memref_slice %arg12[%dma_wait3A_491, %dma_wait3A_499, %dma_wait3A_500] : memref<2x128x128xf32, #tpu.memory_space<vmem>> -> memref<1x128x128xf32, #tpu.memory_space<vmem>>
      %dma_wait3A_502 = tpu.memref_squeeze %dma_wait3A_501 : memref<1x128x128xf32, #tpu.memory_space<vmem>> -> memref<128x128xf32, #tpu.memory_space<vmem>>
      %dma_wait3A_503 = arith.constant 0 : i32
      %dma_wait3A_504 = arith.constant 0 : i32
      %dma_wait3A_505 = tpu.memref_slice %arg8[%dma_wait3A_503, %dma_wait3A_504] : memref<640x128xf32, #tpu.memory_space<hbm>> -> memref<128x128xf32, #tpu.memory_space<hbm>>
      tpu.wait_dma2 semaphore(%arg14 : memref<!tpu.dma_semaphore, #tpu.memory_space<semaphore_mem>>) src(%dma_wait3A_505 : memref<128x128xf32, #tpu.memory_space<hbm>>) dst(%dma_wait3A_502 : memref<128x128xf32, #tpu.memory_space<vmem>>)
      %add3A_506 = arith.constant 0 : i32
      %add3A_507 = arith.addi %mul3A_490, %add3A_506 : i32
      %dma_start3A_508 = arith.constant 0 : i32
      %dma_start3A_509 = arith.constant 0 : i32
      %dma_start3A_510 = arith.constant 0 : i32
      %dma_start3A_511 = tpu.memref_slice %arg12[%dma_start3A_508, %dma_start3A_509, %dma_start3A_510] : memref<2x128x128xf32, #tpu.memory_space<vmem>> -> memref<1x128x128xf32, #tpu.memory_space<vmem>>
      %dma_start3A_512 = tpu.memref_squeeze %dma_start3A_511 : memref<1x128x128xf32, #tpu.memory_space<vmem>> -> memref<128x128xf32, #tpu.memory_space<vmem>>
      %dma_start3A_513 = arith.constant 0 : i32
      %dma_start3A_514 = tpu.memref_slice %arg11[%add3A_507, %dma_start3A_513] : memref<40x128xi32, #tpu.memory_space<vmem>> -> memref<1x128xi32, #tpu.memory_space<vmem>>
      %dma_start3A_515 = tpu.memref_squeeze %dma_start3A_514 : memref<1x128xi32, #tpu.memory_space<vmem>> -> memref<128xi32, #tpu.memory_space<vmem>>
      %dma_start3A_516 = arith.constant 0 : i32
      %dma_start3A_517 = arith.constant 0 : i32
      %dma_start3A_518 = tpu.memref_slice %arg13[%dma_start3A_516, %dma_start3A_517] : memref<10240x128xf32, #tpu.memory_space<vmem_shared>> -> memref<10240x128xf32, #tpu.memory_space<vmem_shared>>
      tpu.enqueue_indirect_dma source(%dma_start3A_512 : memref<128x128xf32, #tpu.memory_space<vmem>>) target(%dma_start3A_518 : memref<10240x128xf32, #tpu.memory_space<vmem_shared>>) offsets(%dma_start3A_515 : memref<128xi32, #tpu.memory_space<vmem>>) semaphore(%arg16 : memref<!tpu.dma_semaphore, #tpu.memory_space<semaphore_mem>>) {add = true}
      %dma_wait3A_519 = arith.constant 0 : i32
      %dma_wait3A_520 = arith.constant 0 : i32
      %dma_wait3A_521 = arith.constant 0 : i32
      %dma_wait3A_522 = tpu.memref_slice %arg12[%dma_wait3A_519, %dma_wait3A_520, %dma_wait3A_521] : memref<2x128x128xf32, #tpu.memory_space<vmem>> -> memref<1x128x128xf32, #tpu.memory_space<vmem>>
      %dma_wait3A_523 = tpu.memref_squeeze %dma_wait3A_522 : memref<1x128x128xf32, #tpu.memory_space<vmem>> -> memref<128x128xf32, #tpu.memory_space<vmem>>
      %dma_wait3A_524 = arith.constant 0 : i32
      %dma_wait3A_525 = arith.constant 0 : i32
      %dma_wait3A_526 = tpu.memref_slice %arg8[%dma_wait3A_524, %dma_wait3A_525] : memref<640x128xf32, #tpu.memory_space<hbm>> -> memref<128x128xf32, #tpu.memory_space<hbm>>
      %dma_wait3A_527 = arith.constant 0 : i32
      %dma_wait3A_528 = arith.constant 0 : i32
      %dma_wait3A_529 = tpu.memref_slice %arg12[%dma_wait3A_519, %dma_wait3A_527, %dma_wait3A_528] : memref<2x128x128xf32, #tpu.memory_space<vmem>> -> memref<1x128x128xf32, #tpu.memory_space<vmem>>
      %dma_wait3A_530 = tpu.memref_squeeze %dma_wait3A_529 : memref<1x128x128xf32, #tpu.memory_space<vmem>> -> memref<128x128xf32, #tpu.memory_space<vmem>>
      %dma_wait3A_531 = arith.constant 0 : i32
      %dma_wait3A_532 = arith.constant 0 : i32
      %dma_wait3A_533 = tpu.memref_slice %arg8[%dma_wait3A_531, %dma_wait3A_532] : memref<640x128xf32, #tpu.memory_space<hbm>> -> memref<128x128xf32, #tpu.memory_space<hbm>>
      tpu.wait_dma2 semaphore(%arg16 : memref<!tpu.dma_semaphore, #tpu.memory_space<semaphore_mem>>) src(%dma_wait3A_533 : memref<128x128xf32, #tpu.memory_space<hbm>>) dst(%dma_wait3A_530 : memref<128x128xf32, #tpu.memory_space<vmem>>)
      %add3A_534 = arith.constant 0 : i32
      %add3A_535 = arith.addi %mul3A_490, %add3A_534 : i32
      %add3A_536 = arith.constant 2 : i32
      %add3A_537 = arith.addi %add3A_535, %add3A_536 : i32
      %dma_start3A_538 = arith.constant 0 : i32
      %dma_start3A_539 = arith.constant 0 : i32
      %dma_start3A_540 = arith.constant 0 : i32
      %dma_start3A_541 = tpu.memref_slice %arg12[%dma_start3A_538, %dma_start3A_539, %dma_start3A_540] : memref<2x128x128xf32, #tpu.memory_space<vmem>> -> memref<1x128x128xf32, #tpu.memory_space<vmem>>
      %dma_start3A_542 = tpu.memref_squeeze %dma_start3A_541 : memref<1x128x128xf32, #tpu.memory_space<vmem>> -> memref<128x128xf32, #tpu.memory_space<vmem>>
      %dma_start3A_543 = arith.constant 0 : i32
      %dma_start3A_544 = tpu.memref_slice %arg10[%add3A_537, %dma_start3A_543] : memref<40x128xi32, #tpu.memory_space<vmem>> -> memref<1x128xi32, #tpu.memory_space<vmem>>
      %dma_start3A_545 = tpu.memref_squeeze %dma_start3A_544 : memref<1x128xi32, #tpu.memory_space<vmem>> -> memref<128xi32, #tpu.memory_space<vmem>>
      %dma_start3A_546 = arith.constant 0 : i32
      %dma_start3A_547 = arith.constant 0 : i32
      %dma_start3A_548 = tpu.memref_slice %arg4[%dma_start3A_546, %dma_start3A_547] : memref<10000x128xf32, #tpu.memory_space<hbm>> -> memref<10000x128xf32, #tpu.memory_space<hbm>>
      tpu.enqueue_indirect_dma source(%dma_start3A_548 : memref<10000x128xf32, #tpu.memory_space<hbm>>) target(%dma_start3A_542 : memref<128x128xf32, #tpu.memory_space<vmem>>) offsets(%dma_start3A_545 : memref<128xi32, #tpu.memory_space<vmem>>) semaphore(%arg14 : memref<!tpu.dma_semaphore, #tpu.memory_space<semaphore_mem>>)
      %dma_wait3A_549 = arith.constant 1 : i32
      %dma_wait3A_550 = arith.constant 0 : i32
      %dma_wait3A_551 = arith.constant 0 : i32
      %dma_wait3A_552 = tpu.memref_slice %arg12[%dma_wait3A_549, %dma_wait3A_550, %dma_wait3A_551] : memref<2x128x128xf32, #tpu.memory_space<vmem>> -> memref<1x128x128xf32, #tpu.memory_space<vmem>>
      %dma_wait3A_553 = tpu.memref_squeeze %dma_wait3A_552 : memref<1x128x128xf32, #tpu.memory_space<vmem>> -> memref<128x128xf32, #tpu.memory_space<vmem>>
      %dma_wait3A_554 = arith.constant 0 : i32
      %dma_wait3A_555 = arith.constant 0 : i32
      %dma_wait3A_556 = tpu.memref_slice %arg8[%dma_wait3A_554, %dma_wait3A_555] : memref<640x128xf32, #tpu.memory_space<hbm>> -> memref<128x128xf32, #tpu.memory_space<hbm>>
      %dma_wait3A_557 = arith.constant 0 : i32
      %dma_wait3A_558 = arith.constant 0 : i32
      %dma_wait3A_559 = tpu.memref_slice %arg12[%dma_wait3A_549, %dma_wait3A_557, %dma_wait3A_558] : memref<2x128x128xf32, #tpu.memory_space<vmem>> -> memref<1x128x128xf32, #tpu.memory_space<vmem>>
      %dma_wait3A_560 = tpu.memref_squeeze %dma_wait3A_559 : memref<1x128x128xf32, #tpu.memory_space<vmem>> -> memref<128x128xf32, #tpu.memory_space<vmem>>
      %dma_wait3A_561 = arith.constant 0 : i32
      %dma_wait3A_562 = arith.constant 0 : i32
      %dma_wait3A_563 = tpu.memref_slice %arg8[%dma_wait3A_561, %dma_wait3A_562] : memref<640x128xf32, #tpu.memory_space<hbm>> -> memref<128x128xf32, #tpu.memory_space<hbm>>
      tpu.wait_dma2 semaphore(%arg15 : memref<!tpu.dma_semaphore, #tpu.memory_space<semaphore_mem>>) src(%dma_wait3A_563 : memref<128x128xf32, #tpu.memory_space<hbm>>) dst(%dma_wait3A_560 : memref<128x128xf32, #tpu.memory_space<vmem>>)
      %add3A_564 = arith.constant 1 : i32
      %add3A_565 = arith.addi %mul3A_490, %add3A_564 : i32
      %dma_start3A_566 = arith.constant 1 : i32
      %dma_start3A_567 = arith.constant 0 : i32
      %dma_start3A_568 = arith.constant 0 : i32
      %dma_start3A_569 = tpu.memref_slice %arg12[%dma_start3A_566, %dma_start3A_567, %dma_start3A_568] : memref<2x128x128xf32, #tpu.memory_space<vmem>> -> memref<1x128x128xf32, #tpu.memory_space<vmem>>
      %dma_start3A_570 = tpu.memref_squeeze %dma_start3A_569 : memref<1x128x128xf32, #tpu.memory_space<vmem>> -> memref<128x128xf32, #tpu.memory_space<vmem>>
      %dma_start3A_571 = arith.constant 0 : i32
      %dma_start3A_572 = tpu.memref_slice %arg11[%add3A_565, %dma_start3A_571] : memref<40x128xi32, #tpu.memory_space<vmem>> -> memref<1x128xi32, #tpu.memory_space<vmem>>
      %dma_start3A_573 = tpu.memref_squeeze %dma_start3A_572 : memref<1x128xi32, #tpu.memory_space<vmem>> -> memref<128xi32, #tpu.memory_space<vmem>>
      %dma_start3A_574 = arith.constant 0 : i32
      %dma_start3A_575 = arith.constant 0 : i32
      %dma_start3A_576 = tpu.memref_slice %arg13[%dma_start3A_574, %dma_start3A_575] : memref<10240x128xf32, #tpu.memory_space<vmem_shared>> -> memref<10240x128xf32, #tpu.memory_space<vmem_shared>>
      tpu.enqueue_indirect_dma source(%dma_start3A_570 : memref<128x128xf32, #tpu.memory_space<vmem>>) target(%dma_start3A_576 : memref<10240x128xf32, #tpu.memory_space<vmem_shared>>) offsets(%dma_start3A_573 : memref<128xi32, #tpu.memory_space<vmem>>) semaphore(%arg17 : memref<!tpu.dma_semaphore, #tpu.memory_space<semaphore_mem>>) {add = true}
      %dma_wait3A_577 = arith.constant 1 : i32
      %dma_wait3A_578 = arith.constant 0 : i32
      %dma_wait3A_579 = arith.constant 0 : i32
      %dma_wait3A_580 = tpu.memref_slice %arg12[%dma_wait3A_577, %dma_wait3A_578, %dma_wait3A_579] : memref<2x128x128xf32, #tpu.memory_space<vmem>> -> memref<1x128x128xf32, #tpu.memory_space<vmem>>
      %dma_wait3A_581 = tpu.memref_squeeze %dma_wait3A_580 : memref<1x128x128xf32, #tpu.memory_space<vmem>> -> memref<128x128xf32, #tpu.memory_space<vmem>>
      %dma_wait3A_582 = arith.constant 0 : i32
      %dma_wait3A_583 = arith.constant 0 : i32
      %dma_wait3A_584 = tpu.memref_slice %arg8[%dma_wait3A_582, %dma_wait3A_583] : memref<640x128xf32, #tpu.memory_space<hbm>> -> memref<128x128xf32, #tpu.memory_space<hbm>>
      %dma_wait3A_585 = arith.constant 0 : i32
      %dma_wait3A_586 = arith.constant 0 : i32
      %dma_wait3A_587 = tpu.memref_slice %arg12[%dma_wait3A_577, %dma_wait3A_585, %dma_wait3A_586] : memref<2x128x128xf32, #tpu.memory_space<vmem>> -> memref<1x128x128xf32, #tpu.memory_space<vmem>>
      %dma_wait3A_588 = tpu.memref_squeeze %dma_wait3A_587 : memref<1x128x128xf32, #tpu.memory_space<vmem>> -> memref<128x128xf32, #tpu.memory_space<vmem>>
      %dma_wait3A_589 = arith.constant 0 : i32
      %dma_wait3A_590 = arith.constant 0 : i32
      %dma_wait3A_591 = tpu.memref_slice %arg8[%dma_wait3A_589, %dma_wait3A_590] : memref<640x128xf32, #tpu.memory_space<hbm>> -> memref<128x128xf32, #tpu.memory_space<hbm>>
      tpu.wait_dma2 semaphore(%arg17 : memref<!tpu.dma_semaphore, #tpu.memory_space<semaphore_mem>>) src(%dma_wait3A_591 : memref<128x128xf32, #tpu.memory_space<hbm>>) dst(%dma_wait3A_588 : memref<128x128xf32, #tpu.memory_space<vmem>>)
      %add3A_592 = arith.constant 1 : i32
      %add3A_593 = arith.addi %mul3A_490, %add3A_592 : i32
      %add3A_594 = arith.constant 2 : i32
      %add3A_595 = arith.addi %add3A_593, %add3A_594 : i32
      %dma_start3A_596 = arith.constant 1 : i32
      %dma_start3A_597 = arith.constant 0 : i32
      %dma_start3A_598 = arith.constant 0 : i32
      %dma_start3A_599 = tpu.memref_slice %arg12[%dma_start3A_596, %dma_start3A_597, %dma_start3A_598] : memref<2x128x128xf32, #tpu.memory_space<vmem>> -> memref<1x128x128xf32, #tpu.memory_space<vmem>>
      %dma_start3A_600 = tpu.memref_squeeze %dma_start3A_599 : memref<1x128x128xf32, #tpu.memory_space<vmem>> -> memref<128x128xf32, #tpu.memory_space<vmem>>
      %dma_start3A_601 = arith.constant 0 : i32
      %dma_start3A_602 = tpu.memref_slice %arg10[%add3A_595, %dma_start3A_601] : memref<40x128xi32, #tpu.memory_space<vmem>> -> memref<1x128xi32, #tpu.memory_space<vmem>>
      %dma_start3A_603 = tpu.memref_squeeze %dma_start3A_602 : memref<1x128xi32, #tpu.memory_space<vmem>> -> memref<128xi32, #tpu.memory_space<vmem>>
      %dma_start3A_604 = arith.constant 0 : i32
      %dma_start3A_605 = arith.constant 0 : i32
      %dma_start3A_606 = tpu.memref_slice %arg4[%dma_start3A_604, %dma_start3A_605] : memref<10000x128xf32, #tpu.memory_space<hbm>> -> memref<10000x128xf32, #tpu.memory_space<hbm>>
      tpu.enqueue_indirect_dma source(%dma_start3A_606 : memref<10000x128xf32, #tpu.memory_space<hbm>>) target(%dma_start3A_600 : memref<128x128xf32, #tpu.memory_space<vmem>>) offsets(%dma_start3A_603 : memref<128xi32, #tpu.memory_space<vmem>>) semaphore(%arg15 : memref<!tpu.dma_semaphore, #tpu.memory_space<semaphore_mem>>)
    }
    %scan3A_274 = arith.constant 19 : i32
    %dma_wait3A_275 = arith.constant 0 : i32
    %dma_wait3A_276 = arith.constant 0 : i32
    %dma_wait3A_277 = arith.constant 0 : i32
    %dma_wait3A_278 = tpu.memref_slice %arg12[%dma_wait3A_275, %dma_wait3A_276, %dma_wait3A_277] : memref<2x128x128xf32, #tpu.memory_space<vmem>> -> memref<1x128x128xf32, #tpu.memory_space<vmem>>
    %dma_wait3A_279 = tpu.memref_squeeze %dma_wait3A_278 : memref<1x128x128xf32, #tpu.memory_space<vmem>> -> memref<128x128xf32, #tpu.memory_space<vmem>>
    %dma_wait3A_280 = arith.constant 0 : i32
    %dma_wait3A_281 = arith.constant 0 : i32
    %dma_wait3A_282 = tpu.memref_slice %arg8[%dma_wait3A_280, %dma_wait3A_281] : memref<640x128xf32, #tpu.memory_space<hbm>> -> memref<128x128xf32, #tpu.memory_space<hbm>>
    %dma_wait3A_283 = arith.constant 0 : i32
    %dma_wait3A_284 = arith.constant 0 : i32
    %dma_wait3A_285 = tpu.memref_slice %arg12[%dma_wait3A_275, %dma_wait3A_283, %dma_wait3A_284] : memref<2x128x128xf32, #tpu.memory_space<vmem>> -> memref<1x128x128xf32, #tpu.memory_space<vmem>>
    %dma_wait3A_286 = tpu.memref_squeeze %dma_wait3A_285 : memref<1x128x128xf32, #tpu.memory_space<vmem>> -> memref<128x128xf32, #tpu.memory_space<vmem>>
    %dma_wait3A_287 = arith.constant 0 : i32
    %dma_wait3A_288 = arith.constant 0 : i32
    %dma_wait3A_289 = tpu.memref_slice %arg8[%dma_wait3A_287, %dma_wait3A_288] : memref<640x128xf32, #tpu.memory_space<hbm>> -> memref<128x128xf32, #tpu.memory_space<hbm>>
    tpu.wait_dma2 semaphore(%arg14 : memref<!tpu.dma_semaphore, #tpu.memory_space<semaphore_mem>>) src(%dma_wait3A_289 : memref<128x128xf32, #tpu.memory_space<hbm>>) dst(%dma_wait3A_286 : memref<128x128xf32, #tpu.memory_space<vmem>>)
    %dma_start3A_290 = arith.constant 0 : i32
    %dma_start3A_291 = arith.constant 38 : i32
    %dma_start3A_292 = arith.constant 0 : i32
    %dma_start3A_293 = arith.constant 0 : i32
    %dma_start3A_294 = tpu.memref_slice %arg12[%dma_start3A_290, %dma_start3A_292, %dma_start3A_293] : memref<2x128x128xf32, #tpu.memory_space<vmem>> -> memref<1x128x128xf32, #tpu.memory_space<vmem>>
    %dma_start3A_295 = tpu.memref_squeeze %dma_start3A_294 : memref<1x128x128xf32, #tpu.memory_space<vmem>> -> memref<128x128xf32, #tpu.memory_space<vmem>>
    %dma_start3A_296 = arith.constant 0 : i32
    %dma_start3A_297 = tpu.memref_slice %arg11[%dma_start3A_291, %dma_start3A_296] : memref<40x128xi32, #tpu.memory_space<vmem>> -> memref<1x128xi32, #tpu.memory_space<vmem>>
    %dma_start3A_298 = tpu.memref_squeeze %dma_start3A_297 : memref<1x128xi32, #tpu.memory_space<vmem>> -> memref<128xi32, #tpu.memory_space<vmem>>
    %dma_start3A_299 = arith.constant 0 : i32
    %dma_start3A_300 = arith.constant 0 : i32
    %dma_start3A_301 = tpu.memref_slice %arg13[%dma_start3A_299, %dma_start3A_300] : memref<10240x128xf32, #tpu.memory_space<vmem_shared>> -> memref<10240x128xf32, #tpu.memory_space<vmem_shared>>
    tpu.enqueue_indirect_dma source(%dma_start3A_295 : memref<128x128xf32, #tpu.memory_space<vmem>>) target(%dma_start3A_301 : memref<10240x128xf32, #tpu.memory_space<vmem_shared>>) offsets(%dma_start3A_298 : memref<128xi32, #tpu.memory_space<vmem>>) semaphore(%arg16 : memref<!tpu.dma_semaphore, #tpu.memory_space<semaphore_mem>>) {add = true}
    %dma_wait3A_302 = arith.constant 0 : i32
    %dma_wait3A_303 = arith.constant 0 : i32
    %dma_wait3A_304 = arith.constant 0 : i32
    %dma_wait3A_305 = tpu.memref_slice %arg12[%dma_wait3A_302, %dma_wait3A_303, %dma_wait3A_304] : memref<2x128x128xf32, #tpu.memory_space<vmem>> -> memref<1x128x128xf32, #tpu.memory_space<vmem>>
    %dma_wait3A_306 = tpu.memref_squeeze %dma_wait3A_305 : memref<1x128x128xf32, #tpu.memory_space<vmem>> -> memref<128x128xf32, #tpu.memory_space<vmem>>
    %dma_wait3A_307 = arith.constant 0 : i32
    %dma_wait3A_308 = arith.constant 0 : i32
    %dma_wait3A_309 = tpu.memref_slice %arg8[%dma_wait3A_307, %dma_wait3A_308] : memref<640x128xf32, #tpu.memory_space<hbm>> -> memref<128x128xf32, #tpu.memory_space<hbm>>
    %dma_wait3A_310 = arith.constant 0 : i32
    %dma_wait3A_311 = arith.constant 0 : i32
    %dma_wait3A_312 = tpu.memref_slice %arg12[%dma_wait3A_302, %dma_wait3A_310, %dma_wait3A_311] : memref<2x128x128xf32, #tpu.memory_space<vmem>> -> memref<1x128x128xf32, #tpu.memory_space<vmem>>
    %dma_wait3A_313 = tpu.memref_squeeze %dma_wait3A_312 : memref<1x128x128xf32, #tpu.memory_space<vmem>> -> memref<128x128xf32, #tpu.memory_space<vmem>>
    %dma_wait3A_314 = arith.constant 0 : i32
    %dma_wait3A_315 = arith.constant 0 : i32
    %dma_wait3A_316 = tpu.memref_slice %arg8[%dma_wait3A_314, %dma_wait3A_315] : memref<640x128xf32, #tpu.memory_space<hbm>> -> memref<128x128xf32, #tpu.memory_space<hbm>>
    tpu.wait_dma2 semaphore(%arg16 : memref<!tpu.dma_semaphore, #tpu.memory_space<semaphore_mem>>) src(%dma_wait3A_316 : memref<128x128xf32, #tpu.memory_space<hbm>>) dst(%dma_wait3A_313 : memref<128x128xf32, #tpu.memory_space<vmem>>)
    %dma_wait3A_317 = arith.constant 1 : i32
    %dma_wait3A_318 = arith.constant 0 : i32
    %dma_wait3A_319 = arith.constant 0 : i32
    %dma_wait3A_320 = tpu.memref_slice %arg12[%dma_wait3A_317, %dma_wait3A_318, %dma_wait3A_319] : memref<2x128x128xf32, #tpu.memory_space<vmem>> -> memref<1x128x128xf32, #tpu.memory_space<vmem>>
    %dma_wait3A_321 = tpu.memref_squeeze %dma_wait3A_320 : memref<1x128x128xf32, #tpu.memory_space<vmem>> -> memref<128x128xf32, #tpu.memory_space<vmem>>
    %dma_wait3A_322 = arith.constant 0 : i32
    %dma_wait3A_323 = arith.constant 0 : i32
    %dma_wait3A_324 = tpu.memref_slice %arg8[%dma_wait3A_322, %dma_wait3A_323] : memref<640x128xf32, #tpu.memory_space<hbm>> -> memref<128x128xf32, #tpu.memory_space<hbm>>
    %dma_wait3A_325 = arith.constant 0 : i32
    %dma_wait3A_326 = arith.constant 0 : i32
    %dma_wait3A_327 = tpu.memref_slice %arg12[%dma_wait3A_317, %dma_wait3A_325, %dma_wait3A_326] : memref<2x128x128xf32, #tpu.memory_space<vmem>> -> memref<1x128x128xf32, #tpu.memory_space<vmem>>
    %dma_wait3A_328 = tpu.memref_squeeze %dma_wait3A_327 : memref<1x128x128xf32, #tpu.memory_space<vmem>> -> memref<128x128xf32, #tpu.memory_space<vmem>>
    %dma_wait3A_329 = arith.constant 0 : i32
    %dma_wait3A_330 = arith.constant 0 : i32
    %dma_wait3A_331 = tpu.memref_slice %arg8[%dma_wait3A_329, %dma_wait3A_330] : memref<640x128xf32, #tpu.memory_space<hbm>> -> memref<128x128xf32, #tpu.memory_space<hbm>>
    tpu.wait_dma2 semaphore(%arg15 : memref<!tpu.dma_semaphore, #tpu.memory_space<semaphore_mem>>) src(%dma_wait3A_331 : memref<128x128xf32, #tpu.memory_space<hbm>>) dst(%dma_wait3A_328 : memref<128x128xf32, #tpu.memory_space<vmem>>)
    %dma_start3A_332 = arith.constant 1 : i32
    %dma_start3A_333 = arith.constant 39 : i32
    %dma_start3A_334 = arith.constant 0 : i32
    %dma_start3A_335 = arith.constant 0 : i32
    %dma_start3A_336 = tpu.memref_slice %arg12[%dma_start3A_332, %dma_start3A_334, %dma_start3A_335] : memref<2x128x128xf32, #tpu.memory_space<vmem>> -> memref<1x128x128xf32, #tpu.memory_space<vmem>>
    %dma_start3A_337 = tpu.memref_squeeze %dma_start3A_336 : memref<1x128x128xf32, #tpu.memory_space<vmem>> -> memref<128x128xf32, #tpu.memory_space<vmem>>
    %dma_start3A_338 = arith.constant 0 : i32
    %dma_start3A_339 = tpu.memref_slice %arg11[%dma_start3A_333, %dma_start3A_338] : memref<40x128xi32, #tpu.memory_space<vmem>> -> memref<1x128xi32, #tpu.memory_space<vmem>>
    %dma_start3A_340 = tpu.memref_squeeze %dma_start3A_339 : memref<1x128xi32, #tpu.memory_space<vmem>> -> memref<128xi32, #tpu.memory_space<vmem>>
    %dma_start3A_341 = arith.constant 0 : i32
    %dma_start3A_342 = arith.constant 0 : i32
    %dma_start3A_343 = tpu.memref_slice %arg13[%dma_start3A_341, %dma_start3A_342] : memref<10240x128xf32, #tpu.memory_space<vmem_shared>> -> memref<10240x128xf32, #tpu.memory_space<vmem_shared>>
    tpu.enqueue_indirect_dma source(%dma_start3A_337 : memref<128x128xf32, #tpu.memory_space<vmem>>) target(%dma_start3A_343 : memref<10240x128xf32, #tpu.memory_space<vmem_shared>>) offsets(%dma_start3A_340 : memref<128xi32, #tpu.memory_space<vmem>>) semaphore(%arg17 : memref<!tpu.dma_semaphore, #tpu.memory_space<semaphore_mem>>) {add = true}
    %dma_wait3A_344 = arith.constant 1 : i32
    %dma_wait3A_345 = arith.constant 0 : i32
    %dma_wait3A_346 = arith.constant 0 : i32
    %dma_wait3A_347 = tpu.memref_slice %arg12[%dma_wait3A_344, %dma_wait3A_345, %dma_wait3A_346] : memref<2x128x128xf32, #tpu.memory_space<vmem>> -> memref<1x128x128xf32, #tpu.memory_space<vmem>>
    %dma_wait3A_348 = tpu.memref_squeeze %dma_wait3A_347 : memref<1x128x128xf32, #tpu.memory_space<vmem>> -> memref<128x128xf32, #tpu.memory_space<vmem>>
    %dma_wait3A_349 = arith.constant 0 : i32
    %dma_wait3A_350 = arith.constant 0 : i32
    %dma_wait3A_351 = tpu.memref_slice %arg8[%dma_wait3A_349, %dma_wait3A_350] : memref<640x128xf32, #tpu.memory_space<hbm>> -> memref<128x128xf32, #tpu.memory_space<hbm>>
    %dma_wait3A_352 = arith.constant 0 : i32
    %dma_wait3A_353 = arith.constant 0 : i32
    %dma_wait3A_354 = tpu.memref_slice %arg12[%dma_wait3A_344, %dma_wait3A_352, %dma_wait3A_353] : memref<2x128x128xf32, #tpu.memory_space<vmem>> -> memref<1x128x128xf32, #tpu.memory_space<vmem>>
    %dma_wait3A_355 = tpu.memref_squeeze %dma_wait3A_354 : memref<1x128x128xf32, #tpu.memory_space<vmem>> -> memref<128x128xf32, #tpu.memory_space<vmem>>
    %dma_wait3A_356 = arith.constant 0 : i32
    %dma_wait3A_357 = arith.constant 0 : i32
    %dma_wait3A_358 = tpu.memref_slice %arg8[%dma_wait3A_356, %dma_wait3A_357] : memref<640x128xf32, #tpu.memory_space<hbm>> -> memref<128x128xf32, #tpu.memory_space<hbm>>
    tpu.wait_dma2 semaphore(%arg17 : memref<!tpu.dma_semaphore, #tpu.memory_space<semaphore_mem>>) src(%dma_wait3A_358 : memref<128x128xf32, #tpu.memory_space<hbm>>) dst(%dma_wait3A_355 : memref<128x128xf32, #tpu.memory_space<vmem>>)
    %dma_start3A_359 = arith.constant 0 : i32
    %dma_start3A_360 = arith.constant 0 : i32
    %dma_start3A_361 = arith.constant 0 : i32
    %dma_start3A_362 = arith.constant 0 : i32
    %dma_start3A_363 = tpu.memref_slice %arg12[%dma_start3A_360, %dma_start3A_361, %dma_start3A_362] : memref<2x128x128xf32, #tpu.memory_space<vmem>> -> memref<1x128x128xf32, #tpu.memory_space<vmem>>
    %dma_start3A_364 = tpu.memref_squeeze %dma_start3A_363 : memref<1x128x128xf32, #tpu.memory_space<vmem>> -> memref<128x128xf32, #tpu.memory_space<vmem>>
    %dma_start3A_365 = arith.constant 0 : i32
    %dma_start3A_366 = tpu.memref_slice %arg10[%dma_start3A_359, %dma_start3A_365] : memref<40x128xi32, #tpu.memory_space<vmem>> -> memref<1x128xi32, #tpu.memory_space<vmem>>
    %dma_start3A_367 = tpu.memref_squeeze %dma_start3A_366 : memref<1x128xi32, #tpu.memory_space<vmem>> -> memref<128xi32, #tpu.memory_space<vmem>>
    %dma_start3A_368 = arith.constant 0 : i32
    %dma_start3A_369 = arith.constant 0 : i32
    %dma_start3A_370 = tpu.memref_slice %arg5[%dma_start3A_368, %dma_start3A_369] : memref<10000x128xf32, #tpu.memory_space<hbm>> -> memref<10000x128xf32, #tpu.memory_space<hbm>>
    tpu.enqueue_indirect_dma source(%dma_start3A_370 : memref<10000x128xf32, #tpu.memory_space<hbm>>) target(%dma_start3A_364 : memref<128x128xf32, #tpu.memory_space<vmem>>) offsets(%dma_start3A_367 : memref<128xi32, #tpu.memory_space<vmem>>) semaphore(%arg14 : memref<!tpu.dma_semaphore, #tpu.memory_space<semaphore_mem>>)
    %dma_start3A_371 = arith.constant 1 : i32
    %dma_start3A_372 = arith.constant 1 : i32
    %dma_start3A_373 = arith.constant 0 : i32
    %dma_start3A_374 = arith.constant 0 : i32
    %dma_start3A_375 = tpu.memref_slice %arg12[%dma_start3A_372, %dma_start3A_373, %dma_start3A_374] : memref<2x128x128xf32, #tpu.memory_space<vmem>> -> memref<1x128x128xf32, #tpu.memory_space<vmem>>
    %dma_start3A_376 = tpu.memref_squeeze %dma_start3A_375 : memref<1x128x128xf32, #tpu.memory_space<vmem>> -> memref<128x128xf32, #tpu.memory_space<vmem>>
    %dma_start3A_377 = arith.constant 0 : i32
    %dma_start3A_378 = tpu.memref_slice %arg10[%dma_start3A_371, %dma_start3A_377] : memref<40x128xi32, #tpu.memory_space<vmem>> -> memref<1x128xi32, #tpu.memory_space<vmem>>
    %dma_start3A_379 = tpu.memref_squeeze %dma_start3A_378 : memref<1x128xi32, #tpu.memory_space<vmem>> -> memref<128xi32, #tpu.memory_space<vmem>>
    %dma_start3A_380 = arith.constant 0 : i32
    %dma_start3A_381 = arith.constant 0 : i32
    %dma_start3A_382 = tpu.memref_slice %arg5[%dma_start3A_380, %dma_start3A_381] : memref<10000x128xf32, #tpu.memory_space<hbm>> -> memref<10000x128xf32, #tpu.memory_space<hbm>>
    tpu.enqueue_indirect_dma source(%dma_start3A_382 : memref<10000x128xf32, #tpu.memory_space<hbm>>) target(%dma_start3A_376 : memref<128x128xf32, #tpu.memory_space<vmem>>) offsets(%dma_start3A_379 : memref<128xi32, #tpu.memory_space<vmem>>) semaphore(%arg15 : memref<!tpu.dma_semaphore, #tpu.memory_space<semaphore_mem>>)
    %barrier3A_383 = arith.constant 0 : index
    tpu.barrier barrier_id(%barrier3A_383)
    %mul3A_384 = arith.constant 640 : i32
    %mul3A_385 = arith.muli %arg1, %mul3A_384 : i32
    %mul3A_386 = arith.constant 640 : i32
    %mul3A_387 = arith.muli %arg1, %mul3A_386 : i32
    %run_scoped3A_388 = arith.constant 2 : i32
    "tpu.region"() ({
      %run_scoped3A_488 = tpu.sem_alloc : memref<!tpu.dma_semaphore, #tpu.memory_space<semaphore_mem>>
      %dma_start3A_489 = arith.constant 0 : i32
      %dma_start3A_490 = tpu.memref_slice %arg9[%arg0, %run_scoped3A_388, %mul3A_387, %dma_start3A_489] : memref<2x4x10240x128xf32, #tpu.memory_space<hbm>> -> memref<1x1x640x128xf32, #tpu.memory_space<hbm>>
      %dma_start3A_491 = tpu.memref_squeeze %dma_start3A_490 : memref<1x1x640x128xf32, #tpu.memory_space<hbm>> -> memref<640x128xf32, #tpu.memory_space<hbm>>
      %dma_start3A_492 = arith.constant 0 : i32
      %dma_start3A_493 = tpu.memref_slice %arg13[%mul3A_385, %dma_start3A_492] : memref<10240x128xf32, #tpu.memory_space<vmem_shared>> -> memref<640x128xf32, #tpu.memory_space<vmem_shared>>
      tpu.enqueue_dma source(%dma_start3A_493 : memref<640x128xf32, #tpu.memory_space<vmem_shared>>) target(%dma_start3A_491 : memref<640x128xf32, #tpu.memory_space<hbm>>) target_semaphore(%run_scoped3A_488 : memref<!tpu.dma_semaphore, #tpu.memory_space<semaphore_mem>>)
      %dma_wait3A_494 = arith.constant 0 : i32
      %dma_wait3A_495 = tpu.memref_slice %arg9[%arg0, %run_scoped3A_388, %mul3A_387, %dma_wait3A_494] : memref<2x4x10240x128xf32, #tpu.memory_space<hbm>> -> memref<1x1x640x128xf32, #tpu.memory_space<hbm>>
      %dma_wait3A_496 = tpu.memref_squeeze %dma_wait3A_495 : memref<1x1x640x128xf32, #tpu.memory_space<hbm>> -> memref<640x128xf32, #tpu.memory_space<hbm>>
      %dma_wait3A_497 = arith.constant 0 : i32
      %dma_wait3A_498 = tpu.memref_slice %arg13[%mul3A_385, %dma_wait3A_497] : memref<10240x128xf32, #tpu.memory_space<vmem_shared>> -> memref<640x128xf32, #tpu.memory_space<vmem_shared>>
      tpu.wait_dma2 semaphore(%run_scoped3A_488 : memref<!tpu.dma_semaphore, #tpu.memory_space<semaphore_mem>>) src(%dma_wait3A_498 : memref<640x128xf32, #tpu.memory_space<vmem_shared>>) dst(%dma_wait3A_496 : memref<640x128xf32, #tpu.memory_space<hbm>>)
      tpu.yield
    }) : () -> ()
    %mul3A_389 = arith.constant 640 : i32
    %mul3A_390 = arith.muli %arg1, %mul3A_389 : i32
    "tpu.region"() ({
      %run_scoped3A_488 = tpu.sem_alloc : memref<!tpu.dma_semaphore, #tpu.memory_space<semaphore_mem>>
      %dma_start3A_489 = arith.constant 0 : i32
      %dma_start3A_490 = tpu.memref_slice %arg13[%mul3A_390, %dma_start3A_489] : memref<10240x128xf32, #tpu.memory_space<vmem_shared>> -> memref<640x128xf32, #tpu.memory_space<vmem_shared>>
      tpu.enqueue_dma source(%arg8 : memref<640x128xf32, #tpu.memory_space<hbm>>) target(%dma_start3A_490 : memref<640x128xf32, #tpu.memory_space<vmem_shared>>) target_semaphore(%run_scoped3A_488 : memref<!tpu.dma_semaphore, #tpu.memory_space<semaphore_mem>>)
      %dma_wait3A_491 = arith.constant 0 : i32
      %dma_wait3A_492 = tpu.memref_slice %arg13[%mul3A_390, %dma_wait3A_491] : memref<10240x128xf32, #tpu.memory_space<vmem_shared>> -> memref<640x128xf32, #tpu.memory_space<vmem_shared>>
      tpu.wait_dma2 semaphore(%run_scoped3A_488 : memref<!tpu.dma_semaphore, #tpu.memory_space<semaphore_mem>>) src(%arg8 : memref<640x128xf32, #tpu.memory_space<hbm>>) dst(%dma_wait3A_492 : memref<640x128xf32, #tpu.memory_space<vmem_shared>>)
      tpu.yield
    }) : () -> ()
    %barrier3A_391 = arith.constant 0 : index
    tpu.barrier barrier_id(%barrier3A_391)
    %scan3A_392 = arith.constant 0 : i32
    %scan3A_393 = arith.constant 0 : i32
    %scan3A_394 = arith.constant 19 : i32
    %scan3A_395 = arith.addi %scan3A_393, %scan3A_394 : i32
    %scan3A_396 = arith.constant 1 : i32
    scf.for %scan3A_488 = %scan3A_393 to %scan3A_395 step %scan3A_396  : i32 {
      %mul3A_489 = arith.constant 2 : i32
      %mul3A_490 = arith.muli %scan3A_488, %mul3A_489 : i32
      %dma_wait3A_491 = arith.constant 0 : i32
      %dma_wait3A_492 = arith.constant 0 : i32
      %dma_wait3A_493 = arith.constant 0 : i32
      %dma_wait3A_494 = tpu.memref_slice %arg12[%dma_wait3A_491, %dma_wait3A_492, %dma_wait3A_493] : memref<2x128x128xf32, #tpu.memory_space<vmem>> -> memref<1x128x128xf32, #tpu.memory_space<vmem>>
      %dma_wait3A_495 = tpu.memref_squeeze %dma_wait3A_494 : memref<1x128x128xf32, #tpu.memory_space<vmem>> -> memref<128x128xf32, #tpu.memory_space<vmem>>
      %dma_wait3A_496 = arith.constant 0 : i32
      %dma_wait3A_497 = arith.constant 0 : i32
      %dma_wait3A_498 = tpu.memref_slice %arg8[%dma_wait3A_496, %dma_wait3A_497] : memref<640x128xf32, #tpu.memory_space<hbm>> -> memref<128x128xf32, #tpu.memory_space<hbm>>
      %dma_wait3A_499 = arith.constant 0 : i32
      %dma_wait3A_500 = arith.constant 0 : i32
      %dma_wait3A_501 = tpu.memref_slice %arg12[%dma_wait3A_491, %dma_wait3A_499, %dma_wait3A_500] : memref<2x128x128xf32, #tpu.memory_space<vmem>> -> memref<1x128x128xf32, #tpu.memory_space<vmem>>
      %dma_wait3A_502 = tpu.memref_squeeze %dma_wait3A_501 : memref<1x128x128xf32, #tpu.memory_space<vmem>> -> memref<128x128xf32, #tpu.memory_space<vmem>>
      %dma_wait3A_503 = arith.constant 0 : i32
      %dma_wait3A_504 = arith.constant 0 : i32
      %dma_wait3A_505 = tpu.memref_slice %arg8[%dma_wait3A_503, %dma_wait3A_504] : memref<640x128xf32, #tpu.memory_space<hbm>> -> memref<128x128xf32, #tpu.memory_space<hbm>>
      tpu.wait_dma2 semaphore(%arg14 : memref<!tpu.dma_semaphore, #tpu.memory_space<semaphore_mem>>) src(%dma_wait3A_505 : memref<128x128xf32, #tpu.memory_space<hbm>>) dst(%dma_wait3A_502 : memref<128x128xf32, #tpu.memory_space<vmem>>)
      %add3A_506 = arith.constant 0 : i32
      %add3A_507 = arith.addi %mul3A_490, %add3A_506 : i32
      %dma_start3A_508 = arith.constant 0 : i32
      %dma_start3A_509 = arith.constant 0 : i32
      %dma_start3A_510 = arith.constant 0 : i32
      %dma_start3A_511 = tpu.memref_slice %arg12[%dma_start3A_508, %dma_start3A_509, %dma_start3A_510] : memref<2x128x128xf32, #tpu.memory_space<vmem>> -> memref<1x128x128xf32, #tpu.memory_space<vmem>>
      %dma_start3A_512 = tpu.memref_squeeze %dma_start3A_511 : memref<1x128x128xf32, #tpu.memory_space<vmem>> -> memref<128x128xf32, #tpu.memory_space<vmem>>
      %dma_start3A_513 = arith.constant 0 : i32
      %dma_start3A_514 = tpu.memref_slice %arg11[%add3A_507, %dma_start3A_513] : memref<40x128xi32, #tpu.memory_space<vmem>> -> memref<1x128xi32, #tpu.memory_space<vmem>>
      %dma_start3A_515 = tpu.memref_squeeze %dma_start3A_514 : memref<1x128xi32, #tpu.memory_space<vmem>> -> memref<128xi32, #tpu.memory_space<vmem>>
      %dma_start3A_516 = arith.constant 0 : i32
      %dma_start3A_517 = arith.constant 0 : i32
      %dma_start3A_518 = tpu.memref_slice %arg13[%dma_start3A_516, %dma_start3A_517] : memref<10240x128xf32, #tpu.memory_space<vmem_shared>> -> memref<10240x128xf32, #tpu.memory_space<vmem_shared>>
      tpu.enqueue_indirect_dma source(%dma_start3A_512 : memref<128x128xf32, #tpu.memory_space<vmem>>) target(%dma_start3A_518 : memref<10240x128xf32, #tpu.memory_space<vmem_shared>>) offsets(%dma_start3A_515 : memref<128xi32, #tpu.memory_space<vmem>>) semaphore(%arg16 : memref<!tpu.dma_semaphore, #tpu.memory_space<semaphore_mem>>) {add = true}
      %dma_wait3A_519 = arith.constant 0 : i32
      %dma_wait3A_520 = arith.constant 0 : i32
      %dma_wait3A_521 = arith.constant 0 : i32
      %dma_wait3A_522 = tpu.memref_slice %arg12[%dma_wait3A_519, %dma_wait3A_520, %dma_wait3A_521] : memref<2x128x128xf32, #tpu.memory_space<vmem>> -> memref<1x128x128xf32, #tpu.memory_space<vmem>>
      %dma_wait3A_523 = tpu.memref_squeeze %dma_wait3A_522 : memref<1x128x128xf32, #tpu.memory_space<vmem>> -> memref<128x128xf32, #tpu.memory_space<vmem>>
      %dma_wait3A_524 = arith.constant 0 : i32
      %dma_wait3A_525 = arith.constant 0 : i32
      %dma_wait3A_526 = tpu.memref_slice %arg8[%dma_wait3A_524, %dma_wait3A_525] : memref<640x128xf32, #tpu.memory_space<hbm>> -> memref<128x128xf32, #tpu.memory_space<hbm>>
      %dma_wait3A_527 = arith.constant 0 : i32
      %dma_wait3A_528 = arith.constant 0 : i32
      %dma_wait3A_529 = tpu.memref_slice %arg12[%dma_wait3A_519, %dma_wait3A_527, %dma_wait3A_528] : memref<2x128x128xf32, #tpu.memory_space<vmem>> -> memref<1x128x128xf32, #tpu.memory_space<vmem>>
      %dma_wait3A_530 = tpu.memref_squeeze %dma_wait3A_529 : memref<1x128x128xf32, #tpu.memory_space<vmem>> -> memref<128x128xf32, #tpu.memory_space<vmem>>
      %dma_wait3A_531 = arith.constant 0 : i32
      %dma_wait3A_532 = arith.constant 0 : i32
      %dma_wait3A_533 = tpu.memref_slice %arg8[%dma_wait3A_531, %dma_wait3A_532] : memref<640x128xf32, #tpu.memory_space<hbm>> -> memref<128x128xf32, #tpu.memory_space<hbm>>
      tpu.wait_dma2 semaphore(%arg16 : memref<!tpu.dma_semaphore, #tpu.memory_space<semaphore_mem>>) src(%dma_wait3A_533 : memref<128x128xf32, #tpu.memory_space<hbm>>) dst(%dma_wait3A_530 : memref<128x128xf32, #tpu.memory_space<vmem>>)
      %add3A_534 = arith.constant 0 : i32
      %add3A_535 = arith.addi %mul3A_490, %add3A_534 : i32
      %add3A_536 = arith.constant 2 : i32
      %add3A_537 = arith.addi %add3A_535, %add3A_536 : i32
      %dma_start3A_538 = arith.constant 0 : i32
      %dma_start3A_539 = arith.constant 0 : i32
      %dma_start3A_540 = arith.constant 0 : i32
      %dma_start3A_541 = tpu.memref_slice %arg12[%dma_start3A_538, %dma_start3A_539, %dma_start3A_540] : memref<2x128x128xf32, #tpu.memory_space<vmem>> -> memref<1x128x128xf32, #tpu.memory_space<vmem>>
      %dma_start3A_542 = tpu.memref_squeeze %dma_start3A_541 : memref<1x128x128xf32, #tpu.memory_space<vmem>> -> memref<128x128xf32, #tpu.memory_space<vmem>>
      %dma_start3A_543 = arith.constant 0 : i32
      %dma_start3A_544 = tpu.memref_slice %arg10[%add3A_537, %dma_start3A_543] : memref<40x128xi32, #tpu.memory_space<vmem>> -> memref<1x128xi32, #tpu.memory_space<vmem>>
      %dma_start3A_545 = tpu.memref_squeeze %dma_start3A_544 : memref<1x128xi32, #tpu.memory_space<vmem>> -> memref<128xi32, #tpu.memory_space<vmem>>
      %dma_start3A_546 = arith.constant 0 : i32
      %dma_start3A_547 = arith.constant 0 : i32
      %dma_start3A_548 = tpu.memref_slice %arg5[%dma_start3A_546, %dma_start3A_547] : memref<10000x128xf32, #tpu.memory_space<hbm>> -> memref<10000x128xf32, #tpu.memory_space<hbm>>
      tpu.enqueue_indirect_dma source(%dma_start3A_548 : memref<10000x128xf32, #tpu.memory_space<hbm>>) target(%dma_start3A_542 : memref<128x128xf32, #tpu.memory_space<vmem>>) offsets(%dma_start3A_545 : memref<128xi32, #tpu.memory_space<vmem>>) semaphore(%arg14 : memref<!tpu.dma_semaphore, #tpu.memory_space<semaphore_mem>>)
      %dma_wait3A_549 = arith.constant 1 : i32
      %dma_wait3A_550 = arith.constant 0 : i32
      %dma_wait3A_551 = arith.constant 0 : i32
      %dma_wait3A_552 = tpu.memref_slice %arg12[%dma_wait3A_549, %dma_wait3A_550, %dma_wait3A_551] : memref<2x128x128xf32, #tpu.memory_space<vmem>> -> memref<1x128x128xf32, #tpu.memory_space<vmem>>
      %dma_wait3A_553 = tpu.memref_squeeze %dma_wait3A_552 : memref<1x128x128xf32, #tpu.memory_space<vmem>> -> memref<128x128xf32, #tpu.memory_space<vmem>>
      %dma_wait3A_554 = arith.constant 0 : i32
      %dma_wait3A_555 = arith.constant 0 : i32
      %dma_wait3A_556 = tpu.memref_slice %arg8[%dma_wait3A_554, %dma_wait3A_555] : memref<640x128xf32, #tpu.memory_space<hbm>> -> memref<128x128xf32, #tpu.memory_space<hbm>>
      %dma_wait3A_557 = arith.constant 0 : i32
      %dma_wait3A_558 = arith.constant 0 : i32
      %dma_wait3A_559 = tpu.memref_slice %arg12[%dma_wait3A_549, %dma_wait3A_557, %dma_wait3A_558] : memref<2x128x128xf32, #tpu.memory_space<vmem>> -> memref<1x128x128xf32, #tpu.memory_space<vmem>>
      %dma_wait3A_560 = tpu.memref_squeeze %dma_wait3A_559 : memref<1x128x128xf32, #tpu.memory_space<vmem>> -> memref<128x128xf32, #tpu.memory_space<vmem>>
      %dma_wait3A_561 = arith.constant 0 : i32
      %dma_wait3A_562 = arith.constant 0 : i32
      %dma_wait3A_563 = tpu.memref_slice %arg8[%dma_wait3A_561, %dma_wait3A_562] : memref<640x128xf32, #tpu.memory_space<hbm>> -> memref<128x128xf32, #tpu.memory_space<hbm>>
      tpu.wait_dma2 semaphore(%arg15 : memref<!tpu.dma_semaphore, #tpu.memory_space<semaphore_mem>>) src(%dma_wait3A_563 : memref<128x128xf32, #tpu.memory_space<hbm>>) dst(%dma_wait3A_560 : memref<128x128xf32, #tpu.memory_space<vmem>>)
      %add3A_564 = arith.constant 1 : i32
      %add3A_565 = arith.addi %mul3A_490, %add3A_564 : i32
      %dma_start3A_566 = arith.constant 1 : i32
      %dma_start3A_567 = arith.constant 0 : i32
      %dma_start3A_568 = arith.constant 0 : i32
      %dma_start3A_569 = tpu.memref_slice %arg12[%dma_start3A_566, %dma_start3A_567, %dma_start3A_568] : memref<2x128x128xf32, #tpu.memory_space<vmem>> -> memref<1x128x128xf32, #tpu.memory_space<vmem>>
      %dma_start3A_570 = tpu.memref_squeeze %dma_start3A_569 : memref<1x128x128xf32, #tpu.memory_space<vmem>> -> memref<128x128xf32, #tpu.memory_space<vmem>>
      %dma_start3A_571 = arith.constant 0 : i32
      %dma_start3A_572 = tpu.memref_slice %arg11[%add3A_565, %dma_start3A_571] : memref<40x128xi32, #tpu.memory_space<vmem>> -> memref<1x128xi32, #tpu.memory_space<vmem>>
      %dma_start3A_573 = tpu.memref_squeeze %dma_start3A_572 : memref<1x128xi32, #tpu.memory_space<vmem>> -> memref<128xi32, #tpu.memory_space<vmem>>
      %dma_start3A_574 = arith.constant 0 : i32
      %dma_start3A_575 = arith.constant 0 : i32
      %dma_start3A_576 = tpu.memref_slice %arg13[%dma_start3A_574, %dma_start3A_575] : memref<10240x128xf32, #tpu.memory_space<vmem_shared>> -> memref<10240x128xf32, #tpu.memory_space<vmem_shared>>
      tpu.enqueue_indirect_dma source(%dma_start3A_570 : memref<128x128xf32, #tpu.memory_space<vmem>>) target(%dma_start3A_576 : memref<10240x128xf32, #tpu.memory_space<vmem_shared>>) offsets(%dma_start3A_573 : memref<128xi32, #tpu.memory_space<vmem>>) semaphore(%arg17 : memref<!tpu.dma_semaphore, #tpu.memory_space<semaphore_mem>>) {add = true}
      %dma_wait3A_577 = arith.constant 1 : i32
      %dma_wait3A_578 = arith.constant 0 : i32
      %dma_wait3A_579 = arith.constant 0 : i32
      %dma_wait3A_580 = tpu.memref_slice %arg12[%dma_wait3A_577, %dma_wait3A_578, %dma_wait3A_579] : memref<2x128x128xf32, #tpu.memory_space<vmem>> -> memref<1x128x128xf32, #tpu.memory_space<vmem>>
      %dma_wait3A_581 = tpu.memref_squeeze %dma_wait3A_580 : memref<1x128x128xf32, #tpu.memory_space<vmem>> -> memref<128x128xf32, #tpu.memory_space<vmem>>
      %dma_wait3A_582 = arith.constant 0 : i32
      %dma_wait3A_583 = arith.constant 0 : i32
      %dma_wait3A_584 = tpu.memref_slice %arg8[%dma_wait3A_582, %dma_wait3A_583] : memref<640x128xf32, #tpu.memory_space<hbm>> -> memref<128x128xf32, #tpu.memory_space<hbm>>
      %dma_wait3A_585 = arith.constant 0 : i32
      %dma_wait3A_586 = arith.constant 0 : i32
      %dma_wait3A_587 = tpu.memref_slice %arg12[%dma_wait3A_577, %dma_wait3A_585, %dma_wait3A_586] : memref<2x128x128xf32, #tpu.memory_space<vmem>> -> memref<1x128x128xf32, #tpu.memory_space<vmem>>
      %dma_wait3A_588 = tpu.memref_squeeze %dma_wait3A_587 : memref<1x128x128xf32, #tpu.memory_space<vmem>> -> memref<128x128xf32, #tpu.memory_space<vmem>>
      %dma_wait3A_589 = arith.constant 0 : i32
      %dma_wait3A_590 = arith.constant 0 : i32
      %dma_wait3A_591 = tpu.memref_slice %arg8[%dma_wait3A_589, %dma_wait3A_590] : memref<640x128xf32, #tpu.memory_space<hbm>> -> memref<128x128xf32, #tpu.memory_space<hbm>>
      tpu.wait_dma2 semaphore(%arg17 : memref<!tpu.dma_semaphore, #tpu.memory_space<semaphore_mem>>) src(%dma_wait3A_591 : memref<128x128xf32, #tpu.memory_space<hbm>>) dst(%dma_wait3A_588 : memref<128x128xf32, #tpu.memory_space<vmem>>)
      %add3A_592 = arith.constant 1 : i32
      %add3A_593 = arith.addi %mul3A_490, %add3A_592 : i32
      %add3A_594 = arith.constant 2 : i32
      %add3A_595 = arith.addi %add3A_593, %add3A_594 : i32
      %dma_start3A_596 = arith.constant 1 : i32
      %dma_start3A_597 = arith.constant 0 : i32
      %dma_start3A_598 = arith.constant 0 : i32
      %dma_start3A_599 = tpu.memref_slice %arg12[%dma_start3A_596, %dma_start3A_597, %dma_start3A_598] : memref<2x128x128xf32, #tpu.memory_space<vmem>> -> memref<1x128x128xf32, #tpu.memory_space<vmem>>
      %dma_start3A_600 = tpu.memref_squeeze %dma_start3A_599 : memref<1x128x128xf32, #tpu.memory_space<vmem>> -> memref<128x128xf32, #tpu.memory_space<vmem>>
      %dma_start3A_601 = arith.constant 0 : i32
      %dma_start3A_602 = tpu.memref_slice %arg10[%add3A_595, %dma_start3A_601] : memref<40x128xi32, #tpu.memory_space<vmem>> -> memref<1x128xi32, #tpu.memory_space<vmem>>
      %dma_start3A_603 = tpu.memref_squeeze %dma_start3A_602 : memref<1x128xi32, #tpu.memory_space<vmem>> -> memref<128xi32, #tpu.memory_space<vmem>>
      %dma_start3A_604 = arith.constant 0 : i32
      %dma_start3A_605 = arith.constant 0 : i32
      %dma_start3A_606 = tpu.memref_slice %arg5[%dma_start3A_604, %dma_start3A_605] : memref<10000x128xf32, #tpu.memory_space<hbm>> -> memref<10000x128xf32, #tpu.memory_space<hbm>>
      tpu.enqueue_indirect_dma source(%dma_start3A_606 : memref<10000x128xf32, #tpu.memory_space<hbm>>) target(%dma_start3A_600 : memref<128x128xf32, #tpu.memory_space<vmem>>) offsets(%dma_start3A_603 : memref<128xi32, #tpu.memory_space<vmem>>) semaphore(%arg15 : memref<!tpu.dma_semaphore, #tpu.memory_space<semaphore_mem>>)
    }
    %scan3A_397 = arith.constant 19 : i32
    %dma_wait3A_398 = arith.constant 0 : i32
    %dma_wait3A_399 = arith.constant 0 : i32
    %dma_wait3A_400 = arith.constant 0 : i32
    %dma_wait3A_401 = tpu.memref_slice %arg12[%dma_wait3A_398, %dma_wait3A_399, %dma_wait3A_400] : memref<2x128x128xf32, #tpu.memory_space<vmem>> -> memref<1x128x128xf32, #tpu.memory_space<vmem>>
    %dma_wait3A_402 = tpu.memref_squeeze %dma_wait3A_401 : memref<1x128x128xf32, #tpu.memory_space<vmem>> -> memref<128x128xf32, #tpu.memory_space<vmem>>
    %dma_wait3A_403 = arith.constant 0 : i32
    %dma_wait3A_404 = arith.constant 0 : i32
    %dma_wait3A_405 = tpu.memref_slice %arg8[%dma_wait3A_403, %dma_wait3A_404] : memref<640x128xf32, #tpu.memory_space<hbm>> -> memref<128x128xf32, #tpu.memory_space<hbm>>
    %dma_wait3A_406 = arith.constant 0 : i32
    %dma_wait3A_407 = arith.constant 0 : i32
    %dma_wait3A_408 = tpu.memref_slice %arg12[%dma_wait3A_398, %dma_wait3A_406, %dma_wait3A_407] : memref<2x128x128xf32, #tpu.memory_space<vmem>> -> memref<1x128x128xf32, #tpu.memory_space<vmem>>
    %dma_wait3A_409 = tpu.memref_squeeze %dma_wait3A_408 : memref<1x128x128xf32, #tpu.memory_space<vmem>> -> memref<128x128xf32, #tpu.memory_space<vmem>>
    %dma_wait3A_410 = arith.constant 0 : i32
    %dma_wait3A_411 = arith.constant 0 : i32
    %dma_wait3A_412 = tpu.memref_slice %arg8[%dma_wait3A_410, %dma_wait3A_411] : memref<640x128xf32, #tpu.memory_space<hbm>> -> memref<128x128xf32, #tpu.memory_space<hbm>>
    tpu.wait_dma2 semaphore(%arg14 : memref<!tpu.dma_semaphore, #tpu.memory_space<semaphore_mem>>) src(%dma_wait3A_412 : memref<128x128xf32, #tpu.memory_space<hbm>>) dst(%dma_wait3A_409 : memref<128x128xf32, #tpu.memory_space<vmem>>)
    %dma_start3A_413 = arith.constant 0 : i32
    %dma_start3A_414 = arith.constant 38 : i32
    %dma_start3A_415 = arith.constant 0 : i32
    %dma_start3A_416 = arith.constant 0 : i32
    %dma_start3A_417 = tpu.memref_slice %arg12[%dma_start3A_413, %dma_start3A_415, %dma_start3A_416] : memref<2x128x128xf32, #tpu.memory_space<vmem>> -> memref<1x128x128xf32, #tpu.memory_space<vmem>>
    %dma_start3A_418 = tpu.memref_squeeze %dma_start3A_417 : memref<1x128x128xf32, #tpu.memory_space<vmem>> -> memref<128x128xf32, #tpu.memory_space<vmem>>
    %dma_start3A_419 = arith.constant 0 : i32
    %dma_start3A_420 = tpu.memref_slice %arg11[%dma_start3A_414, %dma_start3A_419] : memref<40x128xi32, #tpu.memory_space<vmem>> -> memref<1x128xi32, #tpu.memory_space<vmem>>
    %dma_start3A_421 = tpu.memref_squeeze %dma_start3A_420 : memref<1x128xi32, #tpu.memory_space<vmem>> -> memref<128xi32, #tpu.memory_space<vmem>>
    %dma_start3A_422 = arith.constant 0 : i32
    %dma_start3A_423 = arith.constant 0 : i32
    %dma_start3A_424 = tpu.memref_slice %arg13[%dma_start3A_422, %dma_start3A_423] : memref<10240x128xf32, #tpu.memory_space<vmem_shared>> -> memref<10240x128xf32, #tpu.memory_space<vmem_shared>>
    tpu.enqueue_indirect_dma source(%dma_start3A_418 : memref<128x128xf32, #tpu.memory_space<vmem>>) target(%dma_start3A_424 : memref<10240x128xf32, #tpu.memory_space<vmem_shared>>) offsets(%dma_start3A_421 : memref<128xi32, #tpu.memory_space<vmem>>) semaphore(%arg16 : memref<!tpu.dma_semaphore, #tpu.memory_space<semaphore_mem>>) {add = true}
    %dma_wait3A_425 = arith.constant 0 : i32
    %dma_wait3A_426 = arith.constant 0 : i32
    %dma_wait3A_427 = arith.constant 0 : i32
    %dma_wait3A_428 = tpu.memref_slice %arg12[%dma_wait3A_425, %dma_wait3A_426, %dma_wait3A_427] : memref<2x128x128xf32, #tpu.memory_space<vmem>> -> memref<1x128x128xf32, #tpu.memory_space<vmem>>
    %dma_wait3A_429 = tpu.memref_squeeze %dma_wait3A_428 : memref<1x128x128xf32, #tpu.memory_space<vmem>> -> memref<128x128xf32, #tpu.memory_space<vmem>>
    %dma_wait3A_430 = arith.constant 0 : i32
    %dma_wait3A_431 = arith.constant 0 : i32
    %dma_wait3A_432 = tpu.memref_slice %arg8[%dma_wait3A_430, %dma_wait3A_431] : memref<640x128xf32, #tpu.memory_space<hbm>> -> memref<128x128xf32, #tpu.memory_space<hbm>>
    %dma_wait3A_433 = arith.constant 0 : i32
    %dma_wait3A_434 = arith.constant 0 : i32
    %dma_wait3A_435 = tpu.memref_slice %arg12[%dma_wait3A_425, %dma_wait3A_433, %dma_wait3A_434] : memref<2x128x128xf32, #tpu.memory_space<vmem>> -> memref<1x128x128xf32, #tpu.memory_space<vmem>>
    %dma_wait3A_436 = tpu.memref_squeeze %dma_wait3A_435 : memref<1x128x128xf32, #tpu.memory_space<vmem>> -> memref<128x128xf32, #tpu.memory_space<vmem>>
    %dma_wait3A_437 = arith.constant 0 : i32
    %dma_wait3A_438 = arith.constant 0 : i32
    %dma_wait3A_439 = tpu.memref_slice %arg8[%dma_wait3A_437, %dma_wait3A_438] : memref<640x128xf32, #tpu.memory_space<hbm>> -> memref<128x128xf32, #tpu.memory_space<hbm>>
    tpu.wait_dma2 semaphore(%arg16 : memref<!tpu.dma_semaphore, #tpu.memory_space<semaphore_mem>>) src(%dma_wait3A_439 : memref<128x128xf32, #tpu.memory_space<hbm>>) dst(%dma_wait3A_436 : memref<128x128xf32, #tpu.memory_space<vmem>>)
    %dma_wait3A_440 = arith.constant 1 : i32
    %dma_wait3A_441 = arith.constant 0 : i32
    %dma_wait3A_442 = arith.constant 0 : i32
    %dma_wait3A_443 = tpu.memref_slice %arg12[%dma_wait3A_440, %dma_wait3A_441, %dma_wait3A_442] : memref<2x128x128xf32, #tpu.memory_space<vmem>> -> memref<1x128x128xf32, #tpu.memory_space<vmem>>
    %dma_wait3A_444 = tpu.memref_squeeze %dma_wait3A_443 : memref<1x128x128xf32, #tpu.memory_space<vmem>> -> memref<128x128xf32, #tpu.memory_space<vmem>>
    %dma_wait3A_445 = arith.constant 0 : i32
    %dma_wait3A_446 = arith.constant 0 : i32
    %dma_wait3A_447 = tpu.memref_slice %arg8[%dma_wait3A_445, %dma_wait3A_446] : memref<640x128xf32, #tpu.memory_space<hbm>> -> memref<128x128xf32, #tpu.memory_space<hbm>>
    %dma_wait3A_448 = arith.constant 0 : i32
    %dma_wait3A_449 = arith.constant 0 : i32
    %dma_wait3A_450 = tpu.memref_slice %arg12[%dma_wait3A_440, %dma_wait3A_448, %dma_wait3A_449] : memref<2x128x128xf32, #tpu.memory_space<vmem>> -> memref<1x128x128xf32, #tpu.memory_space<vmem>>
    %dma_wait3A_451 = tpu.memref_squeeze %dma_wait3A_450 : memref<1x128x128xf32, #tpu.memory_space<vmem>> -> memref<128x128xf32, #tpu.memory_space<vmem>>
    %dma_wait3A_452 = arith.constant 0 : i32
    %dma_wait3A_453 = arith.constant 0 : i32
    %dma_wait3A_454 = tpu.memref_slice %arg8[%dma_wait3A_452, %dma_wait3A_453] : memref<640x128xf32, #tpu.memory_space<hbm>> -> memref<128x128xf32, #tpu.memory_space<hbm>>
    tpu.wait_dma2 semaphore(%arg15 : memref<!tpu.dma_semaphore, #tpu.memory_space<semaphore_mem>>) src(%dma_wait3A_454 : memref<128x128xf32, #tpu.memory_space<hbm>>) dst(%dma_wait3A_451 : memref<128x128xf32, #tpu.memory_space<vmem>>)
    %dma_start3A_455 = arith.constant 1 : i32
    %dma_start3A_456 = arith.constant 39 : i32
    %dma_start3A_457 = arith.constant 0 : i32
    %dma_start3A_458 = arith.constant 0 : i32
    %dma_start3A_459 = tpu.memref_slice %arg12[%dma_start3A_455, %dma_start3A_457, %dma_start3A_458] : memref<2x128x128xf32, #tpu.memory_space<vmem>> -> memref<1x128x128xf32, #tpu.memory_space<vmem>>
    %dma_start3A_460 = tpu.memref_squeeze %dma_start3A_459 : memref<1x128x128xf32, #tpu.memory_space<vmem>> -> memref<128x128xf32, #tpu.memory_space<vmem>>
    %dma_start3A_461 = arith.constant 0 : i32
    %dma_start3A_462 = tpu.memref_slice %arg11[%dma_start3A_456, %dma_start3A_461] : memref<40x128xi32, #tpu.memory_space<vmem>> -> memref<1x128xi32, #tpu.memory_space<vmem>>
    %dma_start3A_463 = tpu.memref_squeeze %dma_start3A_462 : memref<1x128xi32, #tpu.memory_space<vmem>> -> memref<128xi32, #tpu.memory_space<vmem>>
    %dma_start3A_464 = arith.constant 0 : i32
    %dma_start3A_465 = arith.constant 0 : i32
    %dma_start3A_466 = tpu.memref_slice %arg13[%dma_start3A_464, %dma_start3A_465] : memref<10240x128xf32, #tpu.memory_space<vmem_shared>> -> memref<10240x128xf32, #tpu.memory_space<vmem_shared>>
    tpu.enqueue_indirect_dma source(%dma_start3A_460 : memref<128x128xf32, #tpu.memory_space<vmem>>) target(%dma_start3A_466 : memref<10240x128xf32, #tpu.memory_space<vmem_shared>>) offsets(%dma_start3A_463 : memref<128xi32, #tpu.memory_space<vmem>>) semaphore(%arg17 : memref<!tpu.dma_semaphore, #tpu.memory_space<semaphore_mem>>) {add = true}
    %dma_wait3A_467 = arith.constant 1 : i32
    %dma_wait3A_468 = arith.constant 0 : i32
    %dma_wait3A_469 = arith.constant 0 : i32
    %dma_wait3A_470 = tpu.memref_slice %arg12[%dma_wait3A_467, %dma_wait3A_468, %dma_wait3A_469] : memref<2x128x128xf32, #tpu.memory_space<vmem>> -> memref<1x128x128xf32, #tpu.memory_space<vmem>>
    %dma_wait3A_471 = tpu.memref_squeeze %dma_wait3A_470 : memref<1x128x128xf32, #tpu.memory_space<vmem>> -> memref<128x128xf32, #tpu.memory_space<vmem>>
    %dma_wait3A_472 = arith.constant 0 : i32
    %dma_wait3A_473 = arith.constant 0 : i32
    %dma_wait3A_474 = tpu.memref_slice %arg8[%dma_wait3A_472, %dma_wait3A_473] : memref<640x128xf32, #tpu.memory_space<hbm>> -> memref<128x128xf32, #tpu.memory_space<hbm>>
    %dma_wait3A_475 = arith.constant 0 : i32
    %dma_wait3A_476 = arith.constant 0 : i32
    %dma_wait3A_477 = tpu.memref_slice %arg12[%dma_wait3A_467, %dma_wait3A_475, %dma_wait3A_476] : memref<2x128x128xf32, #tpu.memory_space<vmem>> -> memref<1x128x128xf32, #tpu.memory_space<vmem>>
    %dma_wait3A_478 = tpu.memref_squeeze %dma_wait3A_477 : memref<1x128x128xf32, #tpu.memory_space<vmem>> -> memref<128x128xf32, #tpu.memory_space<vmem>>
    %dma_wait3A_479 = arith.constant 0 : i32
    %dma_wait3A_480 = arith.constant 0 : i32
    %dma_wait3A_481 = tpu.memref_slice %arg8[%dma_wait3A_479, %dma_wait3A_480] : memref<640x128xf32, #tpu.memory_space<hbm>> -> memref<128x128xf32, #tpu.memory_space<hbm>>
    tpu.wait_dma2 semaphore(%arg17 : memref<!tpu.dma_semaphore, #tpu.memory_space<semaphore_mem>>) src(%dma_wait3A_481 : memref<128x128xf32, #tpu.memory_space<hbm>>) dst(%dma_wait3A_478 : memref<128x128xf32, #tpu.memory_space<vmem>>)
    %barrier3A_482 = arith.constant 0 : index
    tpu.barrier barrier_id(%barrier3A_482)
    %mul3A_483 = arith.constant 640 : i32
    %mul3A_484 = arith.muli %arg1, %mul3A_483 : i32
    %mul3A_485 = arith.constant 640 : i32
    %mul3A_486 = arith.muli %arg1, %mul3A_485 : i32
    %run_scoped3A_487 = arith.constant 3 : i32
    "tpu.region"() ({
      %run_scoped3A_488 = tpu.sem_alloc : memref<!tpu.dma_semaphore, #tpu.memory_space<semaphore_mem>>
      %dma_start3A_489 = arith.constant 0 : i32
      %dma_start3A_490 = tpu.memref_slice %arg9[%arg0, %run_scoped3A_487, %mul3A_486, %dma_start3A_489] : memref<2x4x10240x128xf32, #tpu.memory_space<hbm>> -> memref<1x1x640x128xf32, #tpu.memory_space<hbm>>
      %dma_start3A_491 = tpu.memref_squeeze %dma_start3A_490 : memref<1x1x640x128xf32, #tpu.memory_space<hbm>> -> memref<640x128xf32, #tpu.memory_space<hbm>>
      %dma_start3A_492 = arith.constant 0 : i32
      %dma_start3A_493 = tpu.memref_slice %arg13[%mul3A_484, %dma_start3A_492] : memref<10240x128xf32, #tpu.memory_space<vmem_shared>> -> memref<640x128xf32, #tpu.memory_space<vmem_shared>>
      tpu.enqueue_dma source(%dma_start3A_493 : memref<640x128xf32, #tpu.memory_space<vmem_shared>>) target(%dma_start3A_491 : memref<640x128xf32, #tpu.memory_space<hbm>>) target_semaphore(%run_scoped3A_488 : memref<!tpu.dma_semaphore, #tpu.memory_space<semaphore_mem>>)
      %dma_wait3A_494 = arith.constant 0 : i32
      %dma_wait3A_495 = tpu.memref_slice %arg9[%arg0, %run_scoped3A_487, %mul3A_486, %dma_wait3A_494] : memref<2x4x10240x128xf32, #tpu.memory_space<hbm>> -> memref<1x1x640x128xf32, #tpu.memory_space<hbm>>
      %dma_wait3A_496 = tpu.memref_squeeze %dma_wait3A_495 : memref<1x1x640x128xf32, #tpu.memory_space<hbm>> -> memref<640x128xf32, #tpu.memory_space<hbm>>
      %dma_wait3A_497 = arith.constant 0 : i32
      %dma_wait3A_498 = tpu.memref_slice %arg13[%mul3A_484, %dma_wait3A_497] : memref<10240x128xf32, #tpu.memory_space<vmem_shared>> -> memref<640x128xf32, #tpu.memory_space<vmem_shared>>
      tpu.wait_dma2 semaphore(%run_scoped3A_488 : memref<!tpu.dma_semaphore, #tpu.memory_space<semaphore_mem>>) src(%dma_wait3A_498 : memref<640x128xf32, #tpu.memory_space<vmem_shared>>) dst(%dma_wait3A_496 : memref<640x128xf32, #tpu.memory_space<hbm>>)
      tpu.yield
    }) : () -> ()
    return
  }
}

#map = affine_map<(d0, d1) -> (0, 0, 0)>
#map1 = affine_map<(d0, d1) -> (0, 0)>
module attributes {stable_mosaic.version = 14 : i64} {
  func.func @_sc_deg(%arg0: i32, %arg1: i32, %arg2: memref<32x40x128xi32, #tpu.memory_space<hbm>>, %arg3: memref<128x128xf32, #tpu.memory_space<hbm>>, %arg4: memref<640x128xf32, #tpu.memory_space<hbm>>, %arg5: memref<2x10240x128xf32, #tpu.memory_space<hbm>>, %arg6: memref<40x128xi32, #tpu.memory_space<vmem>>, %arg7: memref<128x128xf32, #tpu.memory_space<vmem>>, %arg8: memref<10240x128xf32, #tpu.memory_space<vmem_shared>>) attributes {dimension_semantics = [#tpu.dimension_semantics<core_parallel>, #tpu.dimension_semantics<subcore_parallel>], iteration_bounds = array<i64: 2, 16>, scalar_prefetch = 0 : i64, scratch_operands = 3 : i64, tpu.core_type = #tpu.core_type<sc_vector_subcore>, window_params = [{transform_indices = #map}, {transform_indices = #map1}, {transform_indices = #map1}, {transform_indices = #map}]} {
    %mul3A = arith.constant 2 : i32
    %mul3A_0 = arith.muli %arg1, %mul3A : i32
    %add3A = arith.addi %mul3A_0, %arg0 : i32
    "tpu.region"() ({
      %run_scoped3A = tpu.sem_alloc : memref<!tpu.dma_semaphore, #tpu.memory_space<semaphore_mem>>
      tpu.enqueue_dma source(%arg3 : memref<128x128xf32, #tpu.memory_space<hbm>>) target(%arg7 : memref<128x128xf32, #tpu.memory_space<vmem>>) target_semaphore(%run_scoped3A : memref<!tpu.dma_semaphore, #tpu.memory_space<semaphore_mem>>)
      tpu.wait_dma2 semaphore(%run_scoped3A : memref<!tpu.dma_semaphore, #tpu.memory_space<semaphore_mem>>) src(%arg3 : memref<128x128xf32, #tpu.memory_space<hbm>>) dst(%arg7 : memref<128x128xf32, #tpu.memory_space<vmem>>)
      tpu.yield
    }) : () -> ()
    "tpu.region"() ({
      %run_scoped3A = tpu.sem_alloc : memref<!tpu.dma_semaphore, #tpu.memory_space<semaphore_mem>>
      %dma_start3A = arith.constant 0 : i32
      %dma_start3A_13 = arith.constant 0 : i32
      %dma_start3A_14 = tpu.memref_slice %arg2[%add3A, %dma_start3A, %dma_start3A_13] : memref<32x40x128xi32, #tpu.memory_space<hbm>> -> memref<1x40x128xi32, #tpu.memory_space<hbm>>
      %dma_start3A_15 = tpu.memref_squeeze %dma_start3A_14 : memref<1x40x128xi32, #tpu.memory_space<hbm>> -> memref<40x128xi32, #tpu.memory_space<hbm>>
      %dma_start3A_16 = arith.constant 0 : i32
      %dma_start3A_17 = arith.constant 0 : i32
      %dma_start3A_18 = tpu.memref_slice %arg2[%add3A, %dma_start3A_16, %dma_start3A_17] : memref<32x40x128xi32, #tpu.memory_space<hbm>> -> memref<1x40x128xi32, #tpu.memory_space<hbm>>
      %dma_start3A_19 = tpu.memref_squeeze %dma_start3A_18 : memref<1x40x128xi32, #tpu.memory_space<hbm>> -> memref<40x128xi32, #tpu.memory_space<hbm>>
      tpu.enqueue_dma source(%dma_start3A_19 : memref<40x128xi32, #tpu.memory_space<hbm>>) target(%arg6 : memref<40x128xi32, #tpu.memory_space<vmem>>) target_semaphore(%run_scoped3A : memref<!tpu.dma_semaphore, #tpu.memory_space<semaphore_mem>>)
      %dma_wait3A = arith.constant 0 : i32
      %dma_wait3A_20 = arith.constant 0 : i32
      %dma_wait3A_21 = tpu.memref_slice %arg2[%add3A, %dma_wait3A, %dma_wait3A_20] : memref<32x40x128xi32, #tpu.memory_space<hbm>> -> memref<1x40x128xi32, #tpu.memory_space<hbm>>
      %dma_wait3A_22 = tpu.memref_squeeze %dma_wait3A_21 : memref<1x40x128xi32, #tpu.memory_space<hbm>> -> memref<40x128xi32, #tpu.memory_space<hbm>>
      %dma_wait3A_23 = arith.constant 0 : i32
      %dma_wait3A_24 = arith.constant 0 : i32
      %dma_wait3A_25 = tpu.memref_slice %arg2[%add3A, %dma_wait3A_23, %dma_wait3A_24] : memref<32x40x128xi32, #tpu.memory_space<hbm>> -> memref<1x40x128xi32, #tpu.memory_space<hbm>>
      %dma_wait3A_26 = tpu.memref_squeeze %dma_wait3A_25 : memref<1x40x128xi32, #tpu.memory_space<hbm>> -> memref<40x128xi32, #tpu.memory_space<hbm>>
      tpu.wait_dma2 semaphore(%run_scoped3A : memref<!tpu.dma_semaphore, #tpu.memory_space<semaphore_mem>>) src(%dma_wait3A_26 : memref<40x128xi32, #tpu.memory_space<hbm>>) dst(%arg6 : memref<40x128xi32, #tpu.memory_space<vmem>>)
      tpu.yield
    }) : () -> ()
    %mul3A_1 = arith.constant 640 : i32
    %mul3A_2 = arith.muli %arg1, %mul3A_1 : i32
    "tpu.region"() ({
      %run_scoped3A = tpu.sem_alloc : memref<!tpu.dma_semaphore, #tpu.memory_space<semaphore_mem>>
      %dma_start3A = arith.constant 0 : i32
      %dma_start3A_13 = tpu.memref_slice %arg8[%mul3A_2, %dma_start3A] : memref<10240x128xf32, #tpu.memory_space<vmem_shared>> -> memref<640x128xf32, #tpu.memory_space<vmem_shared>>
      tpu.enqueue_dma source(%arg4 : memref<640x128xf32, #tpu.memory_space<hbm>>) target(%dma_start3A_13 : memref<640x128xf32, #tpu.memory_space<vmem_shared>>) target_semaphore(%run_scoped3A : memref<!tpu.dma_semaphore, #tpu.memory_space<semaphore_mem>>)
      %dma_wait3A = arith.constant 0 : i32
      %dma_wait3A_14 = tpu.memref_slice %arg8[%mul3A_2, %dma_wait3A] : memref<10240x128xf32, #tpu.memory_space<vmem_shared>> -> memref<640x128xf32, #tpu.memory_space<vmem_shared>>
      tpu.wait_dma2 semaphore(%run_scoped3A : memref<!tpu.dma_semaphore, #tpu.memory_space<semaphore_mem>>) src(%arg4 : memref<640x128xf32, #tpu.memory_space<hbm>>) dst(%dma_wait3A_14 : memref<640x128xf32, #tpu.memory_space<vmem_shared>>)
      tpu.yield
    }) : () -> ()
    %barrier3A = arith.constant 0 : index
    tpu.barrier barrier_id(%barrier3A)
    %scan3A = arith.constant 0 : i32
    %scan3A_3 = arith.constant 0 : i32
    %scan3A_4 = arith.constant 40 : i32
    %scan3A_5 = arith.addi %scan3A_3, %scan3A_4 : i32
    %scan3A_6 = arith.constant 1 : i32
    scf.for %scan3A_13 = %scan3A_3 to %scan3A_5 step %scan3A_6  : i32 {
      "tpu.region"() ({
        %run_scoped3A = tpu.sem_alloc : memref<!tpu.dma_semaphore, #tpu.memory_space<semaphore_mem>>
        %dma_start3A = arith.constant 0 : i32
        %dma_start3A_14 = tpu.memref_slice %arg6[%scan3A_13, %dma_start3A] : memref<40x128xi32, #tpu.memory_space<vmem>> -> memref<1x128xi32, #tpu.memory_space<vmem>>
        %dma_start3A_15 = tpu.memref_squeeze %dma_start3A_14 : memref<1x128xi32, #tpu.memory_space<vmem>> -> memref<128xi32, #tpu.memory_space<vmem>>
        %dma_start3A_16 = arith.constant 0 : i32
        %dma_start3A_17 = arith.constant 0 : i32
        %dma_start3A_18 = tpu.memref_slice %arg8[%dma_start3A_16, %dma_start3A_17] : memref<10240x128xf32, #tpu.memory_space<vmem_shared>> -> memref<10240x128xf32, #tpu.memory_space<vmem_shared>>
        tpu.enqueue_indirect_dma source(%arg7 : memref<128x128xf32, #tpu.memory_space<vmem>>) target(%dma_start3A_18 : memref<10240x128xf32, #tpu.memory_space<vmem_shared>>) offsets(%dma_start3A_15 : memref<128xi32, #tpu.memory_space<vmem>>) semaphore(%run_scoped3A : memref<!tpu.dma_semaphore, #tpu.memory_space<semaphore_mem>>) {add = true}
        %dma_wait3A = arith.constant 0 : i32
        %dma_wait3A_19 = tpu.memref_slice %arg6[%scan3A_13, %dma_wait3A] : memref<40x128xi32, #tpu.memory_space<vmem>> -> memref<1x128xi32, #tpu.memory_space<vmem>>
        %dma_wait3A_20 = tpu.memref_squeeze %dma_wait3A_19 : memref<1x128xi32, #tpu.memory_space<vmem>> -> memref<128xi32, #tpu.memory_space<vmem>>
        %dma_wait3A_21 = arith.constant 0 : i32
        %dma_wait3A_22 = arith.constant 0 : i32
        %dma_wait3A_23 = tpu.memref_slice %arg8[%dma_wait3A_21, %dma_wait3A_22] : memref<10240x128xf32, #tpu.memory_space<vmem_shared>> -> memref<10240x128xf32, #tpu.memory_space<vmem_shared>>
        tpu.wait_indirect_dma semaphore(%run_scoped3A : memref<!tpu.dma_semaphore, #tpu.memory_space<semaphore_mem>>) src(%arg7 : memref<128x128xf32, #tpu.memory_space<vmem>>) dst(%dma_wait3A_23 : memref<10240x128xf32, #tpu.memory_space<vmem_shared>>)
        tpu.yield
      }) : () -> ()
    }
    %scan3A_7 = arith.constant 40 : i32
    %barrier3A_8 = arith.constant 0 : index
    tpu.barrier barrier_id(%barrier3A_8)
    %mul3A_9 = arith.constant 640 : i32
    %mul3A_10 = arith.muli %arg1, %mul3A_9 : i32
    %mul3A_11 = arith.constant 640 : i32
    %mul3A_12 = arith.muli %arg1, %mul3A_11 : i32
    "tpu.region"() ({
      %run_scoped3A = tpu.sem_alloc : memref<!tpu.dma_semaphore, #tpu.memory_space<semaphore_mem>>
      %dma_start3A = arith.constant 0 : i32
      %dma_start3A_13 = tpu.memref_slice %arg5[%arg0, %mul3A_12, %dma_start3A] : memref<2x10240x128xf32, #tpu.memory_space<hbm>> -> memref<1x640x128xf32, #tpu.memory_space<hbm>>
      %dma_start3A_14 = tpu.memref_squeeze %dma_start3A_13 : memref<1x640x128xf32, #tpu.memory_space<hbm>> -> memref<640x128xf32, #tpu.memory_space<hbm>>
      %dma_start3A_15 = arith.constant 0 : i32
      %dma_start3A_16 = tpu.memref_slice %arg8[%mul3A_10, %dma_start3A_15] : memref<10240x128xf32, #tpu.memory_space<vmem_shared>> -> memref<640x128xf32, #tpu.memory_space<vmem_shared>>
      tpu.enqueue_dma source(%dma_start3A_16 : memref<640x128xf32, #tpu.memory_space<vmem_shared>>) target(%dma_start3A_14 : memref<640x128xf32, #tpu.memory_space<hbm>>) target_semaphore(%run_scoped3A : memref<!tpu.dma_semaphore, #tpu.memory_space<semaphore_mem>>)
      %dma_wait3A = arith.constant 0 : i32
      %dma_wait3A_17 = tpu.memref_slice %arg5[%arg0, %mul3A_12, %dma_wait3A] : memref<2x10240x128xf32, #tpu.memory_space<hbm>> -> memref<1x640x128xf32, #tpu.memory_space<hbm>>
      %dma_wait3A_18 = tpu.memref_squeeze %dma_wait3A_17 : memref<1x640x128xf32, #tpu.memory_space<hbm>> -> memref<640x128xf32, #tpu.memory_space<hbm>>
      %dma_wait3A_19 = arith.constant 0 : i32
      %dma_wait3A_20 = tpu.memref_slice %arg8[%mul3A_10, %dma_wait3A_19] : memref<10240x128xf32, #tpu.memory_space<vmem_shared>> -> memref<640x128xf32, #tpu.memory_space<vmem_shared>>
      tpu.wait_dma2 semaphore(%run_scoped3A : memref<!tpu.dma_semaphore, #tpu.memory_space<semaphore_mem>>) src(%dma_wait3A_20 : memref<640x128xf32, #tpu.memory_space<vmem_shared>>) dst(%dma_wait3A_18 : memref<640x128xf32, #tpu.memory_space<hbm>>)
      tpu.yield
    }) : () -> ()
    return
  }
}

#map = affine_map<(d0, d1) -> (0, 0)>
#map1 = affine_map<(d0, d1) -> (0, 0, 0)>
#map2 = affine_map<(d0, d1) -> (0, 0, 0, 0)>
module attributes {stable_mosaic.version = 14 : i64} {
  func.func @_prop(%arg0: i32, %arg1: i32, %arg2: memref<10000x128xf32, #tpu.memory_space<hbm>>, %arg3: memref<10000x128xf32, #tpu.memory_space<hbm>>, %arg4: memref<32x40x128xi32, #tpu.memory_space<hbm>>, %arg5: memref<32x40x128xi32, #tpu.memory_space<hbm>>, %arg6: memref<640x128xf32, #tpu.memory_space<hbm>>, %arg7: memref<2x2x10240x128xf32, #tpu.memory_space<hbm>>, %arg8: memref<40x128xi32, #tpu.memory_space<vmem>>, %arg9: memref<40x128xi32, #tpu.memory_space<vmem>>, %arg10: memref<2x128x128xf32, #tpu.memory_space<vmem>>, %arg11: memref<10240x128xf32, #tpu.memory_space<vmem_shared>>, %arg12: memref<!tpu.dma_semaphore, #tpu.memory_space<semaphore_mem>>, %arg13: memref<!tpu.dma_semaphore, #tpu.memory_space<semaphore_mem>>, %arg14: memref<!tpu.dma_semaphore, #tpu.memory_space<semaphore_mem>>, %arg15: memref<!tpu.dma_semaphore, #tpu.memory_space<semaphore_mem>>) attributes {dimension_semantics = [#tpu.dimension_semantics<core_parallel>, #tpu.dimension_semantics<subcore_parallel>], iteration_bounds = array<i64: 2, 16>, scalar_prefetch = 0 : i64, scratch_operands = 8 : i64, tpu.core_type = #tpu.core_type<sc_vector_subcore>, window_params = [{transform_indices = #map}, {transform_indices = #map}, {transform_indices = #map1}, {transform_indices = #map1}, {transform_indices = #map}, {transform_indices = #map2}]} {
    %mul3A = arith.constant 2 : i32
    %mul3A_0 = arith.muli %arg1, %mul3A : i32
    %add3A = arith.addi %mul3A_0, %arg0 : i32
    "tpu.region"() ({
      %run_scoped3A_242 = tpu.sem_alloc : memref<!tpu.dma_semaphore, #tpu.memory_space<semaphore_mem>>
      %dma_start3A_243 = arith.constant 0 : i32
      %dma_start3A_244 = arith.constant 0 : i32
      %dma_start3A_245 = tpu.memref_slice %arg4[%add3A, %dma_start3A_243, %dma_start3A_244] : memref<32x40x128xi32, #tpu.memory_space<hbm>> -> memref<1x40x128xi32, #tpu.memory_space<hbm>>
      %dma_start3A_246 = tpu.memref_squeeze %dma_start3A_245 : memref<1x40x128xi32, #tpu.memory_space<hbm>> -> memref<40x128xi32, #tpu.memory_space<hbm>>
      %dma_start3A_247 = arith.constant 0 : i32
      %dma_start3A_248 = arith.constant 0 : i32
      %dma_start3A_249 = tpu.memref_slice %arg4[%add3A, %dma_start3A_247, %dma_start3A_248] : memref<32x40x128xi32, #tpu.memory_space<hbm>> -> memref<1x40x128xi32, #tpu.memory_space<hbm>>
      %dma_start3A_250 = tpu.memref_squeeze %dma_start3A_249 : memref<1x40x128xi32, #tpu.memory_space<hbm>> -> memref<40x128xi32, #tpu.memory_space<hbm>>
      tpu.enqueue_dma source(%dma_start3A_250 : memref<40x128xi32, #tpu.memory_space<hbm>>) target(%arg8 : memref<40x128xi32, #tpu.memory_space<vmem>>) target_semaphore(%run_scoped3A_242 : memref<!tpu.dma_semaphore, #tpu.memory_space<semaphore_mem>>)
      %dma_wait3A_251 = arith.constant 0 : i32
      %dma_wait3A_252 = arith.constant 0 : i32
      %dma_wait3A_253 = tpu.memref_slice %arg4[%add3A, %dma_wait3A_251, %dma_wait3A_252] : memref<32x40x128xi32, #tpu.memory_space<hbm>> -> memref<1x40x128xi32, #tpu.memory_space<hbm>>
      %dma_wait3A_254 = tpu.memref_squeeze %dma_wait3A_253 : memref<1x40x128xi32, #tpu.memory_space<hbm>> -> memref<40x128xi32, #tpu.memory_space<hbm>>
      %dma_wait3A_255 = arith.constant 0 : i32
      %dma_wait3A_256 = arith.constant 0 : i32
      %dma_wait3A_257 = tpu.memref_slice %arg4[%add3A, %dma_wait3A_255, %dma_wait3A_256] : memref<32x40x128xi32, #tpu.memory_space<hbm>> -> memref<1x40x128xi32, #tpu.memory_space<hbm>>
      %dma_wait3A_258 = tpu.memref_squeeze %dma_wait3A_257 : memref<1x40x128xi32, #tpu.memory_space<hbm>> -> memref<40x128xi32, #tpu.memory_space<hbm>>
      tpu.wait_dma2 semaphore(%run_scoped3A_242 : memref<!tpu.dma_semaphore, #tpu.memory_space<semaphore_mem>>) src(%dma_wait3A_258 : memref<40x128xi32, #tpu.memory_space<hbm>>) dst(%arg8 : memref<40x128xi32, #tpu.memory_space<vmem>>)
      tpu.yield
    }) : () -> ()
    "tpu.region"() ({
      %run_scoped3A_242 = tpu.sem_alloc : memref<!tpu.dma_semaphore, #tpu.memory_space<semaphore_mem>>
      %dma_start3A_243 = arith.constant 0 : i32
      %dma_start3A_244 = arith.constant 0 : i32
      %dma_start3A_245 = tpu.memref_slice %arg5[%add3A, %dma_start3A_243, %dma_start3A_244] : memref<32x40x128xi32, #tpu.memory_space<hbm>> -> memref<1x40x128xi32, #tpu.memory_space<hbm>>
      %dma_start3A_246 = tpu.memref_squeeze %dma_start3A_245 : memref<1x40x128xi32, #tpu.memory_space<hbm>> -> memref<40x128xi32, #tpu.memory_space<hbm>>
      %dma_start3A_247 = arith.constant 0 : i32
      %dma_start3A_248 = arith.constant 0 : i32
      %dma_start3A_249 = tpu.memref_slice %arg5[%add3A, %dma_start3A_247, %dma_start3A_248] : memref<32x40x128xi32, #tpu.memory_space<hbm>> -> memref<1x40x128xi32, #tpu.memory_space<hbm>>
      %dma_start3A_250 = tpu.memref_squeeze %dma_start3A_249 : memref<1x40x128xi32, #tpu.memory_space<hbm>> -> memref<40x128xi32, #tpu.memory_space<hbm>>
      tpu.enqueue_dma source(%dma_start3A_250 : memref<40x128xi32, #tpu.memory_space<hbm>>) target(%arg9 : memref<40x128xi32, #tpu.memory_space<vmem>>) target_semaphore(%run_scoped3A_242 : memref<!tpu.dma_semaphore, #tpu.memory_space<semaphore_mem>>)
      %dma_wait3A_251 = arith.constant 0 : i32
      %dma_wait3A_252 = arith.constant 0 : i32
      %dma_wait3A_253 = tpu.memref_slice %arg5[%add3A, %dma_wait3A_251, %dma_wait3A_252] : memref<32x40x128xi32, #tpu.memory_space<hbm>> -> memref<1x40x128xi32, #tpu.memory_space<hbm>>
      %dma_wait3A_254 = tpu.memref_squeeze %dma_wait3A_253 : memref<1x40x128xi32, #tpu.memory_space<hbm>> -> memref<40x128xi32, #tpu.memory_space<hbm>>
      %dma_wait3A_255 = arith.constant 0 : i32
      %dma_wait3A_256 = arith.constant 0 : i32
      %dma_wait3A_257 = tpu.memref_slice %arg5[%add3A, %dma_wait3A_255, %dma_wait3A_256] : memref<32x40x128xi32, #tpu.memory_space<hbm>> -> memref<1x40x128xi32, #tpu.memory_space<hbm>>
      %dma_wait3A_258 = tpu.memref_squeeze %dma_wait3A_257 : memref<1x40x128xi32, #tpu.memory_space<hbm>> -> memref<40x128xi32, #tpu.memory_space<hbm>>
      tpu.wait_dma2 semaphore(%run_scoped3A_242 : memref<!tpu.dma_semaphore, #tpu.memory_space<semaphore_mem>>) src(%dma_wait3A_258 : memref<40x128xi32, #tpu.memory_space<hbm>>) dst(%arg9 : memref<40x128xi32, #tpu.memory_space<vmem>>)
      tpu.yield
    }) : () -> ()
    %mul3A_1 = arith.constant 640 : i32
    %mul3A_2 = arith.muli %arg1, %mul3A_1 : i32
    "tpu.region"() ({
      %run_scoped3A_242 = tpu.sem_alloc : memref<!tpu.dma_semaphore, #tpu.memory_space<semaphore_mem>>
      %dma_start3A_243 = arith.constant 0 : i32
      %dma_start3A_244 = tpu.memref_slice %arg11[%mul3A_2, %dma_start3A_243] : memref<10240x128xf32, #tpu.memory_space<vmem_shared>> -> memref<640x128xf32, #tpu.memory_space<vmem_shared>>
      tpu.enqueue_dma source(%arg6 : memref<640x128xf32, #tpu.memory_space<hbm>>) target(%dma_start3A_244 : memref<640x128xf32, #tpu.memory_space<vmem_shared>>) target_semaphore(%run_scoped3A_242 : memref<!tpu.dma_semaphore, #tpu.memory_space<semaphore_mem>>)
      %dma_wait3A_245 = arith.constant 0 : i32
      %dma_wait3A_246 = tpu.memref_slice %arg11[%mul3A_2, %dma_wait3A_245] : memref<10240x128xf32, #tpu.memory_space<vmem_shared>> -> memref<640x128xf32, #tpu.memory_space<vmem_shared>>
      tpu.wait_dma2 semaphore(%run_scoped3A_242 : memref<!tpu.dma_semaphore, #tpu.memory_space<semaphore_mem>>) src(%arg6 : memref<640x128xf32, #tpu.memory_space<hbm>>) dst(%dma_wait3A_246 : memref<640x128xf32, #tpu.memory_space<vmem_shared>>)
      tpu.yield
    }) : () -> ()
    %dma_start3A = arith.constant 0 : i32
    %dma_start3A_3 = arith.constant 0 : i32
    %dma_start3A_4 = arith.constant 0 : i32
    %dma_start3A_5 = arith.constant 0 : i32
    %dma_start3A_6 = tpu.memref_slice %arg10[%dma_start3A_3, %dma_start3A_4, %dma_start3A_5] : memref<2x128x128xf32, #tpu.memory_space<vmem>> -> memref<1x128x128xf32, #tpu.memory_space<vmem>>
    %dma_start3A_7 = tpu.memref_squeeze %dma_start3A_6 : memref<1x128x128xf32, #tpu.memory_space<vmem>> -> memref<128x128xf32, #tpu.memory_space<vmem>>
    %dma_start3A_8 = arith.constant 0 : i32
    %dma_start3A_9 = tpu.memref_slice %arg8[%dma_start3A, %dma_start3A_8] : memref<40x128xi32, #tpu.memory_space<vmem>> -> memref<1x128xi32, #tpu.memory_space<vmem>>
    %dma_start3A_10 = tpu.memref_squeeze %dma_start3A_9 : memref<1x128xi32, #tpu.memory_space<vmem>> -> memref<128xi32, #tpu.memory_space<vmem>>
    %dma_start3A_11 = arith.constant 0 : i32
    %dma_start3A_12 = arith.constant 0 : i32
    %dma_start3A_13 = tpu.memref_slice %arg2[%dma_start3A_11, %dma_start3A_12] : memref<10000x128xf32, #tpu.memory_space<hbm>> -> memref<10000x128xf32, #tpu.memory_space<hbm>>
    tpu.enqueue_indirect_dma source(%dma_start3A_13 : memref<10000x128xf32, #tpu.memory_space<hbm>>) target(%dma_start3A_7 : memref<128x128xf32, #tpu.memory_space<vmem>>) offsets(%dma_start3A_10 : memref<128xi32, #tpu.memory_space<vmem>>) semaphore(%arg12 : memref<!tpu.dma_semaphore, #tpu.memory_space<semaphore_mem>>)
    %dma_start3A_14 = arith.constant 1 : i32
    %dma_start3A_15 = arith.constant 1 : i32
    %dma_start3A_16 = arith.constant 0 : i32
    %dma_start3A_17 = arith.constant 0 : i32
    %dma_start3A_18 = tpu.memref_slice %arg10[%dma_start3A_15, %dma_start3A_16, %dma_start3A_17] : memref<2x128x128xf32, #tpu.memory_space<vmem>> -> memref<1x128x128xf32, #tpu.memory_space<vmem>>
    %dma_start3A_19 = tpu.memref_squeeze %dma_start3A_18 : memref<1x128x128xf32, #tpu.memory_space<vmem>> -> memref<128x128xf32, #tpu.memory_space<vmem>>
    %dma_start3A_20 = arith.constant 0 : i32
    %dma_start3A_21 = tpu.memref_slice %arg8[%dma_start3A_14, %dma_start3A_20] : memref<40x128xi32, #tpu.memory_space<vmem>> -> memref<1x128xi32, #tpu.memory_space<vmem>>
    %dma_start3A_22 = tpu.memref_squeeze %dma_start3A_21 : memref<1x128xi32, #tpu.memory_space<vmem>> -> memref<128xi32, #tpu.memory_space<vmem>>
    %dma_start3A_23 = arith.constant 0 : i32
    %dma_start3A_24 = arith.constant 0 : i32
    %dma_start3A_25 = tpu.memref_slice %arg2[%dma_start3A_23, %dma_start3A_24] : memref<10000x128xf32, #tpu.memory_space<hbm>> -> memref<10000x128xf32, #tpu.memory_space<hbm>>
    tpu.enqueue_indirect_dma source(%dma_start3A_25 : memref<10000x128xf32, #tpu.memory_space<hbm>>) target(%dma_start3A_19 : memref<128x128xf32, #tpu.memory_space<vmem>>) offsets(%dma_start3A_22 : memref<128xi32, #tpu.memory_space<vmem>>) semaphore(%arg13 : memref<!tpu.dma_semaphore, #tpu.memory_space<semaphore_mem>>)
    %barrier3A = arith.constant 0 : index
    tpu.barrier barrier_id(%barrier3A)
    %scan3A = arith.constant 0 : i32
    %scan3A_26 = arith.constant 0 : i32
    %scan3A_27 = arith.constant 19 : i32
    %scan3A_28 = arith.addi %scan3A_26, %scan3A_27 : i32
    %scan3A_29 = arith.constant 1 : i32
    scf.for %scan3A_242 = %scan3A_26 to %scan3A_28 step %scan3A_29  : i32 {
      %mul3A_243 = arith.constant 2 : i32
      %mul3A_244 = arith.muli %scan3A_242, %mul3A_243 : i32
      %dma_wait3A_245 = arith.constant 0 : i32
      %dma_wait3A_246 = arith.constant 0 : i32
      %dma_wait3A_247 = arith.constant 0 : i32
      %dma_wait3A_248 = tpu.memref_slice %arg10[%dma_wait3A_245, %dma_wait3A_246, %dma_wait3A_247] : memref<2x128x128xf32, #tpu.memory_space<vmem>> -> memref<1x128x128xf32, #tpu.memory_space<vmem>>
      %dma_wait3A_249 = tpu.memref_squeeze %dma_wait3A_248 : memref<1x128x128xf32, #tpu.memory_space<vmem>> -> memref<128x128xf32, #tpu.memory_space<vmem>>
      %dma_wait3A_250 = arith.constant 0 : i32
      %dma_wait3A_251 = arith.constant 0 : i32
      %dma_wait3A_252 = tpu.memref_slice %arg6[%dma_wait3A_250, %dma_wait3A_251] : memref<640x128xf32, #tpu.memory_space<hbm>> -> memref<128x128xf32, #tpu.memory_space<hbm>>
      %dma_wait3A_253 = arith.constant 0 : i32
      %dma_wait3A_254 = arith.constant 0 : i32
      %dma_wait3A_255 = tpu.memref_slice %arg10[%dma_wait3A_245, %dma_wait3A_253, %dma_wait3A_254] : memref<2x128x128xf32, #tpu.memory_space<vmem>> -> memref<1x128x128xf32, #tpu.memory_space<vmem>>
      %dma_wait3A_256 = tpu.memref_squeeze %dma_wait3A_255 : memref<1x128x128xf32, #tpu.memory_space<vmem>> -> memref<128x128xf32, #tpu.memory_space<vmem>>
      %dma_wait3A_257 = arith.constant 0 : i32
      %dma_wait3A_258 = arith.constant 0 : i32
      %dma_wait3A_259 = tpu.memref_slice %arg6[%dma_wait3A_257, %dma_wait3A_258] : memref<640x128xf32, #tpu.memory_space<hbm>> -> memref<128x128xf32, #tpu.memory_space<hbm>>
      tpu.wait_dma2 semaphore(%arg12 : memref<!tpu.dma_semaphore, #tpu.memory_space<semaphore_mem>>) src(%dma_wait3A_259 : memref<128x128xf32, #tpu.memory_space<hbm>>) dst(%dma_wait3A_256 : memref<128x128xf32, #tpu.memory_space<vmem>>)
      %add3A_260 = arith.constant 0 : i32
      %add3A_261 = arith.addi %mul3A_244, %add3A_260 : i32
      %dma_start3A_262 = arith.constant 0 : i32
      %dma_start3A_263 = arith.constant 0 : i32
      %dma_start3A_264 = arith.constant 0 : i32
      %dma_start3A_265 = tpu.memref_slice %arg10[%dma_start3A_262, %dma_start3A_263, %dma_start3A_264] : memref<2x128x128xf32, #tpu.memory_space<vmem>> -> memref<1x128x128xf32, #tpu.memory_space<vmem>>
      %dma_start3A_266 = tpu.memref_squeeze %dma_start3A_265 : memref<1x128x128xf32, #tpu.memory_space<vmem>> -> memref<128x128xf32, #tpu.memory_space<vmem>>
      %dma_start3A_267 = arith.constant 0 : i32
      %dma_start3A_268 = tpu.memref_slice %arg9[%add3A_261, %dma_start3A_267] : memref<40x128xi32, #tpu.memory_space<vmem>> -> memref<1x128xi32, #tpu.memory_space<vmem>>
      %dma_start3A_269 = tpu.memref_squeeze %dma_start3A_268 : memref<1x128xi32, #tpu.memory_space<vmem>> -> memref<128xi32, #tpu.memory_space<vmem>>
      %dma_start3A_270 = arith.constant 0 : i32
      %dma_start3A_271 = arith.constant 0 : i32
      %dma_start3A_272 = tpu.memref_slice %arg11[%dma_start3A_270, %dma_start3A_271] : memref<10240x128xf32, #tpu.memory_space<vmem_shared>> -> memref<10240x128xf32, #tpu.memory_space<vmem_shared>>
      tpu.enqueue_indirect_dma source(%dma_start3A_266 : memref<128x128xf32, #tpu.memory_space<vmem>>) target(%dma_start3A_272 : memref<10240x128xf32, #tpu.memory_space<vmem_shared>>) offsets(%dma_start3A_269 : memref<128xi32, #tpu.memory_space<vmem>>) semaphore(%arg14 : memref<!tpu.dma_semaphore, #tpu.memory_space<semaphore_mem>>) {add = true}
      %dma_wait3A_273 = arith.constant 0 : i32
      %dma_wait3A_274 = arith.constant 0 : i32
      %dma_wait3A_275 = arith.constant 0 : i32
      %dma_wait3A_276 = tpu.memref_slice %arg10[%dma_wait3A_273, %dma_wait3A_274, %dma_wait3A_275] : memref<2x128x128xf32, #tpu.memory_space<vmem>> -> memref<1x128x128xf32, #tpu.memory_space<vmem>>
      %dma_wait3A_277 = tpu.memref_squeeze %dma_wait3A_276 : memref<1x128x128xf32, #tpu.memory_space<vmem>> -> memref<128x128xf32, #tpu.memory_space<vmem>>
      %dma_wait3A_278 = arith.constant 0 : i32
      %dma_wait3A_279 = arith.constant 0 : i32
      %dma_wait3A_280 = tpu.memref_slice %arg6[%dma_wait3A_278, %dma_wait3A_279] : memref<640x128xf32, #tpu.memory_space<hbm>> -> memref<128x128xf32, #tpu.memory_space<hbm>>
      %dma_wait3A_281 = arith.constant 0 : i32
      %dma_wait3A_282 = arith.constant 0 : i32
      %dma_wait3A_283 = tpu.memref_slice %arg10[%dma_wait3A_273, %dma_wait3A_281, %dma_wait3A_282] : memref<2x128x128xf32, #tpu.memory_space<vmem>> -> memref<1x128x128xf32, #tpu.memory_space<vmem>>
      %dma_wait3A_284 = tpu.memref_squeeze %dma_wait3A_283 : memref<1x128x128xf32, #tpu.memory_space<vmem>> -> memref<128x128xf32, #tpu.memory_space<vmem>>
      %dma_wait3A_285 = arith.constant 0 : i32
      %dma_wait3A_286 = arith.constant 0 : i32
      %dma_wait3A_287 = tpu.memref_slice %arg6[%dma_wait3A_285, %dma_wait3A_286] : memref<640x128xf32, #tpu.memory_space<hbm>> -> memref<128x128xf32, #tpu.memory_space<hbm>>
      tpu.wait_dma2 semaphore(%arg14 : memref<!tpu.dma_semaphore, #tpu.memory_space<semaphore_mem>>) src(%dma_wait3A_287 : memref<128x128xf32, #tpu.memory_space<hbm>>) dst(%dma_wait3A_284 : memref<128x128xf32, #tpu.memory_space<vmem>>)
      %add3A_288 = arith.constant 0 : i32
      %add3A_289 = arith.addi %mul3A_244, %add3A_288 : i32
      %add3A_290 = arith.constant 2 : i32
      %add3A_291 = arith.addi %add3A_289, %add3A_290 : i32
      %dma_start3A_292 = arith.constant 0 : i32
      %dma_start3A_293 = arith.constant 0 : i32
      %dma_start3A_294 = arith.constant 0 : i32
      %dma_start3A_295 = tpu.memref_slice %arg10[%dma_start3A_292, %dma_start3A_293, %dma_start3A_294] : memref<2x128x128xf32, #tpu.memory_space<vmem>> -> memref<1x128x128xf32, #tpu.memory_space<vmem>>
      %dma_start3A_296 = tpu.memref_squeeze %dma_start3A_295 : memref<1x128x128xf32, #tpu.memory_space<vmem>> -> memref<128x128xf32, #tpu.memory_space<vmem>>
      %dma_start3A_297 = arith.constant 0 : i32
      %dma_start3A_298 = tpu.memref_slice %arg8[%add3A_291, %dma_start3A_297] : memref<40x128xi32, #tpu.memory_space<vmem>> -> memref<1x128xi32, #tpu.memory_space<vmem>>
      %dma_start3A_299 = tpu.memref_squeeze %dma_start3A_298 : memref<1x128xi32, #tpu.memory_space<vmem>> -> memref<128xi32, #tpu.memory_space<vmem>>
      %dma_start3A_300 = arith.constant 0 : i32
      %dma_start3A_301 = arith.constant 0 : i32
      %dma_start3A_302 = tpu.memref_slice %arg2[%dma_start3A_300, %dma_start3A_301] : memref<10000x128xf32, #tpu.memory_space<hbm>> -> memref<10000x128xf32, #tpu.memory_space<hbm>>
      tpu.enqueue_indirect_dma source(%dma_start3A_302 : memref<10000x128xf32, #tpu.memory_space<hbm>>) target(%dma_start3A_296 : memref<128x128xf32, #tpu.memory_space<vmem>>) offsets(%dma_start3A_299 : memref<128xi32, #tpu.memory_space<vmem>>) semaphore(%arg12 : memref<!tpu.dma_semaphore, #tpu.memory_space<semaphore_mem>>)
      %dma_wait3A_303 = arith.constant 1 : i32
      %dma_wait3A_304 = arith.constant 0 : i32
      %dma_wait3A_305 = arith.constant 0 : i32
      %dma_wait3A_306 = tpu.memref_slice %arg10[%dma_wait3A_303, %dma_wait3A_304, %dma_wait3A_305] : memref<2x128x128xf32, #tpu.memory_space<vmem>> -> memref<1x128x128xf32, #tpu.memory_space<vmem>>
      %dma_wait3A_307 = tpu.memref_squeeze %dma_wait3A_306 : memref<1x128x128xf32, #tpu.memory_space<vmem>> -> memref<128x128xf32, #tpu.memory_space<vmem>>
      %dma_wait3A_308 = arith.constant 0 : i32
      %dma_wait3A_309 = arith.constant 0 : i32
      %dma_wait3A_310 = tpu.memref_slice %arg6[%dma_wait3A_308, %dma_wait3A_309] : memref<640x128xf32, #tpu.memory_space<hbm>> -> memref<128x128xf32, #tpu.memory_space<hbm>>
      %dma_wait3A_311 = arith.constant 0 : i32
      %dma_wait3A_312 = arith.constant 0 : i32
      %dma_wait3A_313 = tpu.memref_slice %arg10[%dma_wait3A_303, %dma_wait3A_311, %dma_wait3A_312] : memref<2x128x128xf32, #tpu.memory_space<vmem>> -> memref<1x128x128xf32, #tpu.memory_space<vmem>>
      %dma_wait3A_314 = tpu.memref_squeeze %dma_wait3A_313 : memref<1x128x128xf32, #tpu.memory_space<vmem>> -> memref<128x128xf32, #tpu.memory_space<vmem>>
      %dma_wait3A_315 = arith.constant 0 : i32
      %dma_wait3A_316 = arith.constant 0 : i32
      %dma_wait3A_317 = tpu.memref_slice %arg6[%dma_wait3A_315, %dma_wait3A_316] : memref<640x128xf32, #tpu.memory_space<hbm>> -> memref<128x128xf32, #tpu.memory_space<hbm>>
      tpu.wait_dma2 semaphore(%arg13 : memref<!tpu.dma_semaphore, #tpu.memory_space<semaphore_mem>>) src(%dma_wait3A_317 : memref<128x128xf32, #tpu.memory_space<hbm>>) dst(%dma_wait3A_314 : memref<128x128xf32, #tpu.memory_space<vmem>>)
      %add3A_318 = arith.constant 1 : i32
      %add3A_319 = arith.addi %mul3A_244, %add3A_318 : i32
      %dma_start3A_320 = arith.constant 1 : i32
      %dma_start3A_321 = arith.constant 0 : i32
      %dma_start3A_322 = arith.constant 0 : i32
      %dma_start3A_323 = tpu.memref_slice %arg10[%dma_start3A_320, %dma_start3A_321, %dma_start3A_322] : memref<2x128x128xf32, #tpu.memory_space<vmem>> -> memref<1x128x128xf32, #tpu.memory_space<vmem>>
      %dma_start3A_324 = tpu.memref_squeeze %dma_start3A_323 : memref<1x128x128xf32, #tpu.memory_space<vmem>> -> memref<128x128xf32, #tpu.memory_space<vmem>>
      %dma_start3A_325 = arith.constant 0 : i32
      %dma_start3A_326 = tpu.memref_slice %arg9[%add3A_319, %dma_start3A_325] : memref<40x128xi32, #tpu.memory_space<vmem>> -> memref<1x128xi32, #tpu.memory_space<vmem>>
      %dma_start3A_327 = tpu.memref_squeeze %dma_start3A_326 : memref<1x128xi32, #tpu.memory_space<vmem>> -> memref<128xi32, #tpu.memory_space<vmem>>
      %dma_start3A_328 = arith.constant 0 : i32
      %dma_start3A_329 = arith.constant 0 : i32
      %dma_start3A_330 = tpu.memref_slice %arg11[%dma_start3A_328, %dma_start3A_329] : memref<10240x128xf32, #tpu.memory_space<vmem_shared>> -> memref<10240x128xf32, #tpu.memory_space<vmem_shared>>
      tpu.enqueue_indirect_dma source(%dma_start3A_324 : memref<128x128xf32, #tpu.memory_space<vmem>>) target(%dma_start3A_330 : memref<10240x128xf32, #tpu.memory_space<vmem_shared>>) offsets(%dma_start3A_327 : memref<128xi32, #tpu.memory_space<vmem>>) semaphore(%arg15 : memref<!tpu.dma_semaphore, #tpu.memory_space<semaphore_mem>>) {add = true}
      %dma_wait3A_331 = arith.constant 1 : i32
      %dma_wait3A_332 = arith.constant 0 : i32
      %dma_wait3A_333 = arith.constant 0 : i32
      %dma_wait3A_334 = tpu.memref_slice %arg10[%dma_wait3A_331, %dma_wait3A_332, %dma_wait3A_333] : memref<2x128x128xf32, #tpu.memory_space<vmem>> -> memref<1x128x128xf32, #tpu.memory_space<vmem>>
      %dma_wait3A_335 = tpu.memref_squeeze %dma_wait3A_334 : memref<1x128x128xf32, #tpu.memory_space<vmem>> -> memref<128x128xf32, #tpu.memory_space<vmem>>
      %dma_wait3A_336 = arith.constant 0 : i32
      %dma_wait3A_337 = arith.constant 0 : i32
      %dma_wait3A_338 = tpu.memref_slice %arg6[%dma_wait3A_336, %dma_wait3A_337] : memref<640x128xf32, #tpu.memory_space<hbm>> -> memref<128x128xf32, #tpu.memory_space<hbm>>
      %dma_wait3A_339 = arith.constant 0 : i32
      %dma_wait3A_340 = arith.constant 0 : i32
      %dma_wait3A_341 = tpu.memref_slice %arg10[%dma_wait3A_331, %dma_wait3A_339, %dma_wait3A_340] : memref<2x128x128xf32, #tpu.memory_space<vmem>> -> memref<1x128x128xf32, #tpu.memory_space<vmem>>
      %dma_wait3A_342 = tpu.memref_squeeze %dma_wait3A_341 : memref<1x128x128xf32, #tpu.memory_space<vmem>> -> memref<128x128xf32, #tpu.memory_space<vmem>>
      %dma_wait3A_343 = arith.constant 0 : i32
      %dma_wait3A_344 = arith.constant 0 : i32
      %dma_wait3A_345 = tpu.memref_slice %arg6[%dma_wait3A_343, %dma_wait3A_344] : memref<640x128xf32, #tpu.memory_space<hbm>> -> memref<128x128xf32, #tpu.memory_space<hbm>>
      tpu.wait_dma2 semaphore(%arg15 : memref<!tpu.dma_semaphore, #tpu.memory_space<semaphore_mem>>) src(%dma_wait3A_345 : memref<128x128xf32, #tpu.memory_space<hbm>>) dst(%dma_wait3A_342 : memref<128x128xf32, #tpu.memory_space<vmem>>)
      %add3A_346 = arith.constant 1 : i32
      %add3A_347 = arith.addi %mul3A_244, %add3A_346 : i32
      %add3A_348 = arith.constant 2 : i32
      %add3A_349 = arith.addi %add3A_347, %add3A_348 : i32
      %dma_start3A_350 = arith.constant 1 : i32
      %dma_start3A_351 = arith.constant 0 : i32
      %dma_start3A_352 = arith.constant 0 : i32
      %dma_start3A_353 = tpu.memref_slice %arg10[%dma_start3A_350, %dma_start3A_351, %dma_start3A_352] : memref<2x128x128xf32, #tpu.memory_space<vmem>> -> memref<1x128x128xf32, #tpu.memory_space<vmem>>
      %dma_start3A_354 = tpu.memref_squeeze %dma_start3A_353 : memref<1x128x128xf32, #tpu.memory_space<vmem>> -> memref<128x128xf32, #tpu.memory_space<vmem>>
      %dma_start3A_355 = arith.constant 0 : i32
      %dma_start3A_356 = tpu.memref_slice %arg8[%add3A_349, %dma_start3A_355] : memref<40x128xi32, #tpu.memory_space<vmem>> -> memref<1x128xi32, #tpu.memory_space<vmem>>
      %dma_start3A_357 = tpu.memref_squeeze %dma_start3A_356 : memref<1x128xi32, #tpu.memory_space<vmem>> -> memref<128xi32, #tpu.memory_space<vmem>>
      %dma_start3A_358 = arith.constant 0 : i32
      %dma_start3A_359 = arith.constant 0 : i32
      %dma_start3A_360 = tpu.memref_slice %arg2[%dma_start3A_358, %dma_start3A_359] : memref<10000x128xf32, #tpu.memory_space<hbm>> -> memref<10000x128xf32, #tpu.memory_space<hbm>>
      tpu.enqueue_indirect_dma source(%dma_start3A_360 : memref<10000x128xf32, #tpu.memory_space<hbm>>) target(%dma_start3A_354 : memref<128x128xf32, #tpu.memory_space<vmem>>) offsets(%dma_start3A_357 : memref<128xi32, #tpu.memory_space<vmem>>) semaphore(%arg13 : memref<!tpu.dma_semaphore, #tpu.memory_space<semaphore_mem>>)
    }
    %scan3A_30 = arith.constant 19 : i32
    %dma_wait3A = arith.constant 0 : i32
    %dma_wait3A_31 = arith.constant 0 : i32
    %dma_wait3A_32 = arith.constant 0 : i32
    %dma_wait3A_33 = tpu.memref_slice %arg10[%dma_wait3A, %dma_wait3A_31, %dma_wait3A_32] : memref<2x128x128xf32, #tpu.memory_space<vmem>> -> memref<1x128x128xf32, #tpu.memory_space<vmem>>
    %dma_wait3A_34 = tpu.memref_squeeze %dma_wait3A_33 : memref<1x128x128xf32, #tpu.memory_space<vmem>> -> memref<128x128xf32, #tpu.memory_space<vmem>>
    %dma_wait3A_35 = arith.constant 0 : i32
    %dma_wait3A_36 = arith.constant 0 : i32
    %dma_wait3A_37 = tpu.memref_slice %arg6[%dma_wait3A_35, %dma_wait3A_36] : memref<640x128xf32, #tpu.memory_space<hbm>> -> memref<128x128xf32, #tpu.memory_space<hbm>>
    %dma_wait3A_38 = arith.constant 0 : i32
    %dma_wait3A_39 = arith.constant 0 : i32
    %dma_wait3A_40 = tpu.memref_slice %arg10[%dma_wait3A, %dma_wait3A_38, %dma_wait3A_39] : memref<2x128x128xf32, #tpu.memory_space<vmem>> -> memref<1x128x128xf32, #tpu.memory_space<vmem>>
    %dma_wait3A_41 = tpu.memref_squeeze %dma_wait3A_40 : memref<1x128x128xf32, #tpu.memory_space<vmem>> -> memref<128x128xf32, #tpu.memory_space<vmem>>
    %dma_wait3A_42 = arith.constant 0 : i32
    %dma_wait3A_43 = arith.constant 0 : i32
    %dma_wait3A_44 = tpu.memref_slice %arg6[%dma_wait3A_42, %dma_wait3A_43] : memref<640x128xf32, #tpu.memory_space<hbm>> -> memref<128x128xf32, #tpu.memory_space<hbm>>
    tpu.wait_dma2 semaphore(%arg12 : memref<!tpu.dma_semaphore, #tpu.memory_space<semaphore_mem>>) src(%dma_wait3A_44 : memref<128x128xf32, #tpu.memory_space<hbm>>) dst(%dma_wait3A_41 : memref<128x128xf32, #tpu.memory_space<vmem>>)
    %dma_start3A_45 = arith.constant 0 : i32
    %dma_start3A_46 = arith.constant 38 : i32
    %dma_start3A_47 = arith.constant 0 : i32
    %dma_start3A_48 = arith.constant 0 : i32
    %dma_start3A_49 = tpu.memref_slice %arg10[%dma_start3A_45, %dma_start3A_47, %dma_start3A_48] : memref<2x128x128xf32, #tpu.memory_space<vmem>> -> memref<1x128x128xf32, #tpu.memory_space<vmem>>
    %dma_start3A_50 = tpu.memref_squeeze %dma_start3A_49 : memref<1x128x128xf32, #tpu.memory_space<vmem>> -> memref<128x128xf32, #tpu.memory_space<vmem>>
    %dma_start3A_51 = arith.constant 0 : i32
    %dma_start3A_52 = tpu.memref_slice %arg9[%dma_start3A_46, %dma_start3A_51] : memref<40x128xi32, #tpu.memory_space<vmem>> -> memref<1x128xi32, #tpu.memory_space<vmem>>
    %dma_start3A_53 = tpu.memref_squeeze %dma_start3A_52 : memref<1x128xi32, #tpu.memory_space<vmem>> -> memref<128xi32, #tpu.memory_space<vmem>>
    %dma_start3A_54 = arith.constant 0 : i32
    %dma_start3A_55 = arith.constant 0 : i32
    %dma_start3A_56 = tpu.memref_slice %arg11[%dma_start3A_54, %dma_start3A_55] : memref<10240x128xf32, #tpu.memory_space<vmem_shared>> -> memref<10240x128xf32, #tpu.memory_space<vmem_shared>>
    tpu.enqueue_indirect_dma source(%dma_start3A_50 : memref<128x128xf32, #tpu.memory_space<vmem>>) target(%dma_start3A_56 : memref<10240x128xf32, #tpu.memory_space<vmem_shared>>) offsets(%dma_start3A_53 : memref<128xi32, #tpu.memory_space<vmem>>) semaphore(%arg14 : memref<!tpu.dma_semaphore, #tpu.memory_space<semaphore_mem>>) {add = true}
    %dma_wait3A_57 = arith.constant 0 : i32
    %dma_wait3A_58 = arith.constant 0 : i32
    %dma_wait3A_59 = arith.constant 0 : i32
    %dma_wait3A_60 = tpu.memref_slice %arg10[%dma_wait3A_57, %dma_wait3A_58, %dma_wait3A_59] : memref<2x128x128xf32, #tpu.memory_space<vmem>> -> memref<1x128x128xf32, #tpu.memory_space<vmem>>
    %dma_wait3A_61 = tpu.memref_squeeze %dma_wait3A_60 : memref<1x128x128xf32, #tpu.memory_space<vmem>> -> memref<128x128xf32, #tpu.memory_space<vmem>>
    %dma_wait3A_62 = arith.constant 0 : i32
    %dma_wait3A_63 = arith.constant 0 : i32
    %dma_wait3A_64 = tpu.memref_slice %arg6[%dma_wait3A_62, %dma_wait3A_63] : memref<640x128xf32, #tpu.memory_space<hbm>> -> memref<128x128xf32, #tpu.memory_space<hbm>>
    %dma_wait3A_65 = arith.constant 0 : i32
    %dma_wait3A_66 = arith.constant 0 : i32
    %dma_wait3A_67 = tpu.memref_slice %arg10[%dma_wait3A_57, %dma_wait3A_65, %dma_wait3A_66] : memref<2x128x128xf32, #tpu.memory_space<vmem>> -> memref<1x128x128xf32, #tpu.memory_space<vmem>>
    %dma_wait3A_68 = tpu.memref_squeeze %dma_wait3A_67 : memref<1x128x128xf32, #tpu.memory_space<vmem>> -> memref<128x128xf32, #tpu.memory_space<vmem>>
    %dma_wait3A_69 = arith.constant 0 : i32
    %dma_wait3A_70 = arith.constant 0 : i32
    %dma_wait3A_71 = tpu.memref_slice %arg6[%dma_wait3A_69, %dma_wait3A_70] : memref<640x128xf32, #tpu.memory_space<hbm>> -> memref<128x128xf32, #tpu.memory_space<hbm>>
    tpu.wait_dma2 semaphore(%arg14 : memref<!tpu.dma_semaphore, #tpu.memory_space<semaphore_mem>>) src(%dma_wait3A_71 : memref<128x128xf32, #tpu.memory_space<hbm>>) dst(%dma_wait3A_68 : memref<128x128xf32, #tpu.memory_space<vmem>>)
    %dma_wait3A_72 = arith.constant 1 : i32
    %dma_wait3A_73 = arith.constant 0 : i32
    %dma_wait3A_74 = arith.constant 0 : i32
    %dma_wait3A_75 = tpu.memref_slice %arg10[%dma_wait3A_72, %dma_wait3A_73, %dma_wait3A_74] : memref<2x128x128xf32, #tpu.memory_space<vmem>> -> memref<1x128x128xf32, #tpu.memory_space<vmem>>
    %dma_wait3A_76 = tpu.memref_squeeze %dma_wait3A_75 : memref<1x128x128xf32, #tpu.memory_space<vmem>> -> memref<128x128xf32, #tpu.memory_space<vmem>>
    %dma_wait3A_77 = arith.constant 0 : i32
    %dma_wait3A_78 = arith.constant 0 : i32
    %dma_wait3A_79 = tpu.memref_slice %arg6[%dma_wait3A_77, %dma_wait3A_78] : memref<640x128xf32, #tpu.memory_space<hbm>> -> memref<128x128xf32, #tpu.memory_space<hbm>>
    %dma_wait3A_80 = arith.constant 0 : i32
    %dma_wait3A_81 = arith.constant 0 : i32
    %dma_wait3A_82 = tpu.memref_slice %arg10[%dma_wait3A_72, %dma_wait3A_80, %dma_wait3A_81] : memref<2x128x128xf32, #tpu.memory_space<vmem>> -> memref<1x128x128xf32, #tpu.memory_space<vmem>>
    %dma_wait3A_83 = tpu.memref_squeeze %dma_wait3A_82 : memref<1x128x128xf32, #tpu.memory_space<vmem>> -> memref<128x128xf32, #tpu.memory_space<vmem>>
    %dma_wait3A_84 = arith.constant 0 : i32
    %dma_wait3A_85 = arith.constant 0 : i32
    %dma_wait3A_86 = tpu.memref_slice %arg6[%dma_wait3A_84, %dma_wait3A_85] : memref<640x128xf32, #tpu.memory_space<hbm>> -> memref<128x128xf32, #tpu.memory_space<hbm>>
    tpu.wait_dma2 semaphore(%arg13 : memref<!tpu.dma_semaphore, #tpu.memory_space<semaphore_mem>>) src(%dma_wait3A_86 : memref<128x128xf32, #tpu.memory_space<hbm>>) dst(%dma_wait3A_83 : memref<128x128xf32, #tpu.memory_space<vmem>>)
    %dma_start3A_87 = arith.constant 1 : i32
    %dma_start3A_88 = arith.constant 39 : i32
    %dma_start3A_89 = arith.constant 0 : i32
    %dma_start3A_90 = arith.constant 0 : i32
    %dma_start3A_91 = tpu.memref_slice %arg10[%dma_start3A_87, %dma_start3A_89, %dma_start3A_90] : memref<2x128x128xf32, #tpu.memory_space<vmem>> -> memref<1x128x128xf32, #tpu.memory_space<vmem>>
    %dma_start3A_92 = tpu.memref_squeeze %dma_start3A_91 : memref<1x128x128xf32, #tpu.memory_space<vmem>> -> memref<128x128xf32, #tpu.memory_space<vmem>>
    %dma_start3A_93 = arith.constant 0 : i32
    %dma_start3A_94 = tpu.memref_slice %arg9[%dma_start3A_88, %dma_start3A_93] : memref<40x128xi32, #tpu.memory_space<vmem>> -> memref<1x128xi32, #tpu.memory_space<vmem>>
    %dma_start3A_95 = tpu.memref_squeeze %dma_start3A_94 : memref<1x128xi32, #tpu.memory_space<vmem>> -> memref<128xi32, #tpu.memory_space<vmem>>
    %dma_start3A_96 = arith.constant 0 : i32
    %dma_start3A_97 = arith.constant 0 : i32
    %dma_start3A_98 = tpu.memref_slice %arg11[%dma_start3A_96, %dma_start3A_97] : memref<10240x128xf32, #tpu.memory_space<vmem_shared>> -> memref<10240x128xf32, #tpu.memory_space<vmem_shared>>
    tpu.enqueue_indirect_dma source(%dma_start3A_92 : memref<128x128xf32, #tpu.memory_space<vmem>>) target(%dma_start3A_98 : memref<10240x128xf32, #tpu.memory_space<vmem_shared>>) offsets(%dma_start3A_95 : memref<128xi32, #tpu.memory_space<vmem>>) semaphore(%arg15 : memref<!tpu.dma_semaphore, #tpu.memory_space<semaphore_mem>>) {add = true}
    %dma_wait3A_99 = arith.constant 1 : i32
    %dma_wait3A_100 = arith.constant 0 : i32
    %dma_wait3A_101 = arith.constant 0 : i32
    %dma_wait3A_102 = tpu.memref_slice %arg10[%dma_wait3A_99, %dma_wait3A_100, %dma_wait3A_101] : memref<2x128x128xf32, #tpu.memory_space<vmem>> -> memref<1x128x128xf32, #tpu.memory_space<vmem>>
    %dma_wait3A_103 = tpu.memref_squeeze %dma_wait3A_102 : memref<1x128x128xf32, #tpu.memory_space<vmem>> -> memref<128x128xf32, #tpu.memory_space<vmem>>
    %dma_wait3A_104 = arith.constant 0 : i32
    %dma_wait3A_105 = arith.constant 0 : i32
    %dma_wait3A_106 = tpu.memref_slice %arg6[%dma_wait3A_104, %dma_wait3A_105] : memref<640x128xf32, #tpu.memory_space<hbm>> -> memref<128x128xf32, #tpu.memory_space<hbm>>
    %dma_wait3A_107 = arith.constant 0 : i32
    %dma_wait3A_108 = arith.constant 0 : i32
    %dma_wait3A_109 = tpu.memref_slice %arg10[%dma_wait3A_99, %dma_wait3A_107, %dma_wait3A_108] : memref<2x128x128xf32, #tpu.memory_space<vmem>> -> memref<1x128x128xf32, #tpu.memory_space<vmem>>
    %dma_wait3A_110 = tpu.memref_squeeze %dma_wait3A_109 : memref<1x128x128xf32, #tpu.memory_space<vmem>> -> memref<128x128xf32, #tpu.memory_space<vmem>>
    %dma_wait3A_111 = arith.constant 0 : i32
    %dma_wait3A_112 = arith.constant 0 : i32
    %dma_wait3A_113 = tpu.memref_slice %arg6[%dma_wait3A_111, %dma_wait3A_112] : memref<640x128xf32, #tpu.memory_space<hbm>> -> memref<128x128xf32, #tpu.memory_space<hbm>>
    tpu.wait_dma2 semaphore(%arg15 : memref<!tpu.dma_semaphore, #tpu.memory_space<semaphore_mem>>) src(%dma_wait3A_113 : memref<128x128xf32, #tpu.memory_space<hbm>>) dst(%dma_wait3A_110 : memref<128x128xf32, #tpu.memory_space<vmem>>)
    %dma_start3A_114 = arith.constant 0 : i32
    %dma_start3A_115 = arith.constant 0 : i32
    %dma_start3A_116 = arith.constant 0 : i32
    %dma_start3A_117 = arith.constant 0 : i32
    %dma_start3A_118 = tpu.memref_slice %arg10[%dma_start3A_115, %dma_start3A_116, %dma_start3A_117] : memref<2x128x128xf32, #tpu.memory_space<vmem>> -> memref<1x128x128xf32, #tpu.memory_space<vmem>>
    %dma_start3A_119 = tpu.memref_squeeze %dma_start3A_118 : memref<1x128x128xf32, #tpu.memory_space<vmem>> -> memref<128x128xf32, #tpu.memory_space<vmem>>
    %dma_start3A_120 = arith.constant 0 : i32
    %dma_start3A_121 = tpu.memref_slice %arg8[%dma_start3A_114, %dma_start3A_120] : memref<40x128xi32, #tpu.memory_space<vmem>> -> memref<1x128xi32, #tpu.memory_space<vmem>>
    %dma_start3A_122 = tpu.memref_squeeze %dma_start3A_121 : memref<1x128xi32, #tpu.memory_space<vmem>> -> memref<128xi32, #tpu.memory_space<vmem>>
    %dma_start3A_123 = arith.constant 0 : i32
    %dma_start3A_124 = arith.constant 0 : i32
    %dma_start3A_125 = tpu.memref_slice %arg3[%dma_start3A_123, %dma_start3A_124] : memref<10000x128xf32, #tpu.memory_space<hbm>> -> memref<10000x128xf32, #tpu.memory_space<hbm>>
    tpu.enqueue_indirect_dma source(%dma_start3A_125 : memref<10000x128xf32, #tpu.memory_space<hbm>>) target(%dma_start3A_119 : memref<128x128xf32, #tpu.memory_space<vmem>>) offsets(%dma_start3A_122 : memref<128xi32, #tpu.memory_space<vmem>>) semaphore(%arg12 : memref<!tpu.dma_semaphore, #tpu.memory_space<semaphore_mem>>)
    %dma_start3A_126 = arith.constant 1 : i32
    %dma_start3A_127 = arith.constant 1 : i32
    %dma_start3A_128 = arith.constant 0 : i32
    %dma_start3A_129 = arith.constant 0 : i32
    %dma_start3A_130 = tpu.memref_slice %arg10[%dma_start3A_127, %dma_start3A_128, %dma_start3A_129] : memref<2x128x128xf32, #tpu.memory_space<vmem>> -> memref<1x128x128xf32, #tpu.memory_space<vmem>>
    %dma_start3A_131 = tpu.memref_squeeze %dma_start3A_130 : memref<1x128x128xf32, #tpu.memory_space<vmem>> -> memref<128x128xf32, #tpu.memory_space<vmem>>
    %dma_start3A_132 = arith.constant 0 : i32
    %dma_start3A_133 = tpu.memref_slice %arg8[%dma_start3A_126, %dma_start3A_132] : memref<40x128xi32, #tpu.memory_space<vmem>> -> memref<1x128xi32, #tpu.memory_space<vmem>>
    %dma_start3A_134 = tpu.memref_squeeze %dma_start3A_133 : memref<1x128xi32, #tpu.memory_space<vmem>> -> memref<128xi32, #tpu.memory_space<vmem>>
    %dma_start3A_135 = arith.constant 0 : i32
    %dma_start3A_136 = arith.constant 0 : i32
    %dma_start3A_137 = tpu.memref_slice %arg3[%dma_start3A_135, %dma_start3A_136] : memref<10000x128xf32, #tpu.memory_space<hbm>> -> memref<10000x128xf32, #tpu.memory_space<hbm>>
    tpu.enqueue_indirect_dma source(%dma_start3A_137 : memref<10000x128xf32, #tpu.memory_space<hbm>>) target(%dma_start3A_131 : memref<128x128xf32, #tpu.memory_space<vmem>>) offsets(%dma_start3A_134 : memref<128xi32, #tpu.memory_space<vmem>>) semaphore(%arg13 : memref<!tpu.dma_semaphore, #tpu.memory_space<semaphore_mem>>)
    %barrier3A_138 = arith.constant 0 : index
    tpu.barrier barrier_id(%barrier3A_138)
    %mul3A_139 = arith.constant 640 : i32
    %mul3A_140 = arith.muli %arg1, %mul3A_139 : i32
    %mul3A_141 = arith.constant 640 : i32
    %mul3A_142 = arith.muli %arg1, %mul3A_141 : i32
    %run_scoped3A = arith.constant 0 : i32
    "tpu.region"() ({
      %run_scoped3A_242 = tpu.sem_alloc : memref<!tpu.dma_semaphore, #tpu.memory_space<semaphore_mem>>
      %dma_start3A_243 = arith.constant 0 : i32
      %dma_start3A_244 = tpu.memref_slice %arg7[%arg0, %run_scoped3A, %mul3A_142, %dma_start3A_243] : memref<2x2x10240x128xf32, #tpu.memory_space<hbm>> -> memref<1x1x640x128xf32, #tpu.memory_space<hbm>>
      %dma_start3A_245 = tpu.memref_squeeze %dma_start3A_244 : memref<1x1x640x128xf32, #tpu.memory_space<hbm>> -> memref<640x128xf32, #tpu.memory_space<hbm>>
      %dma_start3A_246 = arith.constant 0 : i32
      %dma_start3A_247 = tpu.memref_slice %arg11[%mul3A_140, %dma_start3A_246] : memref<10240x128xf32, #tpu.memory_space<vmem_shared>> -> memref<640x128xf32, #tpu.memory_space<vmem_shared>>
      tpu.enqueue_dma source(%dma_start3A_247 : memref<640x128xf32, #tpu.memory_space<vmem_shared>>) target(%dma_start3A_245 : memref<640x128xf32, #tpu.memory_space<hbm>>) target_semaphore(%run_scoped3A_242 : memref<!tpu.dma_semaphore, #tpu.memory_space<semaphore_mem>>)
      %dma_wait3A_248 = arith.constant 0 : i32
      %dma_wait3A_249 = tpu.memref_slice %arg7[%arg0, %run_scoped3A, %mul3A_142, %dma_wait3A_248] : memref<2x2x10240x128xf32, #tpu.memory_space<hbm>> -> memref<1x1x640x128xf32, #tpu.memory_space<hbm>>
      %dma_wait3A_250 = tpu.memref_squeeze %dma_wait3A_249 : memref<1x1x640x128xf32, #tpu.memory_space<hbm>> -> memref<640x128xf32, #tpu.memory_space<hbm>>
      %dma_wait3A_251 = arith.constant 0 : i32
      %dma_wait3A_252 = tpu.memref_slice %arg11[%mul3A_140, %dma_wait3A_251] : memref<10240x128xf32, #tpu.memory_space<vmem_shared>> -> memref<640x128xf32, #tpu.memory_space<vmem_shared>>
      tpu.wait_dma2 semaphore(%run_scoped3A_242 : memref<!tpu.dma_semaphore, #tpu.memory_space<semaphore_mem>>) src(%dma_wait3A_252 : memref<640x128xf32, #tpu.memory_space<vmem_shared>>) dst(%dma_wait3A_250 : memref<640x128xf32, #tpu.memory_space<hbm>>)
      tpu.yield
    }) : () -> ()
    %mul3A_143 = arith.constant 640 : i32
    %mul3A_144 = arith.muli %arg1, %mul3A_143 : i32
    "tpu.region"() ({
      %run_scoped3A_242 = tpu.sem_alloc : memref<!tpu.dma_semaphore, #tpu.memory_space<semaphore_mem>>
      %dma_start3A_243 = arith.constant 0 : i32
      %dma_start3A_244 = tpu.memref_slice %arg11[%mul3A_144, %dma_start3A_243] : memref<10240x128xf32, #tpu.memory_space<vmem_shared>> -> memref<640x128xf32, #tpu.memory_space<vmem_shared>>
      tpu.enqueue_dma source(%arg6 : memref<640x128xf32, #tpu.memory_space<hbm>>) target(%dma_start3A_244 : memref<640x128xf32, #tpu.memory_space<vmem_shared>>) target_semaphore(%run_scoped3A_242 : memref<!tpu.dma_semaphore, #tpu.memory_space<semaphore_mem>>)
      %dma_wait3A_245 = arith.constant 0 : i32
      %dma_wait3A_246 = tpu.memref_slice %arg11[%mul3A_144, %dma_wait3A_245] : memref<10240x128xf32, #tpu.memory_space<vmem_shared>> -> memref<640x128xf32, #tpu.memory_space<vmem_shared>>
      tpu.wait_dma2 semaphore(%run_scoped3A_242 : memref<!tpu.dma_semaphore, #tpu.memory_space<semaphore_mem>>) src(%arg6 : memref<640x128xf32, #tpu.memory_space<hbm>>) dst(%dma_wait3A_246 : memref<640x128xf32, #tpu.memory_space<vmem_shared>>)
      tpu.yield
    }) : () -> ()
    %barrier3A_145 = arith.constant 0 : index
    tpu.barrier barrier_id(%barrier3A_145)
    %scan3A_146 = arith.constant 0 : i32
    %scan3A_147 = arith.constant 0 : i32
    %scan3A_148 = arith.constant 19 : i32
    %scan3A_149 = arith.addi %scan3A_147, %scan3A_148 : i32
    %scan3A_150 = arith.constant 1 : i32
    scf.for %scan3A_242 = %scan3A_147 to %scan3A_149 step %scan3A_150  : i32 {
      %mul3A_243 = arith.constant 2 : i32
      %mul3A_244 = arith.muli %scan3A_242, %mul3A_243 : i32
      %dma_wait3A_245 = arith.constant 0 : i32
      %dma_wait3A_246 = arith.constant 0 : i32
      %dma_wait3A_247 = arith.constant 0 : i32
      %dma_wait3A_248 = tpu.memref_slice %arg10[%dma_wait3A_245, %dma_wait3A_246, %dma_wait3A_247] : memref<2x128x128xf32, #tpu.memory_space<vmem>> -> memref<1x128x128xf32, #tpu.memory_space<vmem>>
      %dma_wait3A_249 = tpu.memref_squeeze %dma_wait3A_248 : memref<1x128x128xf32, #tpu.memory_space<vmem>> -> memref<128x128xf32, #tpu.memory_space<vmem>>
      %dma_wait3A_250 = arith.constant 0 : i32
      %dma_wait3A_251 = arith.constant 0 : i32
      %dma_wait3A_252 = tpu.memref_slice %arg6[%dma_wait3A_250, %dma_wait3A_251] : memref<640x128xf32, #tpu.memory_space<hbm>> -> memref<128x128xf32, #tpu.memory_space<hbm>>
      %dma_wait3A_253 = arith.constant 0 : i32
      %dma_wait3A_254 = arith.constant 0 : i32
      %dma_wait3A_255 = tpu.memref_slice %arg10[%dma_wait3A_245, %dma_wait3A_253, %dma_wait3A_254] : memref<2x128x128xf32, #tpu.memory_space<vmem>> -> memref<1x128x128xf32, #tpu.memory_space<vmem>>
      %dma_wait3A_256 = tpu.memref_squeeze %dma_wait3A_255 : memref<1x128x128xf32, #tpu.memory_space<vmem>> -> memref<128x128xf32, #tpu.memory_space<vmem>>
      %dma_wait3A_257 = arith.constant 0 : i32
      %dma_wait3A_258 = arith.constant 0 : i32
      %dma_wait3A_259 = tpu.memref_slice %arg6[%dma_wait3A_257, %dma_wait3A_258] : memref<640x128xf32, #tpu.memory_space<hbm>> -> memref<128x128xf32, #tpu.memory_space<hbm>>
      tpu.wait_dma2 semaphore(%arg12 : memref<!tpu.dma_semaphore, #tpu.memory_space<semaphore_mem>>) src(%dma_wait3A_259 : memref<128x128xf32, #tpu.memory_space<hbm>>) dst(%dma_wait3A_256 : memref<128x128xf32, #tpu.memory_space<vmem>>)
      %add3A_260 = arith.constant 0 : i32
      %add3A_261 = arith.addi %mul3A_244, %add3A_260 : i32
      %dma_start3A_262 = arith.constant 0 : i32
      %dma_start3A_263 = arith.constant 0 : i32
      %dma_start3A_264 = arith.constant 0 : i32
      %dma_start3A_265 = tpu.memref_slice %arg10[%dma_start3A_262, %dma_start3A_263, %dma_start3A_264] : memref<2x128x128xf32, #tpu.memory_space<vmem>> -> memref<1x128x128xf32, #tpu.memory_space<vmem>>
      %dma_start3A_266 = tpu.memref_squeeze %dma_start3A_265 : memref<1x128x128xf32, #tpu.memory_space<vmem>> -> memref<128x128xf32, #tpu.memory_space<vmem>>
      %dma_start3A_267 = arith.constant 0 : i32
      %dma_start3A_268 = tpu.memref_slice %arg9[%add3A_261, %dma_start3A_267] : memref<40x128xi32, #tpu.memory_space<vmem>> -> memref<1x128xi32, #tpu.memory_space<vmem>>
      %dma_start3A_269 = tpu.memref_squeeze %dma_start3A_268 : memref<1x128xi32, #tpu.memory_space<vmem>> -> memref<128xi32, #tpu.memory_space<vmem>>
      %dma_start3A_270 = arith.constant 0 : i32
      %dma_start3A_271 = arith.constant 0 : i32
      %dma_start3A_272 = tpu.memref_slice %arg11[%dma_start3A_270, %dma_start3A_271] : memref<10240x128xf32, #tpu.memory_space<vmem_shared>> -> memref<10240x128xf32, #tpu.memory_space<vmem_shared>>
      tpu.enqueue_indirect_dma source(%dma_start3A_266 : memref<128x128xf32, #tpu.memory_space<vmem>>) target(%dma_start3A_272 : memref<10240x128xf32, #tpu.memory_space<vmem_shared>>) offsets(%dma_start3A_269 : memref<128xi32, #tpu.memory_space<vmem>>) semaphore(%arg14 : memref<!tpu.dma_semaphore, #tpu.memory_space<semaphore_mem>>) {add = true}
      %dma_wait3A_273 = arith.constant 0 : i32
      %dma_wait3A_274 = arith.constant 0 : i32
      %dma_wait3A_275 = arith.constant 0 : i32
      %dma_wait3A_276 = tpu.memref_slice %arg10[%dma_wait3A_273, %dma_wait3A_274, %dma_wait3A_275] : memref<2x128x128xf32, #tpu.memory_space<vmem>> -> memref<1x128x128xf32, #tpu.memory_space<vmem>>
      %dma_wait3A_277 = tpu.memref_squeeze %dma_wait3A_276 : memref<1x128x128xf32, #tpu.memory_space<vmem>> -> memref<128x128xf32, #tpu.memory_space<vmem>>
      %dma_wait3A_278 = arith.constant 0 : i32
      %dma_wait3A_279 = arith.constant 0 : i32
      %dma_wait3A_280 = tpu.memref_slice %arg6[%dma_wait3A_278, %dma_wait3A_279] : memref<640x128xf32, #tpu.memory_space<hbm>> -> memref<128x128xf32, #tpu.memory_space<hbm>>
      %dma_wait3A_281 = arith.constant 0 : i32
      %dma_wait3A_282 = arith.constant 0 : i32
      %dma_wait3A_283 = tpu.memref_slice %arg10[%dma_wait3A_273, %dma_wait3A_281, %dma_wait3A_282] : memref<2x128x128xf32, #tpu.memory_space<vmem>> -> memref<1x128x128xf32, #tpu.memory_space<vmem>>
      %dma_wait3A_284 = tpu.memref_squeeze %dma_wait3A_283 : memref<1x128x128xf32, #tpu.memory_space<vmem>> -> memref<128x128xf32, #tpu.memory_space<vmem>>
      %dma_wait3A_285 = arith.constant 0 : i32
      %dma_wait3A_286 = arith.constant 0 : i32
      %dma_wait3A_287 = tpu.memref_slice %arg6[%dma_wait3A_285, %dma_wait3A_286] : memref<640x128xf32, #tpu.memory_space<hbm>> -> memref<128x128xf32, #tpu.memory_space<hbm>>
      tpu.wait_dma2 semaphore(%arg14 : memref<!tpu.dma_semaphore, #tpu.memory_space<semaphore_mem>>) src(%dma_wait3A_287 : memref<128x128xf32, #tpu.memory_space<hbm>>) dst(%dma_wait3A_284 : memref<128x128xf32, #tpu.memory_space<vmem>>)
      %add3A_288 = arith.constant 0 : i32
      %add3A_289 = arith.addi %mul3A_244, %add3A_288 : i32
      %add3A_290 = arith.constant 2 : i32
      %add3A_291 = arith.addi %add3A_289, %add3A_290 : i32
      %dma_start3A_292 = arith.constant 0 : i32
      %dma_start3A_293 = arith.constant 0 : i32
      %dma_start3A_294 = arith.constant 0 : i32
      %dma_start3A_295 = tpu.memref_slice %arg10[%dma_start3A_292, %dma_start3A_293, %dma_start3A_294] : memref<2x128x128xf32, #tpu.memory_space<vmem>> -> memref<1x128x128xf32, #tpu.memory_space<vmem>>
      %dma_start3A_296 = tpu.memref_squeeze %dma_start3A_295 : memref<1x128x128xf32, #tpu.memory_space<vmem>> -> memref<128x128xf32, #tpu.memory_space<vmem>>
      %dma_start3A_297 = arith.constant 0 : i32
      %dma_start3A_298 = tpu.memref_slice %arg8[%add3A_291, %dma_start3A_297] : memref<40x128xi32, #tpu.memory_space<vmem>> -> memref<1x128xi32, #tpu.memory_space<vmem>>
      %dma_start3A_299 = tpu.memref_squeeze %dma_start3A_298 : memref<1x128xi32, #tpu.memory_space<vmem>> -> memref<128xi32, #tpu.memory_space<vmem>>
      %dma_start3A_300 = arith.constant 0 : i32
      %dma_start3A_301 = arith.constant 0 : i32
      %dma_start3A_302 = tpu.memref_slice %arg3[%dma_start3A_300, %dma_start3A_301] : memref<10000x128xf32, #tpu.memory_space<hbm>> -> memref<10000x128xf32, #tpu.memory_space<hbm>>
      tpu.enqueue_indirect_dma source(%dma_start3A_302 : memref<10000x128xf32, #tpu.memory_space<hbm>>) target(%dma_start3A_296 : memref<128x128xf32, #tpu.memory_space<vmem>>) offsets(%dma_start3A_299 : memref<128xi32, #tpu.memory_space<vmem>>) semaphore(%arg12 : memref<!tpu.dma_semaphore, #tpu.memory_space<semaphore_mem>>)
      %dma_wait3A_303 = arith.constant 1 : i32
      %dma_wait3A_304 = arith.constant 0 : i32
      %dma_wait3A_305 = arith.constant 0 : i32
      %dma_wait3A_306 = tpu.memref_slice %arg10[%dma_wait3A_303, %dma_wait3A_304, %dma_wait3A_305] : memref<2x128x128xf32, #tpu.memory_space<vmem>> -> memref<1x128x128xf32, #tpu.memory_space<vmem>>
      %dma_wait3A_307 = tpu.memref_squeeze %dma_wait3A_306 : memref<1x128x128xf32, #tpu.memory_space<vmem>> -> memref<128x128xf32, #tpu.memory_space<vmem>>
      %dma_wait3A_308 = arith.constant 0 : i32
      %dma_wait3A_309 = arith.constant 0 : i32
      %dma_wait3A_310 = tpu.memref_slice %arg6[%dma_wait3A_308, %dma_wait3A_309] : memref<640x128xf32, #tpu.memory_space<hbm>> -> memref<128x128xf32, #tpu.memory_space<hbm>>
      %dma_wait3A_311 = arith.constant 0 : i32
      %dma_wait3A_312 = arith.constant 0 : i32
      %dma_wait3A_313 = tpu.memref_slice %arg10[%dma_wait3A_303, %dma_wait3A_311, %dma_wait3A_312] : memref<2x128x128xf32, #tpu.memory_space<vmem>> -> memref<1x128x128xf32, #tpu.memory_space<vmem>>
      %dma_wait3A_314 = tpu.memref_squeeze %dma_wait3A_313 : memref<1x128x128xf32, #tpu.memory_space<vmem>> -> memref<128x128xf32, #tpu.memory_space<vmem>>
      %dma_wait3A_315 = arith.constant 0 : i32
      %dma_wait3A_316 = arith.constant 0 : i32
      %dma_wait3A_317 = tpu.memref_slice %arg6[%dma_wait3A_315, %dma_wait3A_316] : memref<640x128xf32, #tpu.memory_space<hbm>> -> memref<128x128xf32, #tpu.memory_space<hbm>>
      tpu.wait_dma2 semaphore(%arg13 : memref<!tpu.dma_semaphore, #tpu.memory_space<semaphore_mem>>) src(%dma_wait3A_317 : memref<128x128xf32, #tpu.memory_space<hbm>>) dst(%dma_wait3A_314 : memref<128x128xf32, #tpu.memory_space<vmem>>)
      %add3A_318 = arith.constant 1 : i32
      %add3A_319 = arith.addi %mul3A_244, %add3A_318 : i32
      %dma_start3A_320 = arith.constant 1 : i32
      %dma_start3A_321 = arith.constant 0 : i32
      %dma_start3A_322 = arith.constant 0 : i32
      %dma_start3A_323 = tpu.memref_slice %arg10[%dma_start3A_320, %dma_start3A_321, %dma_start3A_322] : memref<2x128x128xf32, #tpu.memory_space<vmem>> -> memref<1x128x128xf32, #tpu.memory_space<vmem>>
      %dma_start3A_324 = tpu.memref_squeeze %dma_start3A_323 : memref<1x128x128xf32, #tpu.memory_space<vmem>> -> memref<128x128xf32, #tpu.memory_space<vmem>>
      %dma_start3A_325 = arith.constant 0 : i32
      %dma_start3A_326 = tpu.memref_slice %arg9[%add3A_319, %dma_start3A_325] : memref<40x128xi32, #tpu.memory_space<vmem>> -> memref<1x128xi32, #tpu.memory_space<vmem>>
      %dma_start3A_327 = tpu.memref_squeeze %dma_start3A_326 : memref<1x128xi32, #tpu.memory_space<vmem>> -> memref<128xi32, #tpu.memory_space<vmem>>
      %dma_start3A_328 = arith.constant 0 : i32
      %dma_start3A_329 = arith.constant 0 : i32
      %dma_start3A_330 = tpu.memref_slice %arg11[%dma_start3A_328, %dma_start3A_329] : memref<10240x128xf32, #tpu.memory_space<vmem_shared>> -> memref<10240x128xf32, #tpu.memory_space<vmem_shared>>
      tpu.enqueue_indirect_dma source(%dma_start3A_324 : memref<128x128xf32, #tpu.memory_space<vmem>>) target(%dma_start3A_330 : memref<10240x128xf32, #tpu.memory_space<vmem_shared>>) offsets(%dma_start3A_327 : memref<128xi32, #tpu.memory_space<vmem>>) semaphore(%arg15 : memref<!tpu.dma_semaphore, #tpu.memory_space<semaphore_mem>>) {add = true}
      %dma_wait3A_331 = arith.constant 1 : i32
      %dma_wait3A_332 = arith.constant 0 : i32
      %dma_wait3A_333 = arith.constant 0 : i32
      %dma_wait3A_334 = tpu.memref_slice %arg10[%dma_wait3A_331, %dma_wait3A_332, %dma_wait3A_333] : memref<2x128x128xf32, #tpu.memory_space<vmem>> -> memref<1x128x128xf32, #tpu.memory_space<vmem>>
      %dma_wait3A_335 = tpu.memref_squeeze %dma_wait3A_334 : memref<1x128x128xf32, #tpu.memory_space<vmem>> -> memref<128x128xf32, #tpu.memory_space<vmem>>
      %dma_wait3A_336 = arith.constant 0 : i32
      %dma_wait3A_337 = arith.constant 0 : i32
      %dma_wait3A_338 = tpu.memref_slice %arg6[%dma_wait3A_336, %dma_wait3A_337] : memref<640x128xf32, #tpu.memory_space<hbm>> -> memref<128x128xf32, #tpu.memory_space<hbm>>
      %dma_wait3A_339 = arith.constant 0 : i32
      %dma_wait3A_340 = arith.constant 0 : i32
      %dma_wait3A_341 = tpu.memref_slice %arg10[%dma_wait3A_331, %dma_wait3A_339, %dma_wait3A_340] : memref<2x128x128xf32, #tpu.memory_space<vmem>> -> memref<1x128x128xf32, #tpu.memory_space<vmem>>
      %dma_wait3A_342 = tpu.memref_squeeze %dma_wait3A_341 : memref<1x128x128xf32, #tpu.memory_space<vmem>> -> memref<128x128xf32, #tpu.memory_space<vmem>>
      %dma_wait3A_343 = arith.constant 0 : i32
      %dma_wait3A_344 = arith.constant 0 : i32
      %dma_wait3A_345 = tpu.memref_slice %arg6[%dma_wait3A_343, %dma_wait3A_344] : memref<640x128xf32, #tpu.memory_space<hbm>> -> memref<128x128xf32, #tpu.memory_space<hbm>>
      tpu.wait_dma2 semaphore(%arg15 : memref<!tpu.dma_semaphore, #tpu.memory_space<semaphore_mem>>) src(%dma_wait3A_345 : memref<128x128xf32, #tpu.memory_space<hbm>>) dst(%dma_wait3A_342 : memref<128x128xf32, #tpu.memory_space<vmem>>)
      %add3A_346 = arith.constant 1 : i32
      %add3A_347 = arith.addi %mul3A_244, %add3A_346 : i32
      %add3A_348 = arith.constant 2 : i32
      %add3A_349 = arith.addi %add3A_347, %add3A_348 : i32
      %dma_start3A_350 = arith.constant 1 : i32
      %dma_start3A_351 = arith.constant 0 : i32
      %dma_start3A_352 = arith.constant 0 : i32
      %dma_start3A_353 = tpu.memref_slice %arg10[%dma_start3A_350, %dma_start3A_351, %dma_start3A_352] : memref<2x128x128xf32, #tpu.memory_space<vmem>> -> memref<1x128x128xf32, #tpu.memory_space<vmem>>
      %dma_start3A_354 = tpu.memref_squeeze %dma_start3A_353 : memref<1x128x128xf32, #tpu.memory_space<vmem>> -> memref<128x128xf32, #tpu.memory_space<vmem>>
      %dma_start3A_355 = arith.constant 0 : i32
      %dma_start3A_356 = tpu.memref_slice %arg8[%add3A_349, %dma_start3A_355] : memref<40x128xi32, #tpu.memory_space<vmem>> -> memref<1x128xi32, #tpu.memory_space<vmem>>
      %dma_start3A_357 = tpu.memref_squeeze %dma_start3A_356 : memref<1x128xi32, #tpu.memory_space<vmem>> -> memref<128xi32, #tpu.memory_space<vmem>>
      %dma_start3A_358 = arith.constant 0 : i32
      %dma_start3A_359 = arith.constant 0 : i32
      %dma_start3A_360 = tpu.memref_slice %arg3[%dma_start3A_358, %dma_start3A_359] : memref<10000x128xf32, #tpu.memory_space<hbm>> -> memref<10000x128xf32, #tpu.memory_space<hbm>>
      tpu.enqueue_indirect_dma source(%dma_start3A_360 : memref<10000x128xf32, #tpu.memory_space<hbm>>) target(%dma_start3A_354 : memref<128x128xf32, #tpu.memory_space<vmem>>) offsets(%dma_start3A_357 : memref<128xi32, #tpu.memory_space<vmem>>) semaphore(%arg13 : memref<!tpu.dma_semaphore, #tpu.memory_space<semaphore_mem>>)
    }
    %scan3A_151 = arith.constant 19 : i32
    %dma_wait3A_152 = arith.constant 0 : i32
    %dma_wait3A_153 = arith.constant 0 : i32
    %dma_wait3A_154 = arith.constant 0 : i32
    %dma_wait3A_155 = tpu.memref_slice %arg10[%dma_wait3A_152, %dma_wait3A_153, %dma_wait3A_154] : memref<2x128x128xf32, #tpu.memory_space<vmem>> -> memref<1x128x128xf32, #tpu.memory_space<vmem>>
    %dma_wait3A_156 = tpu.memref_squeeze %dma_wait3A_155 : memref<1x128x128xf32, #tpu.memory_space<vmem>> -> memref<128x128xf32, #tpu.memory_space<vmem>>
    %dma_wait3A_157 = arith.constant 0 : i32
    %dma_wait3A_158 = arith.constant 0 : i32
    %dma_wait3A_159 = tpu.memref_slice %arg6[%dma_wait3A_157, %dma_wait3A_158] : memref<640x128xf32, #tpu.memory_space<hbm>> -> memref<128x128xf32, #tpu.memory_space<hbm>>
    %dma_wait3A_160 = arith.constant 0 : i32
    %dma_wait3A_161 = arith.constant 0 : i32
    %dma_wait3A_162 = tpu.memref_slice %arg10[%dma_wait3A_152, %dma_wait3A_160, %dma_wait3A_161] : memref<2x128x128xf32, #tpu.memory_space<vmem>> -> memref<1x128x128xf32, #tpu.memory_space<vmem>>
    %dma_wait3A_163 = tpu.memref_squeeze %dma_wait3A_162 : memref<1x128x128xf32, #tpu.memory_space<vmem>> -> memref<128x128xf32, #tpu.memory_space<vmem>>
    %dma_wait3A_164 = arith.constant 0 : i32
    %dma_wait3A_165 = arith.constant 0 : i32
    %dma_wait3A_166 = tpu.memref_slice %arg6[%dma_wait3A_164, %dma_wait3A_165] : memref<640x128xf32, #tpu.memory_space<hbm>> -> memref<128x128xf32, #tpu.memory_space<hbm>>
    tpu.wait_dma2 semaphore(%arg12 : memref<!tpu.dma_semaphore, #tpu.memory_space<semaphore_mem>>) src(%dma_wait3A_166 : memref<128x128xf32, #tpu.memory_space<hbm>>) dst(%dma_wait3A_163 : memref<128x128xf32, #tpu.memory_space<vmem>>)
    %dma_start3A_167 = arith.constant 0 : i32
    %dma_start3A_168 = arith.constant 38 : i32
    %dma_start3A_169 = arith.constant 0 : i32
    %dma_start3A_170 = arith.constant 0 : i32
    %dma_start3A_171 = tpu.memref_slice %arg10[%dma_start3A_167, %dma_start3A_169, %dma_start3A_170] : memref<2x128x128xf32, #tpu.memory_space<vmem>> -> memref<1x128x128xf32, #tpu.memory_space<vmem>>
    %dma_start3A_172 = tpu.memref_squeeze %dma_start3A_171 : memref<1x128x128xf32, #tpu.memory_space<vmem>> -> memref<128x128xf32, #tpu.memory_space<vmem>>
    %dma_start3A_173 = arith.constant 0 : i32
    %dma_start3A_174 = tpu.memref_slice %arg9[%dma_start3A_168, %dma_start3A_173] : memref<40x128xi32, #tpu.memory_space<vmem>> -> memref<1x128xi32, #tpu.memory_space<vmem>>
    %dma_start3A_175 = tpu.memref_squeeze %dma_start3A_174 : memref<1x128xi32, #tpu.memory_space<vmem>> -> memref<128xi32, #tpu.memory_space<vmem>>
    %dma_start3A_176 = arith.constant 0 : i32
    %dma_start3A_177 = arith.constant 0 : i32
    %dma_start3A_178 = tpu.memref_slice %arg11[%dma_start3A_176, %dma_start3A_177] : memref<10240x128xf32, #tpu.memory_space<vmem_shared>> -> memref<10240x128xf32, #tpu.memory_space<vmem_shared>>
    tpu.enqueue_indirect_dma source(%dma_start3A_172 : memref<128x128xf32, #tpu.memory_space<vmem>>) target(%dma_start3A_178 : memref<10240x128xf32, #tpu.memory_space<vmem_shared>>) offsets(%dma_start3A_175 : memref<128xi32, #tpu.memory_space<vmem>>) semaphore(%arg14 : memref<!tpu.dma_semaphore, #tpu.memory_space<semaphore_mem>>) {add = true}
    %dma_wait3A_179 = arith.constant 0 : i32
    %dma_wait3A_180 = arith.constant 0 : i32
    %dma_wait3A_181 = arith.constant 0 : i32
    %dma_wait3A_182 = tpu.memref_slice %arg10[%dma_wait3A_179, %dma_wait3A_180, %dma_wait3A_181] : memref<2x128x128xf32, #tpu.memory_space<vmem>> -> memref<1x128x128xf32, #tpu.memory_space<vmem>>
    %dma_wait3A_183 = tpu.memref_squeeze %dma_wait3A_182 : memref<1x128x128xf32, #tpu.memory_space<vmem>> -> memref<128x128xf32, #tpu.memory_space<vmem>>
    %dma_wait3A_184 = arith.constant 0 : i32
    %dma_wait3A_185 = arith.constant 0 : i32
    %dma_wait3A_186 = tpu.memref_slice %arg6[%dma_wait3A_184, %dma_wait3A_185] : memref<640x128xf32, #tpu.memory_space<hbm>> -> memref<128x128xf32, #tpu.memory_space<hbm>>
    %dma_wait3A_187 = arith.constant 0 : i32
    %dma_wait3A_188 = arith.constant 0 : i32
    %dma_wait3A_189 = tpu.memref_slice %arg10[%dma_wait3A_179, %dma_wait3A_187, %dma_wait3A_188] : memref<2x128x128xf32, #tpu.memory_space<vmem>> -> memref<1x128x128xf32, #tpu.memory_space<vmem>>
    %dma_wait3A_190 = tpu.memref_squeeze %dma_wait3A_189 : memref<1x128x128xf32, #tpu.memory_space<vmem>> -> memref<128x128xf32, #tpu.memory_space<vmem>>
    %dma_wait3A_191 = arith.constant 0 : i32
    %dma_wait3A_192 = arith.constant 0 : i32
    %dma_wait3A_193 = tpu.memref_slice %arg6[%dma_wait3A_191, %dma_wait3A_192] : memref<640x128xf32, #tpu.memory_space<hbm>> -> memref<128x128xf32, #tpu.memory_space<hbm>>
    tpu.wait_dma2 semaphore(%arg14 : memref<!tpu.dma_semaphore, #tpu.memory_space<semaphore_mem>>) src(%dma_wait3A_193 : memref<128x128xf32, #tpu.memory_space<hbm>>) dst(%dma_wait3A_190 : memref<128x128xf32, #tpu.memory_space<vmem>>)
    %dma_wait3A_194 = arith.constant 1 : i32
    %dma_wait3A_195 = arith.constant 0 : i32
    %dma_wait3A_196 = arith.constant 0 : i32
    %dma_wait3A_197 = tpu.memref_slice %arg10[%dma_wait3A_194, %dma_wait3A_195, %dma_wait3A_196] : memref<2x128x128xf32, #tpu.memory_space<vmem>> -> memref<1x128x128xf32, #tpu.memory_space<vmem>>
    %dma_wait3A_198 = tpu.memref_squeeze %dma_wait3A_197 : memref<1x128x128xf32, #tpu.memory_space<vmem>> -> memref<128x128xf32, #tpu.memory_space<vmem>>
    %dma_wait3A_199 = arith.constant 0 : i32
    %dma_wait3A_200 = arith.constant 0 : i32
    %dma_wait3A_201 = tpu.memref_slice %arg6[%dma_wait3A_199, %dma_wait3A_200] : memref<640x128xf32, #tpu.memory_space<hbm>> -> memref<128x128xf32, #tpu.memory_space<hbm>>
    %dma_wait3A_202 = arith.constant 0 : i32
    %dma_wait3A_203 = arith.constant 0 : i32
    %dma_wait3A_204 = tpu.memref_slice %arg10[%dma_wait3A_194, %dma_wait3A_202, %dma_wait3A_203] : memref<2x128x128xf32, #tpu.memory_space<vmem>> -> memref<1x128x128xf32, #tpu.memory_space<vmem>>
    %dma_wait3A_205 = tpu.memref_squeeze %dma_wait3A_204 : memref<1x128x128xf32, #tpu.memory_space<vmem>> -> memref<128x128xf32, #tpu.memory_space<vmem>>
    %dma_wait3A_206 = arith.constant 0 : i32
    %dma_wait3A_207 = arith.constant 0 : i32
    %dma_wait3A_208 = tpu.memref_slice %arg6[%dma_wait3A_206, %dma_wait3A_207] : memref<640x128xf32, #tpu.memory_space<hbm>> -> memref<128x128xf32, #tpu.memory_space<hbm>>
    tpu.wait_dma2 semaphore(%arg13 : memref<!tpu.dma_semaphore, #tpu.memory_space<semaphore_mem>>) src(%dma_wait3A_208 : memref<128x128xf32, #tpu.memory_space<hbm>>) dst(%dma_wait3A_205 : memref<128x128xf32, #tpu.memory_space<vmem>>)
    %dma_start3A_209 = arith.constant 1 : i32
    %dma_start3A_210 = arith.constant 39 : i32
    %dma_start3A_211 = arith.constant 0 : i32
    %dma_start3A_212 = arith.constant 0 : i32
    %dma_start3A_213 = tpu.memref_slice %arg10[%dma_start3A_209, %dma_start3A_211, %dma_start3A_212] : memref<2x128x128xf32, #tpu.memory_space<vmem>> -> memref<1x128x128xf32, #tpu.memory_space<vmem>>
    %dma_start3A_214 = tpu.memref_squeeze %dma_start3A_213 : memref<1x128x128xf32, #tpu.memory_space<vmem>> -> memref<128x128xf32, #tpu.memory_space<vmem>>
    %dma_start3A_215 = arith.constant 0 : i32
    %dma_start3A_216 = tpu.memref_slice %arg9[%dma_start3A_210, %dma_start3A_215] : memref<40x128xi32, #tpu.memory_space<vmem>> -> memref<1x128xi32, #tpu.memory_space<vmem>>
    %dma_start3A_217 = tpu.memref_squeeze %dma_start3A_216 : memref<1x128xi32, #tpu.memory_space<vmem>> -> memref<128xi32, #tpu.memory_space<vmem>>
    %dma_start3A_218 = arith.constant 0 : i32
    %dma_start3A_219 = arith.constant 0 : i32
    %dma_start3A_220 = tpu.memref_slice %arg11[%dma_start3A_218, %dma_start3A_219] : memref<10240x128xf32, #tpu.memory_space<vmem_shared>> -> memref<10240x128xf32, #tpu.memory_space<vmem_shared>>
    tpu.enqueue_indirect_dma source(%dma_start3A_214 : memref<128x128xf32, #tpu.memory_space<vmem>>) target(%dma_start3A_220 : memref<10240x128xf32, #tpu.memory_space<vmem_shared>>) offsets(%dma_start3A_217 : memref<128xi32, #tpu.memory_space<vmem>>) semaphore(%arg15 : memref<!tpu.dma_semaphore, #tpu.memory_space<semaphore_mem>>) {add = true}
    %dma_wait3A_221 = arith.constant 1 : i32
    %dma_wait3A_222 = arith.constant 0 : i32
    %dma_wait3A_223 = arith.constant 0 : i32
    %dma_wait3A_224 = tpu.memref_slice %arg10[%dma_wait3A_221, %dma_wait3A_222, %dma_wait3A_223] : memref<2x128x128xf32, #tpu.memory_space<vmem>> -> memref<1x128x128xf32, #tpu.memory_space<vmem>>
    %dma_wait3A_225 = tpu.memref_squeeze %dma_wait3A_224 : memref<1x128x128xf32, #tpu.memory_space<vmem>> -> memref<128x128xf32, #tpu.memory_space<vmem>>
    %dma_wait3A_226 = arith.constant 0 : i32
    %dma_wait3A_227 = arith.constant 0 : i32
    %dma_wait3A_228 = tpu.memref_slice %arg6[%dma_wait3A_226, %dma_wait3A_227] : memref<640x128xf32, #tpu.memory_space<hbm>> -> memref<128x128xf32, #tpu.memory_space<hbm>>
    %dma_wait3A_229 = arith.constant 0 : i32
    %dma_wait3A_230 = arith.constant 0 : i32
    %dma_wait3A_231 = tpu.memref_slice %arg10[%dma_wait3A_221, %dma_wait3A_229, %dma_wait3A_230] : memref<2x128x128xf32, #tpu.memory_space<vmem>> -> memref<1x128x128xf32, #tpu.memory_space<vmem>>
    %dma_wait3A_232 = tpu.memref_squeeze %dma_wait3A_231 : memref<1x128x128xf32, #tpu.memory_space<vmem>> -> memref<128x128xf32, #tpu.memory_space<vmem>>
    %dma_wait3A_233 = arith.constant 0 : i32
    %dma_wait3A_234 = arith.constant 0 : i32
    %dma_wait3A_235 = tpu.memref_slice %arg6[%dma_wait3A_233, %dma_wait3A_234] : memref<640x128xf32, #tpu.memory_space<hbm>> -> memref<128x128xf32, #tpu.memory_space<hbm>>
    tpu.wait_dma2 semaphore(%arg15 : memref<!tpu.dma_semaphore, #tpu.memory_space<semaphore_mem>>) src(%dma_wait3A_235 : memref<128x128xf32, #tpu.memory_space<hbm>>) dst(%dma_wait3A_232 : memref<128x128xf32, #tpu.memory_space<vmem>>)
    %barrier3A_236 = arith.constant 0 : index
    tpu.barrier barrier_id(%barrier3A_236)
    %mul3A_237 = arith.constant 640 : i32
    %mul3A_238 = arith.muli %arg1, %mul3A_237 : i32
    %mul3A_239 = arith.constant 640 : i32
    %mul3A_240 = arith.muli %arg1, %mul3A_239 : i32
    %run_scoped3A_241 = arith.constant 1 : i32
    "tpu.region"() ({
      %run_scoped3A_242 = tpu.sem_alloc : memref<!tpu.dma_semaphore, #tpu.memory_space<semaphore_mem>>
      %dma_start3A_243 = arith.constant 0 : i32
      %dma_start3A_244 = tpu.memref_slice %arg7[%arg0, %run_scoped3A_241, %mul3A_240, %dma_start3A_243] : memref<2x2x10240x128xf32, #tpu.memory_space<hbm>> -> memref<1x1x640x128xf32, #tpu.memory_space<hbm>>
      %dma_start3A_245 = tpu.memref_squeeze %dma_start3A_244 : memref<1x1x640x128xf32, #tpu.memory_space<hbm>> -> memref<640x128xf32, #tpu.memory_space<hbm>>
      %dma_start3A_246 = arith.constant 0 : i32
      %dma_start3A_247 = tpu.memref_slice %arg11[%mul3A_238, %dma_start3A_246] : memref<10240x128xf32, #tpu.memory_space<vmem_shared>> -> memref<640x128xf32, #tpu.memory_space<vmem_shared>>
      tpu.enqueue_dma source(%dma_start3A_247 : memref<640x128xf32, #tpu.memory_space<vmem_shared>>) target(%dma_start3A_245 : memref<640x128xf32, #tpu.memory_space<hbm>>) target_semaphore(%run_scoped3A_242 : memref<!tpu.dma_semaphore, #tpu.memory_space<semaphore_mem>>)
      %dma_wait3A_248 = arith.constant 0 : i32
      %dma_wait3A_249 = tpu.memref_slice %arg7[%arg0, %run_scoped3A_241, %mul3A_240, %dma_wait3A_248] : memref<2x2x10240x128xf32, #tpu.memory_space<hbm>> -> memref<1x1x640x128xf32, #tpu.memory_space<hbm>>
      %dma_wait3A_250 = tpu.memref_squeeze %dma_wait3A_249 : memref<1x1x640x128xf32, #tpu.memory_space<hbm>> -> memref<640x128xf32, #tpu.memory_space<hbm>>
      %dma_wait3A_251 = arith.constant 0 : i32
      %dma_wait3A_252 = tpu.memref_slice %arg11[%mul3A_238, %dma_wait3A_251] : memref<10240x128xf32, #tpu.memory_space<vmem_shared>> -> memref<640x128xf32, #tpu.memory_space<vmem_shared>>
      tpu.wait_dma2 semaphore(%run_scoped3A_242 : memref<!tpu.dma_semaphore, #tpu.memory_space<semaphore_mem>>) src(%dma_wait3A_252 : memref<640x128xf32, #tpu.memory_space<vmem_shared>>) dst(%dma_wait3A_250 : memref<640x128xf32, #tpu.memory_space<hbm>>)
      tpu.yield
    }) : () -> ()
    return
  }
}

module attributes {stable_mosaic.version = 14 : i64} {
  func.func @_tc_prep_body(%arg0: i32, %arg1: memref<2x1000x128xf32, #tpu.memory_space<vmem>>, %arg2: memref<1000x256xf32, #tpu.memory_space<vmem>>, %arg3: memref<1000x128xf32, #tpu.memory_space<vmem>>, %arg4: memref<1000x128xf32, #tpu.memory_space<vmem>>) attributes {dimension_semantics = [#tpu.dimension_semantics<arbitrary>], iteration_bounds = array<i64: 10>, scalar_prefetch = 0 : i64, scratch_operands = 0 : i64, tpu.core_type = #tpu.core_type<tc>, window_params = [{transform_indices = @transform_0, window_bounds = array<i64: 2, 1000, 128>}, {transform_indices = @transform_1, window_bounds = array<i64: 1000, 256>}, {transform_indices = @transform_2, window_bounds = array<i64: 1000, 128>}, {transform_indices = @transform_3, window_bounds = array<i64: 1000, 128>}]} {
    %get3A = arith.constant 0 : index
    %get3A_0 = arith.constant 0 : index
    %get3A_1 = arith.constant 0 : index
    %get3A_2 = vector.load %arg1[%get3A, %get3A_0, %get3A_1] : memref<2x1000x128xf32, #tpu.memory_space<vmem>>, vector<2x1000x128xf32>
    %slice3A = vector.extract_strided_slice %get3A_2 {offsets = [0, 0, 0], sizes = [1, 1000, 1], strides = [1, 1, 1]} : vector<2x1000x128xf32> to vector<1x1000x1xf32>
    %squeeze3A = vector.shape_cast %slice3A : vector<1x1000x1xf32> to vector<1000x1xf32>
    %slice3A_3 = vector.extract_strided_slice %get3A_2 {offsets = [1, 0, 0], sizes = [1, 1000, 1], strides = [1, 1, 1]} : vector<2x1000x128xf32> to vector<1x1000x1xf32>
    %squeeze3A_4 = vector.shape_cast %slice3A_3 : vector<1x1000x1xf32> to vector<1000x1xf32>
    %add3A = arith.addf %squeeze3A, %squeeze3A_4 : vector<1000x1xf32>
    %add3A_5 = arith.constant 1.000000e+00 : f32
    %add3A_6 = vector.broadcast %add3A_5 : f32 to vector<1000x1xf32>
    %add3A_7 = arith.addf %add3A, %add3A_6 : vector<1000x1xf32>
    %rsqrt3A = math.rsqrt %add3A_7 : vector<1000x1xf32>
    %get3A_8 = arith.constant 0 : index
    %get3A_9 = arith.constant 0 : index
    %get3A_10 = vector.load %arg2[%get3A_8, %get3A_9] : memref<1000x256xf32, #tpu.memory_space<vmem>>, vector<1000x256xf32>
    %mul3A = vector.broadcast %rsqrt3A : vector<1000x1xf32> to vector<1000x256xf32>
    %mul3A_11 = arith.mulf %get3A_10, %mul3A : vector<1000x256xf32>
    %slice3A_12 = vector.extract_strided_slice %mul3A_11 {offsets = [0, 0], sizes = [1000, 128], strides = [1, 1]} : vector<1000x256xf32> to vector<1000x128xf32>
    %swap3A = arith.constant 0 : index
    %swap3A_13 = arith.constant 0 : index
    %swap3A_14 = vector.load %arg3[%swap3A, %swap3A_13] : memref<1000x128xf32, #tpu.memory_space<vmem>>, vector<1000x128xf32>
    tpu.vector_store %arg3[%swap3A, %swap3A_13], %slice3A_12 {strides = array<i32>} : memref<1000x128xf32, #tpu.memory_space<vmem>>, vector<1000x128xf32>,
    %slice3A_15 = vector.extract_strided_slice %mul3A_11 {offsets = [0, 128], sizes = [1000, 128], strides = [1, 1]} : vector<1000x256xf32> to vector<1000x128xf32>
    %swap3A_16 = arith.constant 0 : index
    %swap3A_17 = arith.constant 0 : index
    %swap3A_18 = vector.load %arg4[%swap3A_16, %swap3A_17] : memref<1000x128xf32, #tpu.memory_space<vmem>>, vector<1000x128xf32>
    tpu.vector_store %arg4[%swap3A_16, %swap3A_17], %slice3A_15 {strides = array<i32>} : memref<1000x128xf32, #tpu.memory_space<vmem>>, vector<1000x128xf32>,
    return
  }
  func.func @transform_0(%arg0: i32) -> (i32, i32, i32) {
    %c0_i32 = arith.constant 0 : i32
    %c0_i32_0 = arith.constant 0 : i32
    %c0_i32_1 = arith.constant 0 : i32
    return %c0_i32, %arg0, %c0_i32_0 : i32, i32, i32
  }
  func.func @transform_1(%arg0: i32) -> (i32, i32) {
    %c0_i32 = arith.constant 0 : i32
    %c0_i32_0 = arith.constant 0 : i32
    return %arg0, %c0_i32 : i32, i32
  }
  func.func @transform_2(%arg0: i32) -> (i32, i32) {
    %c0_i32 = arith.constant 0 : i32
    %c0_i32_0 = arith.constant 0 : i32
    return %arg0, %c0_i32 : i32, i32
  }
  func.func @transform_3(%arg0: i32) -> (i32, i32) {
    %c0_i32 = arith.constant 0 : i32
    %c0_i32_0 = arith.constant 0 : i32
    return %arg0, %c0_i32 : i32, i32
  }
}

module attributes {stable_mosaic.version = 14 : i64} {
  func.func @_tc_layer1_body(%arg0: i32, %arg1: memref<2x1000x128xf32, #tpu.memory_space<vmem>>, %arg2: memref<1000x256xf32, #tpu.memory_space<vmem>>, %arg3: memref<2x2x1000x128xf32, #tpu.memory_space<vmem>>, %arg4: memref<256x512xf32, #tpu.memory_space<vmem>>, %arg5: memref<1x512xf32, #tpu.memory_space<vmem>>, %arg6: memref<1000x512xf32, #tpu.memory_space<vmem>>, %arg7: memref<1000x128xf32, #tpu.memory_space<vmem>>, %arg8: memref<1000x128xf32, #tpu.memory_space<vmem>>, %arg9: memref<1000x128xf32, #tpu.memory_space<vmem>>, %arg10: memref<1000x128xf32, #tpu.memory_space<vmem>>) attributes {dimension_semantics = [#tpu.dimension_semantics<arbitrary>], iteration_bounds = array<i64: 10>, scalar_prefetch = 0 : i64, scratch_operands = 0 : i64, tpu.core_type = #tpu.core_type<tc>, window_params = [{transform_indices = @transform_0, window_bounds = array<i64: 2, 1000, 128>}, {transform_indices = @transform_1, window_bounds = array<i64: 1000, 256>}, {transform_indices = @transform_2, window_bounds = array<i64: 2, 2, 1000, 128>}, {pipeline_mode = #tpu.pipeline_mode<synchronous>, transform_indices = @transform_3, window_bounds = array<i64: 256, 512>}, {pipeline_mode = #tpu.pipeline_mode<synchronous>, transform_indices = @transform_4, window_bounds = array<i64: 1, 512>}, {transform_indices = @transform_5, window_bounds = array<i64: 1000, 512>}, {transform_indices = @transform_6, window_bounds = array<i64: 1000, 128>}, {transform_indices = @transform_7, window_bounds = array<i64: 1000, 128>}, {transform_indices = @transform_8, window_bounds = array<i64: 1000, 128>}, {transform_indices = @transform_9, window_bounds = array<i64: 1000, 128>}]} {
    %get3A = arith.constant 0 : index
    %get3A_0 = arith.constant 0 : index
    %get3A_1 = arith.constant 0 : index
    %get3A_2 = vector.load %arg1[%get3A, %get3A_0, %get3A_1] : memref<2x1000x128xf32, #tpu.memory_space<vmem>>, vector<2x1000x128xf32>
    %slice3A = vector.extract_strided_slice %get3A_2 {offsets = [0, 0, 0], sizes = [1, 1000, 1], strides = [1, 1, 1]} : vector<2x1000x128xf32> to vector<1x1000x1xf32>
    %squeeze3A = vector.shape_cast %slice3A : vector<1x1000x1xf32> to vector<1000x1xf32>
    %slice3A_3 = vector.extract_strided_slice %get3A_2 {offsets = [1, 0, 0], sizes = [1, 1000, 1], strides = [1, 1, 1]} : vector<2x1000x128xf32> to vector<1x1000x1xf32>
    %squeeze3A_4 = vector.shape_cast %slice3A_3 : vector<1x1000x1xf32> to vector<1000x1xf32>
    %add3A = arith.addf %squeeze3A, %squeeze3A_4 : vector<1000x1xf32>
    %add3A_5 = arith.constant 1.000000e+00 : f32
    %add3A_6 = vector.broadcast %add3A_5 : f32 to vector<1000x1xf32>
    %add3A_7 = arith.addf %add3A, %add3A_6 : vector<1000x1xf32>
    %rsqrt3A = math.rsqrt %add3A_7 : vector<1000x1xf32>
    %get3A_8 = arith.constant 0 : index
    %get3A_9 = arith.constant 0 : index
    %get3A_10 = arith.constant 0 : index
    %get3A_11 = arith.constant 0 : index
    %get3A_12 = vector.load %arg3[%get3A_8, %get3A_9, %get3A_10, %get3A_11] : memref<2x2x1000x128xf32, #tpu.memory_space<vmem>>, vector<2x2x1000x128xf32>
    %slice3A_13 = vector.extract_strided_slice %get3A_12 {offsets = [0, 0, 0, 0], sizes = [1, 2, 1000, 128], strides = [1, 1, 1, 1]} : vector<2x2x1000x128xf32> to vector<1x2x1000x128xf32>
    %squeeze3A_14 = vector.shape_cast %slice3A_13 : vector<1x2x1000x128xf32> to vector<2x1000x128xf32>
    %slice3A_15 = vector.extract_strided_slice %get3A_12 {offsets = [1, 0, 0, 0], sizes = [1, 2, 1000, 128], strides = [1, 1, 1, 1]} : vector<2x2x1000x128xf32> to vector<1x2x1000x128xf32>
    %squeeze3A_16 = vector.shape_cast %slice3A_15 : vector<1x2x1000x128xf32> to vector<2x1000x128xf32>
    %add3A_17 = arith.addf %squeeze3A_14, %squeeze3A_16 : vector<2x1000x128xf32>
    %slice3A_18 = vector.extract_strided_slice %add3A_17 {offsets = [0, 0, 0], sizes = [1, 1000, 128], strides = [1, 1, 1]} : vector<2x1000x128xf32> to vector<1x1000x128xf32>
    %squeeze3A_19 = vector.shape_cast %slice3A_18 : vector<1x1000x128xf32> to vector<1000x128xf32>
    %slice3A_20 = vector.extract_strided_slice %add3A_17 {offsets = [1, 0, 0], sizes = [1, 1000, 128], strides = [1, 1, 1]} : vector<2x1000x128xf32> to vector<1x1000x128xf32>
    %squeeze3A_21 = vector.shape_cast %slice3A_20 : vector<1x1000x128xf32> to vector<1000x128xf32>
    %concatenate3A = tpu.concatenate %squeeze3A_19, %squeeze3A_21 in 1 : vector<1000x128xf32>, vector<1000x128xf32> -> vector<1000x256xf32>
    %mul3A = vector.broadcast %rsqrt3A : vector<1000x1xf32> to vector<1000x256xf32>
    %mul3A_22 = arith.mulf %mul3A, %concatenate3A : vector<1000x256xf32>
    %mul3A_23 = arith.mulf %rsqrt3A, %rsqrt3A : vector<1000x1xf32>
    %get3A_24 = arith.constant 0 : index
    %get3A_25 = arith.constant 0 : index
    %get3A_26 = vector.load %arg2[%get3A_24, %get3A_25] : memref<1000x256xf32, #tpu.memory_space<vmem>>, vector<1000x256xf32>
    %mul3A_27 = vector.broadcast %mul3A_23 : vector<1000x1xf32> to vector<1000x256xf32>
    %mul3A_28 = arith.mulf %mul3A_27, %get3A_26 : vector<1000x256xf32>
    %add3A_29 = arith.addf %mul3A_22, %mul3A_28 : vector<1000x256xf32>
    %get3A_30 = arith.constant 0 : index
    %get3A_31 = arith.constant 0 : index
    %get3A_32 = vector.load %arg4[%get3A_30, %get3A_31] : memref<256x512xf32, #tpu.memory_space<vmem>>, vector<256x512xf32>
    %dot_general3A = arith.constant dense<0.000000e+00> : vector<1000x512xf32>
    %dot_general3A_33 = tpu.matmul %add3A_29, %get3A_32, %dot_general3A {dimension_numbers = #tpu.dot_dimension_numbers<[1], [0], [0], [1], [0, 0, 1, 1], [], []>, transpose_lhs_hint = false} : vector<1000x256xf32>, vector<256x512xf32>, vector<1000x512xf32> -> vector<1000x512xf32>
    %get3A_34 = arith.constant 0 : index
    %get3A_35 = arith.constant 0 : index
    %get3A_36 = vector.load %arg5[%get3A_34, %get3A_35] : memref<1x512xf32, #tpu.memory_space<vmem>>, vector<1x512xf32>
    %add3A_37 = vector.broadcast %get3A_36 : vector<1x512xf32> to vector<1000x512xf32>
    %add3A_38 = arith.addf %dot_general3A_33, %add3A_37 : vector<1000x512xf32>
    %max3A = arith.constant 0.000000e+00 : f32
    %max3A_39 = vector.broadcast %max3A : f32 to vector<1000x512xf32>
    %max3A_40 = arith.maximumf %add3A_38, %max3A_39 : vector<1000x512xf32>
    %swap3A = arith.constant 0 : index
    %swap3A_41 = arith.constant 0 : index
    %swap3A_42 = vector.load %arg6[%swap3A, %swap3A_41] : memref<1000x512xf32, #tpu.memory_space<vmem>>, vector<1000x512xf32>
    tpu.vector_store %arg6[%swap3A, %swap3A_41], %max3A_40 {strides = array<i32>} : memref<1000x512xf32, #tpu.memory_space<vmem>>, vector<1000x512xf32>,
    %mul3A_43 = vector.broadcast %rsqrt3A : vector<1000x1xf32> to vector<1000x512xf32>
    %mul3A_44 = arith.mulf %max3A_40, %mul3A_43 : vector<1000x512xf32>
    %slice3A_45 = vector.extract_strided_slice %mul3A_44 {offsets = [0, 0], sizes = [1000, 128], strides = [1, 1]} : vector<1000x512xf32> to vector<1000x128xf32>
    %swap3A_46 = arith.constant 0 : index
    %swap3A_47 = arith.constant 0 : index
    %swap3A_48 = vector.load %arg7[%swap3A_46, %swap3A_47] : memref<1000x128xf32, #tpu.memory_space<vmem>>, vector<1000x128xf32>
    tpu.vector_store %arg7[%swap3A_46, %swap3A_47], %slice3A_45 {strides = array<i32>} : memref<1000x128xf32, #tpu.memory_space<vmem>>, vector<1000x128xf32>,
    %slice3A_49 = vector.extract_strided_slice %mul3A_44 {offsets = [0, 128], sizes = [1000, 128], strides = [1, 1]} : vector<1000x512xf32> to vector<1000x128xf32>
    %swap3A_50 = arith.constant 0 : index
    %swap3A_51 = arith.constant 0 : index
    %swap3A_52 = vector.load %arg8[%swap3A_50, %swap3A_51] : memref<1000x128xf32, #tpu.memory_space<vmem>>, vector<1000x128xf32>
    tpu.vector_store %arg8[%swap3A_50, %swap3A_51], %slice3A_49 {strides = array<i32>} : memref<1000x128xf32, #tpu.memory_space<vmem>>, vector<1000x128xf32>,
    %slice3A_53 = vector.extract_strided_slice %mul3A_44 {offsets = [0, 256], sizes = [1000, 128], strides = [1, 1]} : vector<1000x512xf32> to vector<1000x128xf32>
    %swap3A_54 = arith.constant 0 : index
    %swap3A_55 = arith.constant 0 : index
    %swap3A_56 = vector.load %arg9[%swap3A_54, %swap3A_55] : memref<1000x128xf32, #tpu.memory_space<vmem>>, vector<1000x128xf32>
    tpu.vector_store %arg9[%swap3A_54, %swap3A_55], %slice3A_53 {strides = array<i32>} : memref<1000x128xf32, #tpu.memory_space<vmem>>, vector<1000x128xf32>,
    %slice3A_57 = vector.extract_strided_slice %mul3A_44 {offsets = [0, 384], sizes = [1000, 128], strides = [1, 1]} : vector<1000x512xf32> to vector<1000x128xf32>
    %swap3A_58 = arith.constant 0 : index
    %swap3A_59 = arith.constant 0 : index
    %swap3A_60 = vector.load %arg10[%swap3A_58, %swap3A_59] : memref<1000x128xf32, #tpu.memory_space<vmem>>, vector<1000x128xf32>
    tpu.vector_store %arg10[%swap3A_58, %swap3A_59], %slice3A_57 {strides = array<i32>} : memref<1000x128xf32, #tpu.memory_space<vmem>>, vector<1000x128xf32>,
    return
  }
  func.func @transform_0(%arg0: i32) -> (i32, i32, i32) {
    %c0_i32 = arith.constant 0 : i32
    %c0_i32_0 = arith.constant 0 : i32
    %c0_i32_1 = arith.constant 0 : i32
    return %c0_i32, %arg0, %c0_i32_0 : i32, i32, i32
  }
  func.func @transform_1(%arg0: i32) -> (i32, i32) {
    %c0_i32 = arith.constant 0 : i32
    %c0_i32_0 = arith.constant 0 : i32
    return %arg0, %c0_i32 : i32, i32
  }
  func.func @transform_2(%arg0: i32) -> (i32, i32, i32, i32) {
    %c0_i32 = arith.constant 0 : i32
    %c0_i32_0 = arith.constant 0 : i32
    %c0_i32_1 = arith.constant 0 : i32
    %c0_i32_2 = arith.constant 0 : i32
    return %c0_i32, %c0_i32_0, %arg0, %c0_i32_1 : i32, i32, i32, i32
  }
  func.func @transform_3(%arg0: i32) -> (i32, i32) {
    %c0_i32 = arith.constant 0 : i32
    %c0_i32_0 = arith.constant 0 : i32
    %c0_i32_1 = arith.constant 0 : i32
    return %c0_i32, %c0_i32_0 : i32, i32
  }
  func.func @transform_4(%arg0: i32) -> (i32, i32) {
    %c0_i32 = arith.constant 0 : i32
    %c0_i32_0 = arith.constant 0 : i32
    %c0_i32_1 = arith.constant 0 : i32
    return %c0_i32, %c0_i32_0 : i32, i32
  }
  func.func @transform_5(%arg0: i32) -> (i32, i32) {
    %c0_i32 = arith.constant 0 : i32
    %c0_i32_0 = arith.constant 0 : i32
    return %arg0, %c0_i32 : i32, i32
  }
  func.func @transform_6(%arg0: i32) -> (i32, i32) {
    %c0_i32 = arith.constant 0 : i32
    %c0_i32_0 = arith.constant 0 : i32
    return %arg0, %c0_i32 : i32, i32
  }
  func.func @transform_7(%arg0: i32) -> (i32, i32) {
    %c0_i32 = arith.constant 0 : i32
    %c0_i32_0 = arith.constant 0 : i32
    return %arg0, %c0_i32 : i32, i32
  }
  func.func @transform_8(%arg0: i32) -> (i32, i32) {
    %c0_i32 = arith.constant 0 : i32
    %c0_i32_0 = arith.constant 0 : i32
    return %arg0, %c0_i32 : i32, i32
  }
  func.func @transform_9(%arg0: i32) -> (i32, i32) {
    %c0_i32 = arith.constant 0 : i32
    %c0_i32_0 = arith.constant 0 : i32
    return %arg0, %c0_i32 : i32, i32
  }
}

module attributes {stable_mosaic.version = 14 : i64} {
  func.func @_tc_final_body(%arg0: i32, %arg1: memref<2x1000x128xf32, #tpu.memory_space<vmem>>, %arg2: memref<1000x512xf32, #tpu.memory_space<vmem>>, %arg3: memref<2x4x1000x128xf32, #tpu.memory_space<vmem>>, %arg4: memref<512x512xf32, #tpu.memory_space<vmem>>, %arg5: memref<1x512xf32, #tpu.memory_space<vmem>>, %arg6: memref<512x64xf32, #tpu.memory_space<vmem>>, %arg7: memref<512x64xf32, #tpu.memory_space<vmem>>, %arg8: memref<1x64xf32, #tpu.memory_space<vmem>>, %arg9: memref<1000x64xf32, #tpu.memory_space<vmem>>) attributes {dimension_semantics = [#tpu.dimension_semantics<arbitrary>], iteration_bounds = array<i64: 10>, scalar_prefetch = 0 : i64, scratch_operands = 0 : i64, tpu.core_type = #tpu.core_type<tc>, window_params = [{transform_indices = @transform_0, window_bounds = array<i64: 2, 1000, 128>}, {transform_indices = @transform_1, window_bounds = array<i64: 1000, 512>}, {transform_indices = @transform_2, window_bounds = array<i64: 2, 4, 1000, 128>}, {pipeline_mode = #tpu.pipeline_mode<synchronous>, transform_indices = @transform_3, window_bounds = array<i64: 512, 512>}, {pipeline_mode = #tpu.pipeline_mode<synchronous>, transform_indices = @transform_4, window_bounds = array<i64: 1, 512>}, {pipeline_mode = #tpu.pipeline_mode<synchronous>, transform_indices = @transform_5, window_bounds = array<i64: 512, 64>}, {pipeline_mode = #tpu.pipeline_mode<synchronous>, transform_indices = @transform_6, window_bounds = array<i64: 512, 64>}, {pipeline_mode = #tpu.pipeline_mode<synchronous>, transform_indices = @transform_7, window_bounds = array<i64: 1, 64>}, {transform_indices = @transform_8, window_bounds = array<i64: 1000, 64>}]} {
    %get3A = arith.constant 0 : index
    %get3A_0 = arith.constant 0 : index
    %get3A_1 = arith.constant 0 : index
    %get3A_2 = vector.load %arg1[%get3A, %get3A_0, %get3A_1] : memref<2x1000x128xf32, #tpu.memory_space<vmem>>, vector<2x1000x128xf32>
    %slice3A = vector.extract_strided_slice %get3A_2 {offsets = [0, 0, 0], sizes = [1, 1000, 1], strides = [1, 1, 1]} : vector<2x1000x128xf32> to vector<1x1000x1xf32>
    %squeeze3A = vector.shape_cast %slice3A : vector<1x1000x1xf32> to vector<1000x1xf32>
    %slice3A_3 = vector.extract_strided_slice %get3A_2 {offsets = [1, 0, 0], sizes = [1, 1000, 1], strides = [1, 1, 1]} : vector<2x1000x128xf32> to vector<1x1000x1xf32>
    %squeeze3A_4 = vector.shape_cast %slice3A_3 : vector<1x1000x1xf32> to vector<1000x1xf32>
    %add3A = arith.addf %squeeze3A, %squeeze3A_4 : vector<1000x1xf32>
    %add3A_5 = arith.constant 1.000000e+00 : f32
    %add3A_6 = vector.broadcast %add3A_5 : f32 to vector<1000x1xf32>
    %add3A_7 = arith.addf %add3A, %add3A_6 : vector<1000x1xf32>
    %rsqrt3A = math.rsqrt %add3A_7 : vector<1000x1xf32>
    %get3A_8 = arith.constant 0 : index
    %get3A_9 = arith.constant 0 : index
    %get3A_10 = arith.constant 0 : index
    %get3A_11 = arith.constant 0 : index
    %get3A_12 = vector.load %arg3[%get3A_8, %get3A_9, %get3A_10, %get3A_11] : memref<2x4x1000x128xf32, #tpu.memory_space<vmem>>, vector<2x4x1000x128xf32>
    %slice3A_13 = vector.extract_strided_slice %get3A_12 {offsets = [0, 0, 0, 0], sizes = [1, 4, 1000, 128], strides = [1, 1, 1, 1]} : vector<2x4x1000x128xf32> to vector<1x4x1000x128xf32>
    %squeeze3A_14 = vector.shape_cast %slice3A_13 : vector<1x4x1000x128xf32> to vector<4x1000x128xf32>
    %slice3A_15 = vector.extract_strided_slice %get3A_12 {offsets = [1, 0, 0, 0], sizes = [1, 4, 1000, 128], strides = [1, 1, 1, 1]} : vector<2x4x1000x128xf32> to vector<1x4x1000x128xf32>
    %squeeze3A_16 = vector.shape_cast %slice3A_15 : vector<1x4x1000x128xf32> to vector<4x1000x128xf32>
    %add3A_17 = arith.addf %squeeze3A_14, %squeeze3A_16 : vector<4x1000x128xf32>
    %slice3A_18 = vector.extract_strided_slice %add3A_17 {offsets = [0, 0, 0], sizes = [1, 1000, 128], strides = [1, 1, 1]} : vector<4x1000x128xf32> to vector<1x1000x128xf32>
    %squeeze3A_19 = vector.shape_cast %slice3A_18 : vector<1x1000x128xf32> to vector<1000x128xf32>
    %slice3A_20 = vector.extract_strided_slice %add3A_17 {offsets = [1, 0, 0], sizes = [1, 1000, 128], strides = [1, 1, 1]} : vector<4x1000x128xf32> to vector<1x1000x128xf32>
    %squeeze3A_21 = vector.shape_cast %slice3A_20 : vector<1x1000x128xf32> to vector<1000x128xf32>
    %slice3A_22 = vector.extract_strided_slice %add3A_17 {offsets = [2, 0, 0], sizes = [1, 1000, 128], strides = [1, 1, 1]} : vector<4x1000x128xf32> to vector<1x1000x128xf32>
    %squeeze3A_23 = vector.shape_cast %slice3A_22 : vector<1x1000x128xf32> to vector<1000x128xf32>
    %slice3A_24 = vector.extract_strided_slice %add3A_17 {offsets = [3, 0, 0], sizes = [1, 1000, 128], strides = [1, 1, 1]} : vector<4x1000x128xf32> to vector<1x1000x128xf32>
    %squeeze3A_25 = vector.shape_cast %slice3A_24 : vector<1x1000x128xf32> to vector<1000x128xf32>
    %concatenate3A = tpu.concatenate %squeeze3A_19, %squeeze3A_21, %squeeze3A_23, %squeeze3A_25 in 1 : vector<1000x128xf32>, vector<1000x128xf32>, vector<1000x128xf32>, vector<1000x128xf32> -> vector<1000x512xf32>
    %get3A_26 = arith.constant 0 : index
    %get3A_27 = arith.constant 0 : index
    %get3A_28 = vector.load %arg2[%get3A_26, %get3A_27] : memref<1000x512xf32, #tpu.memory_space<vmem>>, vector<1000x512xf32>
    %mul3A = vector.broadcast %rsqrt3A : vector<1000x1xf32> to vector<1000x512xf32>
    %mul3A_29 = arith.mulf %mul3A, %concatenate3A : vector<1000x512xf32>
    %mul3A_30 = arith.mulf %rsqrt3A, %rsqrt3A : vector<1000x1xf32>
    %mul3A_31 = vector.broadcast %mul3A_30 : vector<1000x1xf32> to vector<1000x512xf32>
    %mul3A_32 = arith.mulf %mul3A_31, %get3A_28 : vector<1000x512xf32>
    %add3A_33 = arith.addf %mul3A_29, %mul3A_32 : vector<1000x512xf32>
    %get3A_34 = arith.constant 0 : index
    %get3A_35 = arith.constant 0 : index
    %get3A_36 = vector.load %arg4[%get3A_34, %get3A_35] : memref<512x512xf32, #tpu.memory_space<vmem>>, vector<512x512xf32>
    %dot_general3A = arith.constant dense<0.000000e+00> : vector<1000x512xf32>
    %dot_general3A_37 = tpu.matmul %add3A_33, %get3A_36, %dot_general3A {dimension_numbers = #tpu.dot_dimension_numbers<[1], [0], [0], [1], [0, 0, 1, 1], [], []>, transpose_lhs_hint = false} : vector<1000x512xf32>, vector<512x512xf32>, vector<1000x512xf32> -> vector<1000x512xf32>
    %get3A_38 = arith.constant 0 : index
    %get3A_39 = arith.constant 0 : index
    %get3A_40 = vector.load %arg5[%get3A_38, %get3A_39] : memref<1x512xf32, #tpu.memory_space<vmem>>, vector<1x512xf32>
    %add3A_41 = vector.broadcast %get3A_40 : vector<1x512xf32> to vector<1000x512xf32>
    %add3A_42 = arith.addf %dot_general3A_37, %add3A_41 : vector<1000x512xf32>
    %max3A = arith.constant 0.000000e+00 : f32
    %max3A_43 = vector.broadcast %max3A : f32 to vector<1000x512xf32>
    %max3A_44 = arith.maximumf %add3A_42, %max3A_43 : vector<1000x512xf32>
    %get3A_45 = arith.constant 0 : index
    %get3A_46 = arith.constant 0 : index
    %get3A_47 = vector.load %arg6[%get3A_45, %get3A_46] : memref<512x64xf32, #tpu.memory_space<vmem>>, vector<512x64xf32>
    %dot_general3A_48 = arith.constant dense<0.000000e+00> : vector<1000x64xf32>
    %dot_general3A_49 = tpu.matmul %get3A_28, %get3A_47, %dot_general3A_48 {dimension_numbers = #tpu.dot_dimension_numbers<[1], [0], [0], [1], [0, 0, 1, 1], [], []>, transpose_lhs_hint = false} : vector<1000x512xf32>, vector<512x64xf32>, vector<1000x64xf32> -> vector<1000x64xf32>
    %get3A_50 = arith.constant 0 : index
    %get3A_51 = arith.constant 0 : index
    %get3A_52 = vector.load %arg7[%get3A_50, %get3A_51] : memref<512x64xf32, #tpu.memory_space<vmem>>, vector<512x64xf32>
    %dot_general3A_53 = arith.constant dense<0.000000e+00> : vector<1000x64xf32>
    %dot_general3A_54 = tpu.matmul %max3A_44, %get3A_52, %dot_general3A_53 {dimension_numbers = #tpu.dot_dimension_numbers<[1], [0], [0], [1], [0, 0, 1, 1], [], []>, transpose_lhs_hint = false} : vector<1000x512xf32>, vector<512x64xf32>, vector<1000x64xf32> -> vector<1000x64xf32>
    %add3A_55 = arith.addf %dot_general3A_49, %dot_general3A_54 : vector<1000x64xf32>
    %get3A_56 = arith.constant 0 : index
    %get3A_57 = arith.constant 0 : index
    %get3A_58 = vector.load %arg8[%get3A_56, %get3A_57] : memref<1x64xf32, #tpu.memory_space<vmem>>, vector<1x64xf32>
    %add3A_59 = vector.broadcast %get3A_58 : vector<1x64xf32> to vector<1000x64xf32>
    %add3A_60 = arith.addf %add3A_55, %add3A_59 : vector<1000x64xf32>
    %reduce_max3A = arith.constant dense<0xFF800000> : vector<1000xf32>
    %reduce_max3A_61 = vector.multi_reduction <maximumf>, %add3A_60, %reduce_max3A [1] : vector<1000x64xf32> to vector<1000xf32>
    %broadcast_in_dim3A = vector.shape_cast %reduce_max3A_61 : vector<1000xf32> to vector<1000x1xf32>
    %sub3A = vector.broadcast %broadcast_in_dim3A : vector<1000x1xf32> to vector<1000x64xf32>
    %sub3A_62 = arith.subf %add3A_60, %sub3A : vector<1000x64xf32>
    %exp3A = math.exp %sub3A_62 : vector<1000x64xf32>
    %sub3A_63 = vector.broadcast %broadcast_in_dim3A : vector<1000x1xf32> to vector<1000x64xf32>
    %sub3A_64 = arith.subf %add3A_60, %sub3A_63 : vector<1000x64xf32>
    %reduce_sum3A = arith.constant dense<0.000000e+00> : vector<1000xf32>
    %reduce_sum3A_65 = vector.multi_reduction <add>, %exp3A, %reduce_sum3A [1] : vector<1000x64xf32> to vector<1000xf32>
    %broadcast_in_dim3A_66 = vector.shape_cast %reduce_sum3A_65 : vector<1000xf32> to vector<1000x1xf32>
    %log3A = math.log %broadcast_in_dim3A_66 : vector<1000x1xf32>
    %sub3A_67 = vector.broadcast %log3A : vector<1000x1xf32> to vector<1000x64xf32>
    %sub3A_68 = arith.subf %sub3A_64, %sub3A_67 : vector<1000x64xf32>
    %swap3A = arith.constant 0 : index
    %swap3A_69 = arith.constant 0 : index
    %swap3A_70 = vector.load %arg9[%swap3A, %swap3A_69] : memref<1000x64xf32, #tpu.memory_space<vmem>>, vector<1000x64xf32>
    tpu.vector_store %arg9[%swap3A, %swap3A_69], %sub3A_68 {strides = array<i32>} : memref<1000x64xf32, #tpu.memory_space<vmem>>, vector<1000x64xf32>,
    return
  }
  func.func @transform_0(%arg0: i32) -> (i32, i32, i32) {
    %c0_i32 = arith.constant 0 : i32
    %c0_i32_0 = arith.constant 0 : i32
    %c0_i32_1 = arith.constant 0 : i32
    return %c0_i32, %arg0, %c0_i32_0 : i32, i32, i32
  }
  func.func @transform_1(%arg0: i32) -> (i32, i32) {
    %c0_i32 = arith.constant 0 : i32
    %c0_i32_0 = arith.constant 0 : i32
    return %arg0, %c0_i32 : i32, i32
  }
  func.func @transform_2(%arg0: i32) -> (i32, i32, i32, i32) {
    %c0_i32 = arith.constant 0 : i32
    %c0_i32_0 = arith.constant 0 : i32
    %c0_i32_1 = arith.constant 0 : i32
    %c0_i32_2 = arith.constant 0 : i32
    return %c0_i32, %c0_i32_0, %arg0, %c0_i32_1 : i32, i32, i32, i32
  }
  func.func @transform_3(%arg0: i32) -> (i32, i32) {
    %c0_i32 = arith.constant 0 : i32
    %c0_i32_0 = arith.constant 0 : i32
    %c0_i32_1 = arith.constant 0 : i32
    return %c0_i32, %c0_i32_0 : i32, i32
  }
  func.func @transform_4(%arg0: i32) -> (i32, i32) {
    %c0_i32 = arith.constant 0 : i32
    %c0_i32_0 = arith.constant 0 : i32
    %c0_i32_1 = arith.constant 0 : i32
    return %c0_i32, %c0_i32_0 : i32, i32
  }
  func.func @transform_5(%arg0: i32) -> (i32, i32) {
    %c0_i32 = arith.constant 0 : i32
    %c0_i32_0 = arith.constant 0 : i32
    %c0_i32_1 = arith.constant 0 : i32
    return %c0_i32, %c0_i32_0 : i32, i32
  }
  func.func @transform_6(%arg0: i32) -> (i32, i32) {
    %c0_i32 = arith.constant 0 : i32
    %c0_i32_0 = arith.constant 0 : i32
    %c0_i32_1 = arith.constant 0 : i32
    return %c0_i32, %c0_i32_0 : i32, i32
  }
  func.func @transform_7(%arg0: i32) -> (i32, i32) {
    %c0_i32 = arith.constant 0 : i32
    %c0_i32_0 = arith.constant 0 : i32
    %c0_i32_1 = arith.constant 0 : i32
    return %c0_i32, %c0_i32_0 : i32, i32
  }
  func.func @transform_8(%arg0: i32) -> (i32, i32) {
    %c0_i32 = arith.constant 0 : i32
    %c0_i32_0 = arith.constant 0 : i32
    return %arg0, %c0_i32 : i32, i32
  }
}

</mosaic_0001>

<sc_bundles>
// kernel: kernel.11.cloned.1.call-start
scs
__scs_entry_jumppad:
0x0: {  	(pc) =	sbr.rel $0x88, $3  }
0x1: {  	(tag) =	ssettag $0x0;
	lr =	simm.s32 $0x1  }
0x2: {  	[smem:$0x3F99] =	sst lr;
	_ =	strace $0xD0000000  }
0x3: {  	_ = 	snop  }
0x4: {  	_ = 	snop  }
0x5: {  	_ = 	snop  }
0x6: {  	_ = 	snop  }
0x7: {  	_ = 	snop  }
__scs_overlays_trampoline_lowered:
0x8: {  	[smem:$0x3FA8] =	sst s0  }
0x9: {  	[smem:$0x3FA9] =	sst s1  }
0xa: {  	[smem:$0x3FAA] =	sst s2  }
0xb: {  	[smem:$0x3FAB] =	sst s3  }
0xc: {  	[smem:$0x3FAC] =	sst s4  }
0xd: {  	[smem:$0x3FAD] =	sst s5  }
0xe: {  	[smem:$0x3FAE] =	sst s6  }
0xf: {  	[smem:$0x3FAF] =	sst s7  }
0x10: {  	[smem:$0x3FB0] =	sst s8  }
0x11: {  	[smem:$0x3FB1] =	sst s9;
	s0 =	simm.s32 @!p0 $0x0  }
0x12: {  	s1 =	sld [smem:$0x3F97];
	s0 =	simm.s32 @p0 $0x1  }
0x13: {  	[smem:$0x3FB2] =	sst s0;
	s0 =	simm.s32 @!p1 $0x0  }
0x14: {  	s2 =	sld [smem:$0x3F96];
	s0 =	simm.s32 @p1 $0x1  }
0x15: {  	[smem:$0x3FB3] =	sst s0;
	s0 =	simm.s32 @!p2 $0x0  }
0x16: {  	s3 =	sld [smem:$0x3FDB];
	s0 =	simm.s32 @p2 $0x1  }
0x17: {  	s4 =	simm.s32 $0x1BF5;
	[smem:$0x3FB5] =	sst s0  }
0x18: {  	s0 =	sld [smem:$0x3F98];
	_ =	swait.ge [sflag:s4], $0x0  }
0x19: {  	s7 =	sld [smem:$0x3F99]  }
0x1a: {  	s8 =	sadd.s32 $0xFFFFE003, lr  }
0x1b: {  	s9 =	sadd.s32 $0xFFFFFEF7, lr;
	s5 =	simm.s32 $0xFFFFFFFF;
	p2 =	slt.u32 s8, $0xFFFFF086  }
0x1c: {  	p1 =	slt.u32 s9, $0xF7A;
	s5 =	simm.s32 @!p2 $0x0  }
0x1d: {  	s5 =	simm.s32 @p1 $0x1;
	p0 =	seq.s32 s7, s2  }
0x1e: {  	s7 =	smul.u32 @!p0 $0xF7A, s2;
	p2 =	seq.s32 @!p0 s5, $0x0  }
0x1f: {  	s9 =	smul.u32 $0xF7A, s1;
	s8 =	simm.s32 @!p0 $0x1BF5;
	p2 =	por !p2, p0  }
0x20: {  	[sflag:s8] =	ssyncset.s32 @!p0 $0xFFFFF086;
	s6 =	sadd.s32 @!p0 s3, s7;
	s7 =	simm.s32 @!p0 $0x108  }
0x21: {  	s3 =	sadd.s32 s3, s9;
	s6 =	sadd.s32 @!p0 $0x88, s6;
	s7 =	simm.s32 @p2 $0x1082  }
0x22: {  	[simem:s7], [sflag:s8] =	dma.local @!p0 [hbm:s6], $0xF7A  }
0x23: {  	s9 =	sor.u32 $0xD0000000, s2;
	s6 =	simm.s32 $0x108;
	_ =	swait.ge @!p0 [sflag:s8], $0x0  }
0x24: {  	s3 =	sadd.s32 $0x88, s3;
	s6 =	simm.s32 @!p1 $0x1082;
	[sflag:s4] =	ssyncset.s32 $0xFFFFF086  }
0x25: {  	[simem:s6], [sflag:s4] =	dma.local [hbm:s3], $0xF7A  }
0x26: {  	[smem:$0x3F99] =	sst s1;
	(tag) =	ssettag s2;
	_ =	strace s9  }
0x27: {  	s1 =	sld [smem:$0x3FA9]  }
0x28: {  	s2 =	sld [smem:$0x3FAA]  }
0x29: {  	s4 =	sld [smem:$0x3FAC]  }
0x2a: {  	p0 =	seq.s32 s5, $0x0;
	s5 =	sld [smem:$0x3FAD]  }
0x2b: {  	s6 =	sld [smem:$0x3FAE]  }
0x2c: {  	s7 =	sld [smem:$0x3FAF]  }
0x2d: {  	s3 =	simm.s32 $0x108;
	s8 =	sld [smem:$0x3FB0]  }
0x2e: {  	s3 =	simm.s32 @!p0 $0x1082;
	s9 =	sld [smem:$0x3FB1]  }
0x2f: {  	lr =	sadd.s32 s0, s3;
	s0 =	sld [smem:$0x3FA8]  }
0x30: {  	s3 =	sld [smem:$0x3FAB]  }
0x31: {  	[smem:$0x3FB4] =	sst s10  }
0x32: {  	s10 =	sld [smem:$0x3FB2];
	_ =	sdelay $0x3  }
0x33: {  	p0 =	seq.s32 s10, $0x1;
	s10 =	sld [smem:$0x3FB4];
	_ =	sdelay $0x3  }
0x34: {  	[smem:$0x3FB4] =	sst s10  }
0x35: {  	s10 =	sld [smem:$0x3FB3];
	_ =	sdelay $0x3  }
0x36: {  	p1 =	seq.s32 s10, $0x1;
	s10 =	sld [smem:$0x3FB4];
	_ =	sdelay $0x3  }
0x37: {  	[smem:$0x3FB4] =	sst s10  }
0x38: {  	s10 =	sld [smem:$0x3FB5]  }
0x39: {  	_ = 	snop;
	(pc) =	sbr.ind lr, $3  }
0x3a: {  	_ = 	snop  }
0x3b: {  	_ = 	snop  }
0x3c: {  	p2 =	seq.s32 s10, $0x1;
	s10 =	sld [smem:$0x3FB4]  }
0x3d: {  	_ =	shalt  }
0x3e: {  	_ =	shalt  }
0x3f: {  	_ =	shalt  }
0x40: {  	_ =	shalt  }
0x41: {  	_ =	shalt  }
0x42: {  	_ =	shalt  }
0x43: {  	_ =	shalt  }
0x44: {  	_ =	shalt  }
0x45: {  	_ =	shalt  }
0x46: {  	_ =	shalt  }
0x47: {  	_ =	shalt  }
0x48: {  	_ =	shalt  }
0x49: {  	_ =	shalt  }
0x4a: {  	_ =	shalt  }
0x4b: {  	_ =	shalt  }
0x4c: {  	_ =	shalt  }
0x4d: {  	_ =	shalt  }
0x4e: {  	_ =	shalt  }
0x4f: {  	_ =	shalt  }
0x50: {  	_ =	shalt  }
0x51: {  	_ =	shalt  }
0x52: {  	_ =	shalt  }
0x53: {  	_ =	shalt  }
0x54: {  	_ =	shalt  }
0x55: {  	_ =	shalt  }
0x56: {  	_ =	shalt  }
0x57: {  	_ =	shalt  }
0x58: {  	_ =	shalt  }
0x59: {  	_ =	shalt  }
0x5a: {  	_ =	shalt  }
0x5b: {  	_ =	shalt  }
0x5c: {  	_ =	shalt  }
0x5d: {  	_ =	shalt  }
0x5e: {  	_ =	shalt  }
0x5f: {  	_ =	shalt  }
0x60: {  	_ =	shalt  }
0x61: {  	_ =	shalt  }
0x62: {  	_ =	shalt  }
0x63: {  	_ =	shalt  }
0x64: {  	_ =	shalt  }
0x65: {  	_ =	shalt  }
0x66: {  	_ =	shalt  }
0x67: {  	_ =	shalt  }
0x68: {  	_ =	shalt  }
0x69: {  	_ =	shalt  }
0x6a: {  	_ =	shalt  }
0x6b: {  	_ =	shalt  }
0x6c: {  	_ =	shalt  }
0x6d: {  	_ =	shalt  }
0x6e: {  	_ =	shalt  }
0x6f: {  	_ =	shalt  }
0x70: {  	_ =	shalt  }
0x71: {  	_ =	shalt  }
0x72: {  	_ =	shalt  }
0x73: {  	_ =	shalt  }
0x74: {  	_ =	shalt  }
0x75: {  	_ =	shalt  }
0x76: {  	_ =	shalt  }
0x77: {  	_ =	shalt  }
0x78: {  	_ =	shalt  }
0x79: {  	_ =	shalt  }
0x7a: {  	_ =	shalt  }
0x7b: {  	_ =	shalt  }
0x7c: {  	_ =	shalt  }
0x7d: {  	_ =	shalt  }
0x7e: {  	_ =	shalt  }
0x7f: {  	_ =	shalt  }
0x80: {  	_ =	shalt  }
0x81: {  	_ =	shalt  }
0x82: {  	_ =	shalt  }
0x83: {  	_ =	shalt  }
0x84: {  	_ =	shalt  }
0x85: {  	_ =	shalt  }
0x86: {  	_ =	shalt  }
0x87: {  	_ =	shalt  }
.Lfunc_end0:
.L_simem_size_0:
called_computation.1_lowered:
.L_overlay_start_0:
0x88: {  	s2 =	sld [smem:$0x3FD9]  }
0x89: {  	s3 =	sld [smem:$0x3FFE];
	_ =	sdelay $0x1  }
0x8a: {  	s1 =	srdreg.scid  }
0x8b: {  	s0 =	sand.u32 $0x1, s1  }
0x8c: {  	s17 =	sshll.u32 s0, $0xA;
	s2 =	sadd.s32 s3, s2  }
0x8d: {  	s2 =	sadd.s32 s2, s17  }
0x8e: {  	[smem:$0x3FC0] =	sst s2  }
0x8f: {  	_ = 	snop  }
0x90: {  	s2 =	sld [smem:$0x3FD0];
	(tm) =	ssettm $0x1  }
0x91: {  	s18 =	sld [smem:$0x3FFB];
	_ =	sdelay $0x3  }
0x92: {  	_ =	strace s18  }
0x93: {  	s3 =	sld [smem:$0x3FFC];
	_ =	sdelay $0x3  }
0x94: {  	_ =	strace s3  }
0x95: {  	s3 =	sld [smem:$0x3FFD];
	_ =	sdelay $0x3  }
0x96: {  	_ =	strace s3  }
0x97: {  	_ =	strace $0x8FFFFFFF  }
0x98: {  	s19 =	sld [smem:$0x3FDB];
	_ =	sdelay $0x1  }
0x99: {  	s4 =	simm.s32 $_scs_section_size  }
0x9a: {  	s5 =	simm.s32 $_size__tile_overlayer_lowered;
	s6 =	simm.s32 $_tile_overlayer_lowered  }
0x9b: {  	s22 =	simm.s32 $0x1BFF;
	s21 =	sshll.u32 s6, $0x1;
	s3 =	sadd.s32 s4, s19  }
0x9c: {  	s7 =	simm.s32 $0x0;
	s20 =	sshll.u32 s5, $0x1;
	s5 =	sadd.s32 s21, s3  }
0x9d: {  	[timem:s7], [sflag:s22] =	dma.local [hbm:s5], s20  }
0x9e: {  	_ =	swait.ge [sflag:s22], s20  }
0x9f: {  	s4 =	ssub.s32 $0x0, s20;
	[sflag:s22] =	ssyncset.done $0x0  }
0xa0: {  	[sflag:s22] =	ssyncadd.s32 s4;
	_ =	sdelay $0x1  }
0xa1: {  	s23 =	simm.s32 $0x1B8B  }
0xa2: {  	_ =	swait.ge [sflag:s23], $0x1  }
0xa3: {  	[sflag:s23] =	ssyncset.done $0x0  }
0xa4: {  	s25 =	simm.s32 $0x1B8E;
	s24 =	sld [smem:$0x3FFE];
	[sflag:s23] =	ssyncadd.s32 $0xFFFFFFFF  }
0xa5: {  	s26 =	simm.s32 $execute0_lowered;
	[smem:$0x3FD2] =	sst s25  }
0xa6: {  	s5 =	sshll.u32 s26, $0x1;
	_ =	strace $0x80000049;
	[dreg:$0x1] =	wrdreg $0xFFFFFFFF  }
0xa7: {  	s28 =	simm.s32 $_size_execute0_lowered;
	s3 =	sadd.s32 s3, s5;
	[dreg:$0x0] =	wrdreg $0x0  }
0xa8: {  	s5 =	sshll.u32 s28, $0x1;
	[dreg:$0x2] =	wrdreg s3  }
0xa9: {  	[dreg:$0x3] =	wrdreg s5  }
0xaa: {  	[dreg:$0x4] =	wrdreg $0xC0  }
0xab: {  	_ =	task [dreg:s7], $0x5FFFF  }
0xac: {  	[dreg:$0x1] =	wrdreg $0xFFFFFFFF  }
0xad: {  	[dreg:$0x0] =	wrdreg $0x60  }
0xae: {  	[dreg:$0x2] =	wrdreg s24  }
0xaf: {  	[dreg:$0x3] =	wrdreg s2  }
0xb0: {  	[dreg:$0x4] =	wrdreg $0xA8000  }
0xb1: {  	[dreg:$0x5] =	wrdreg $0x9  }
0xb2: {  	_ =	task.clear_ibuf [dreg:s7], $0x6FFFF;
	_ =	strace $0x90000049  }
0xb3: {  	s29 =	simm.s32 $0x9;
	_ =	strace $0x8000004B  }
0xb4: {  	_ =	swait.ge [sflag:s29], $0x1  }
0xb5: {  	[sflag:s29] =	ssyncadd.s32 $0xFFFFFFFF  }
0xb6: {  	_ =	strace $0x9000004B  }
0xb7: {  	_ =	sfence  }
0xb8: {  	s30 =	sld [smem:$0x0];
	_ =	sdelay $0x2  }
0xb9: {  	s31 =	sshll.u32 s1, $0xD;
	s1 =	sshrl.u32 s1, $0x2  }
0xba: {  	s3 =	sand.u32 $0x4000, s31;
	s1 =	sadd.s32 s1, s30  }
0xbb: {  	s0 =	sor.u32 s3, s0;
	s1 =	sshll.u32 s1, $0x11  }
0xbc: {  	s0 =	sor.u32 s1, s0  }
0xbd: {  	s0 =	sadd.s32 $0x8F2B, s0  }
0xbe: {  	[sflag:s0] =	ssyncadd.remote.s32 $0x1  }
0xbf: {  	_ =	sfence.sel $0xFFFF  }
0xc0: {  	[dreg:$0x0] =	wrdreg $0xFFFFFFFF;
	(pc) =	sbr.abs _section_cstart, $3  }
0xc1: {  	[dreg:$0x1] =	wrdreg $0xFFFFFFFF  }
0xc2: {  	_ =	task.clear_ibuf [dreg:s7], $0x2FFFF;
	_ =	strace $0x9FFFFFFF  }
0xc3: {  	(tm) =	ssettm $0x7FFFFFFF  }
tec
execute0_lowered:
.L_overlay_start_1:
0x0: {  	(tag) =	ssettag $0x1  }
0x1: {  	s7 =	rddreg [dreg:$0x0]  }
0x2: {  	s1 =	srdreg.scid;
	s8 =	rddreg [dreg:$0x1]  }
0x3: {  	s0 =	stileid.u32;
	s2 =	rddreg [dreg:$0x2];
	s3 =	simm.s32 $0x0  }
0x4: {  	s16 =	simm.s32 $0x80;
	s17 =	simm.s32 $0x2800;
	s18 =	simm.s32 $0x6800  }
0x5: {  	s19 =	simm.s32 $0x1;
	s20 =	simm.s32 $0x3;
	s21 =	simm.s32 $0x2  }
0x6: {  	s22 =	simm.s32 $0x4;
	s23 =	simm.s32 $0x2700;
	s24 =	simm.s32 $0x2780  }
0x7: {  	s25 =	simm.s32 $0x0;
	s6 =	sand.u32 $0x1, s1;
	s1 =	rddreg [dreg:$0x3]  }
0x8: {  	s29 =	sshll.u32 s0, $0x1;
	[smem:$0x7FF] =	sst s3;
	s11 =	smul.u32 $0x14000, s0  }
0x9: {  	s5 =	sadd.s32 $0x82C00, s7;
	s13 =	smul.u32 $0x50000, s0;
	s31 =	sshll.u32 s0, $0x6  }
0xa: {  	s4 =	sor.u32 s6, s29;
	s10 =	smul.u32 $0x280000, s6;
	_ =	strace $0x8000004A  }
0xb: {  	s30 =	ssub.s32 $0x2, s6;
	s6 =	sadd.s32 $0x4200, s7;
	s9 =	smul.u32 $0x280, s4  }
0xc: {  	s4 =	sadd.s32 $0x5BA00, s7;
	s14 =	sshrl.u32 s30, $0x1;
	s13 =	sshrl.u32 s13, $0x2  }
0xd: {  	s10 =	sadd.s32 s11, s10;
	s11 =	ssub.s32 s30, s14;
	s15 =	sadd.s32 s13, s2  }
0xe: {  	s13 =	simm.s32 $0x1400;
	s14 =	sor.u32 $0x1C05, s31;
	s12 =	sadd.s32 s9, s7  }
0xf: {  	s10 =	sshrl.u32 s10, $0x3;
	s8 =	sadd.s32 s8, s9;
	s11 =	smax.u32 s11, $0x1  }
0x10: {  	s15 =	sshrl.u32 s15, $0x3;
	s10 =	sadd.s32 s10, s7;
	s7 =	sadd.s32 $0x56A00, s12  }
0x11: {  	s12 =	simm.s32 $0x5;
	s9 =	sadd.s32 $0xA9E00, s10;
	s10 =	sadd.s32 $0xD1E00, s10  }
.LBB2_1:
0x12: {  	[tilespmem:s3], [sflag:$0x5] =	stream.linear.gather [hbm4b:s7+s3], $0x1400, $0x38;
	[tilespmem:$0x1E800] =	vst v63  }
0x13: {  	_ =	swait.ge [sflag:s12], $0x1400  }
0x14: {  	[sflag:s12] =	ssyncset.done $0x0  }
0x15: {  	[sflag:s12] =	ssyncadd.s32 $0xFFFFEC00  }
0x16: {  	[tilespmem:s13], [sflag:$0x5] =	stream.linear.gather [hbm4b:s8+s3], $0x1400, $0x38;
	[tilespmem:$0x1E800] =	vst v63  }
0x17: {  	_ =	swait.ge [sflag:s12], $0x1400  }
0x18: {  	[sflag:s12] =	ssyncset.done $0x0  }
0x19: {  	[sflag:s12] =	ssyncadd.s32 $0xFFFFEC00  }
0x1a: {  	[spmem:s15], [sflag:s14] =	dma.local [hbm:s6], $0x2800  }
0x1b: {  	_ =	swait.ge [sflag:s12], $0x2800  }
0x1c: {  	[sflag:s12] =	ssyncset.done $0x0  }
0x1d: {  	[sflag:s12] =	ssyncadd.s32 $0xFFFFD800  }
0x1e: {  	[tilespmem:s17], [sflag:$0x1] =	stream.indirect.gather [hbm4b:s4+s16], $0x80, s3, s16, $0xb8;
	[tilespmem:$0x1E800] =	vst v63  }
0x1f: {  	_ = 	snop  }
0x20: {  	[tilespmem:s18], [sflag:$0x2] =	stream.indirect.gather [hbm4b:s4+s16], $0x80, s16, s16, $0xb8;
	[tilespmem:$0x1E800] =	vst v63  }
0x21: {  	[bflag:$0x0] =	sbarrier.arrive $0xFFFF  }
0x22: {  	_ =	swait.ge [sflag:s19], $0x4000  }
0x23: {  	[sflag:s19] =	ssyncset.done $0x0  }
0x24: {  	s26 =	simm.s32 $0x1400;
	[sflag:s19] =	ssyncadd.s32 $0xFFFFC000  }
0x25: {  	[spmem:s2] =	stream.indirect.scatter.add.f32 [tilespmem:s17], [sflag:$0x3], $0x80, s26, s16, $0xb8;
	[tilespmem:$0x1E800] =	vst v63  }
0x26: {  	_ =	swait.ge [sflag:s20], $0x4000  }
0x27: {  	[sflag:s20] =	ssyncset.done $0x0  }
0x28: {  	s30 =	simm.s32 $0x100;
	[sflag:s20] =	ssyncadd.s32 $0xFFFFC000  }
0x29: {  	[tilespmem:s17], [sflag:$0x1] =	stream.indirect.gather [hbm4b:s4+s16], $0x80, s30, s16, $0xb8;
	[tilespmem:$0x1E800] =	vst v63  }
0x2a: {  	_ =	swait.ge [sflag:s21], $0x4000  }
0x2b: {  	[sflag:s21] =	ssyncset.done $0x0  }
0x2c: {  	s31 =	simm.s32 $0x1480;
	[sflag:s21] =	ssyncadd.s32 $0xFFFFC000  }
0x2d: {  	[spmem:s2] =	stream.indirect.scatter.add.f32 [tilespmem:s18], [sflag:$0x4], $0x80, s31, s16, $0xb8;
	[tilespmem:$0x1E800] =	vst v63  }
0x2e: {  	_ =	swait.ge [sflag:s22], $0x4000  }
0x2f: {  	[sflag:s22] =	ssyncset.done $0x0  }
0x30: {  	s28 =	simm.s32 $0x180;
	s26 =	simm.s32 $0x400;
	[sflag:s22] =	ssyncadd.s32 $0xFFFFC000  }
.LBB2_2:
0x31: {  	[tilespmem:s18], [sflag:$0x2] =	stream.indirect.gather [hbm4b:s4+s16], $0x80, s28, s16, $0xb8;
	[tilespmem:$0x1E800] =	vst v63  }
0x32: {  	s28 =	smov.u32 s26  }
0x33: {  	p0 =	sne.s32 s26, $0x4800;
	s26 =	sadd.s32 $0x400, s26;
	_ =	swait.ge [sflag:s19], $0x4000  }
0x34: {  	s28 =	sshra.s32 s28, $0x2;
	[sflag:s19] =	ssyncset.done $0x0  }
0x35: {  	s29 =	sadd.s32 $0x1400, s28;
	[sflag:s19] =	ssyncadd.s32 $0xFFFFC000  }
0x36: {  	[spmem:s2] =	stream.indirect.scatter.add.f32 [tilespmem:s17], [sflag:$0x3], $0x80, s29, s16, $0xb8;
	[tilespmem:$0x1E800] =	vst v63  }
0x37: {  	_ =	swait.ge [sflag:s20], $0x4000  }
0x38: {  	[sflag:s20] =	ssyncset.done $0x0  }
0x39: {  	s29 =	sadd.s32 $0x100, s28;
	[sflag:s20] =	ssyncadd.s32 $0xFFFFC000  }
0x3a: {  	[tilespmem:s17], [sflag:$0x1] =	stream.indirect.gather [hbm4b:s4+s16], $0x80, s29, s16, $0xb8;
	[tilespmem:$0x1E800] =	vst v63  }
0x3b: {  	_ =	swait.ge [sflag:s21], $0x4000  }
0x3c: {  	[sflag:s21] =	ssyncset.done $0x0  }
.Ltmp0:
0x3d: {  	s29 =	sadd.s32 $0x1480, s28;
	[sflag:s21] =	ssyncadd.s32 $0xFFFFC000;
	(pc) =	sbr.rel @p0 .LBB2_2-.Ltmp0, $4  }
0x3e: {  	[spmem:s2] =	stream.indirect.scatter.add.f32 [tilespmem:s18], [sflag:$0x4], $0x80, s29, s16, $0xb8;
	[tilespmem:$0x1E800] =	vst v63  }
0x3f: {  	_ =	swait.ge [sflag:s22], $0x4000  }
0x40: {  	[sflag:s22] =	ssyncset.done $0x0  }
0x41: {  	s28 =	sadd.s32 $0x180, s28;
	[sflag:s22] =	ssyncadd.s32 $0xFFFFC000  }
0x42: {  	[tilespmem:s18], [sflag:$0x2] =	stream.indirect.gather [hbm4b:s4+s16], $0x80, s28, s16, $0xb8;
	[tilespmem:$0x1E800] =	vst v63  }
0x43: {  	_ =	swait.ge [sflag:s19], $0x4000  }
0x44: {  	[sflag:s19] =	ssyncset.done $0x0  }
0x45: {  	[sflag:s19] =	ssyncadd.s32 $0xFFFFC000  }
0x46: {  	[spmem:s2] =	stream.indirect.scatter.add.f32 [tilespmem:s17], [sflag:$0x3], $0x80, s23, s16, $0xb8;
	[tilespmem:$0x1E800] =	vst v63  }
0x47: {  	_ =	swait.ge [sflag:s20], $0x4000  }
0x48: {  	[sflag:s20] =	ssyncset.done $0x0  }
0x49: {  	[sflag:s20] =	ssyncadd.s32 $0xFFFFC000  }
0x4a: {  	_ =	swait.ge [sflag:s21], $0x4000  }
0x4b: {  	[sflag:s21] =	ssyncset.done $0x0  }
0x4c: {  	[sflag:s21] =	ssyncadd.s32 $0xFFFFC000  }
0x4d: {  	[spmem:s2] =	stream.indirect.scatter.add.f32 [tilespmem:s18], [sflag:$0x4], $0x80, s24, s16, $0xb8;
	[tilespmem:$0x1E800] =	vst v63  }
0x4e: {  	_ =	swait.ge [sflag:s22], $0x4000  }
0x4f: {  	[sflag:s22] =	ssyncset.done $0x0  }
0x50: {  	s26 =	simm.s32 $0x0;
	[sflag:s22] =	ssyncadd.s32 $0xFFFFC000  }
0x51: {  	[tilespmem:s17], [sflag:$0x1] =	stream.indirect.gather [hbm4b:s5+s16], $0x80, s26, s16, $0xb8;
	[tilespmem:$0x1E800] =	vst v63  }
0x52: {  	_ = 	snop  }
0x53: {  	[tilespmem:s18], [sflag:$0x2] =	stream.indirect.gather [hbm4b:s5+s16], $0x80, s16, s16, $0xb8;
	[tilespmem:$0x1E800] =	vst v63  }
0x54: {  	[bflag:$0x0] =	sbarrier.arrive $0xFFFF  }
0x55: {  	[hbm:s9], [sflag:s14] =	dma.local [spmem:s15], $0x2800  }
0x56: {  	_ =	swait.ge [sflag:s12], $0x2800  }
0x57: {  	[sflag:s12] =	ssyncset.done $0x0  }
0x58: {  	[sflag:s12] =	ssyncadd.s32 $0xFFFFD800  }
0x59: {  	[spmem:s15], [sflag:s14] =	dma.local [hbm:s6], $0x2800  }
0x5a: {  	_ =	swait.ge [sflag:s12], $0x2800  }
0x5b: {  	[sflag:s12] =	ssyncset.done $0x0  }
0x5c: {  	[sflag:s12] =	ssyncadd.s32 $0xFFFFD800  }
0x5d: {  	[bflag:$0x0] =	sbarrier.arrive $0xFFFF  }
0x5e: {  	_ =	swait.ge [sflag:s19], $0x4000  }
0x5f: {  	[sflag:s19] =	ssyncset.done $0x0  }
0x60: {  	s29 =	simm.s32 $0x1400;
	[sflag:s19] =	ssyncadd.s32 $0xFFFFC000  }
0x61: {  	[spmem:s2] =	stream.indirect.scatter.add.f32 [tilespmem:s17], [sflag:$0x3], $0x80, s29, s16, $0xb8;
	[tilespmem:$0x1E800] =	vst v63  }
0x62: {  	_ =	swait.ge [sflag:s20], $0x4000  }
0x63: {  	[sflag:s20] =	ssyncset.done $0x0  }
0x64: {  	s30 =	simm.s32 $0x100;
	[sflag:s20] =	ssyncadd.s32 $0xFFFFC000  }
0x65: {  	[tilespmem:s17], [sflag:$0x1] =	stream.indirect.gather [hbm4b:s5+s16], $0x80, s30, s16, $0xb8;
	[tilespmem:$0x1E800] =	vst v63  }
0x66: {  	_ =	swait.ge [sflag:s21], $0x4000  }
0x67: {  	[sflag:s21] =	ssyncset.done $0x0  }
0x68: {  	s31 =	simm.s32 $0x1480;
	[sflag:s21] =	ssyncadd.s32 $0xFFFFC000  }
0x69: {  	[spmem:s2] =	stream.indirect.scatter.add.f32 [tilespmem:s18], [sflag:$0x4], $0x80, s31, s16, $0xb8;
	[tilespmem:$0x1E800] =	vst v63  }
0x6a: {  	_ =	swait.ge [sflag:s22], $0x4000  }
0x6b: {  	[sflag:s22] =	ssyncset.done $0x0  }
0x6c: {  	s28 =	simm.s32 $0x180;
	s26 =	simm.s32 $0x400;
	[sflag:s22] =	ssyncadd.s32 $0xFFFFC000  }
.LBB2_4:
0x6d: {  	[tilespmem:s18], [sflag:$0x2] =	stream.indirect.gather [hbm4b:s5+s16], $0x80, s28, s16, $0xb8;
	[tilespmem:$0x1E800] =	vst v63  }
0x6e: {  	s28 =	smov.u32 s26  }
0x6f: {  	p0 =	sne.s32 s26, $0x4800;
	s26 =	sadd.s32 $0x400, s26;
	_ =	swait.ge [sflag:s19], $0x4000  }
0x70: {  	s28 =	sshra.s32 s28, $0x2;
	[sflag:s19] =	ssyncset.done $0x0  }
0x71: {  	s29 =	sadd.s32 $0x1400, s28;
	[sflag:s19] =	ssyncadd.s32 $0xFFFFC000  }
0x72: {  	[spmem:s2] =	stream.indirect.scatter.add.f32 [tilespmem:s17], [sflag:$0x3], $0x80, s29, s16, $0xb8;
	[tilespmem:$0x1E800] =	vst v63  }
0x73: {  	_ =	swait.ge [sflag:s20], $0x4000  }
0x74: {  	[sflag:s20] =	ssyncset.done $0x0  }
0x75: {  	s29 =	sadd.s32 $0x100, s28;
	[sflag:s20] =	ssyncadd.s32 $0xFFFFC000  }
0x76: {  	[tilespmem:s17], [sflag:$0x1] =	stream.indirect.gather [hbm4b:s5+s16], $0x80, s29, s16, $0xb8;
	[tilespmem:$0x1E800] =	vst v63  }
0x77: {  	_ =	swait.ge [sflag:s21], $0x4000  }
0x78: {  	[sflag:s21] =	ssyncset.done $0x0  }
.Ltmp1:
0x79: {  	s29 =	sadd.s32 $0x1480, s28;
	[sflag:s21] =	ssyncadd.s32 $0xFFFFC000;
	(pc) =	sbr.rel @p0 .LBB2_4-.Ltmp1, $4  }
0x7a: {  	[spmem:s2] =	stream.indirect.scatter.add.f32 [tilespmem:s18], [sflag:$0x4], $0x80, s29, s16, $0xb8;
	[tilespmem:$0x1E800] =	vst v63  }
0x7b: {  	_ =	swait.ge [sflag:s22], $0x4000  }
0x7c: {  	[sflag:s22] =	ssyncset.done $0x0  }
0x7d: {  	s28 =	sadd.s32 $0x180, s28;
	[sflag:s22] =	ssyncadd.s32 $0xFFFFC000  }
0x7e: {  	[tilespmem:s18], [sflag:$0x2] =	stream.indirect.gather [hbm4b:s5+s16], $0x80, s28, s16, $0xb8;
	[tilespmem:$0x1E800] =	vst v63  }
0x7f: {  	_ =	swait.ge [sflag:s19], $0x4000  }
0x80: {  	[sflag:s19] =	ssyncset.done $0x0  }
0x81: {  	[sflag:s19] =	ssyncadd.s32 $0xFFFFC000  }
0x82: {  	[spmem:s2] =	stream.indirect.scatter.add.f32 [tilespmem:s17], [sflag:$0x3], $0x80, s23, s16, $0xb8;
	[tilespmem:$0x1E800] =	vst v63  }
0x83: {  	_ =	swait.ge [sflag:s20], $0x4000  }
0x84: {  	[sflag:s20] =	ssyncset.done $0x0  }
0x85: {  	[sflag:s20] =	ssyncadd.s32 $0xFFFFC000  }
0x86: {  	_ =	swait.ge [sflag:s21], $0x4000  }
0x87: {  	[sflag:s21] =	ssyncset.done $0x0  }
0x88: {  	[sflag:s21] =	ssyncadd.s32 $0xFFFFC000  }
0x89: {  	[spmem:s2] =	stream.indirect.scatter.add.f32 [tilespmem:s18], [sflag:$0x4], $0x80, s24, s16, $0xb8;
	[tilespmem:$0x1E800] =	vst v63  }
0x8a: {  	_ =	swait.ge [sflag:s22], $0x4000  }
0x8b: {  	s25 =	sadd.s32 $0x1, s25;
	[sflag:s22] =	ssyncset.done $0x0  }
0x8c: {  	p0 =	sne.s32 s25, s11;
	[sflag:s22] =	ssyncadd.s32 $0xFFFFC000  }
.Ltmp2:
0x8d: {  	[bflag:$0x0] =	sbarrier.arrive $0xFFFF;
	(pc) =	sbr.rel @p0 .LBB2_1-.Ltmp2, $4  }
0x8e: {  	[hbm:s10], [sflag:s14] =	dma.local [spmem:s15], $0x2800  }
0x8f: {  	_ =	swait.ge [sflag:s12], $0x2800  }
0x90: {  	[sflag:s12] =	ssyncset.done $0x0  }
0x91: {  	[sflag:s12] =	ssyncadd.s32 $0xFFFFD800  }
0x92: {  	_ =	sfence.sel $0x180000  }
0x93: {  	[bflag:$0x0] =	sbarrier.arrive $0xFFFF  }
0x94: {  	p0 =	sne.s32 s0, $0x0;
	_ =	strace $0x9000004A  }
0x95: {  	s0 =	sadd.s32 @!p0 $0x100000, s1;
	[bflag:$0x2] =	sbarrier.arrive $0xFFFF  }
0x96: {  	[sflag:s0] =	ssyncadd.tile.s32 @!p0 $0x1;
	_ =	shalt  }
.Lfunc_end2:
_tile_overlayer_lowered:
.L_overlay_start_2:
0x97: {  	(tag) =	ssettag $0x2  }
0x98: {  	s0 =	rddreg [dreg:$0x0];
	s2 =	stileid.u32  }
0x99: {  	s1 =	rddreg [dreg:$0x1];
	p0 =	sne.s32 s2, $0x0  }
0x9a: {  	s3 =	rddreg [dreg:$0x2];
	[bflag:$0x3] =	sbarrier.arrive $0xFFFF;
	s2 =	simm.s32 @!p0 $0x1C05  }
0x9b: {  	[timem:s3], [sflag:s2] =	dma.local @!p0 [hbm:s0], s1  }
0x9c: {  	s0 =	simm.s32 @!p0 $0x5  }
0x9d: {  	_ =	swait.ge @!p0 [sflag:s0], s1  }
0x9e: {  	s1 =	ssub.s32 @!p0 $0x0, s1;
	[sflag:s0] =	ssyncset.done @!p0 $0x0  }
0x9f: {  	[sflag:s0] =	ssyncadd.s32 @!p0 s1  }
0xa0: {  	[bflag:$0x3] =	sbarrier.arrive $0xFFFF  }
0xa1: {  	_ =	shalt  }

// kernel: kernel.14.cloned.1.call-start
scs
__scs_entry_jumppad:
0x0: {  	(pc) =	sbr.rel $0x88, $3  }
0x1: {  	(tag) =	ssettag $0x0;
	lr =	simm.s32 $0x1  }
0x2: {  	[smem:$0x3F99] =	sst lr;
	_ =	strace $0xD0000000  }
0x3: {  	_ = 	snop  }
0x4: {  	_ = 	snop  }
0x5: {  	_ = 	snop  }
0x6: {  	_ = 	snop  }
0x7: {  	_ = 	snop  }
__scs_overlays_trampoline_lowered:
0x8: {  	[smem:$0x3FA8] =	sst s0  }
0x9: {  	[smem:$0x3FA9] =	sst s1  }
0xa: {  	[smem:$0x3FAA] =	sst s2  }
0xb: {  	[smem:$0x3FAB] =	sst s3  }
0xc: {  	[smem:$0x3FAC] =	sst s4  }
0xd: {  	[smem:$0x3FAD] =	sst s5  }
0xe: {  	[smem:$0x3FAE] =	sst s6  }
0xf: {  	[smem:$0x3FAF] =	sst s7  }
0x10: {  	[smem:$0x3FB0] =	sst s8  }
0x11: {  	[smem:$0x3FB1] =	sst s9;
	s0 =	simm.s32 @!p0 $0x0  }
0x12: {  	s1 =	sld [smem:$0x3F97];
	s0 =	simm.s32 @p0 $0x1  }
0x13: {  	[smem:$0x3FB2] =	sst s0;
	s0 =	simm.s32 @!p1 $0x0  }
0x14: {  	s2 =	sld [smem:$0x3F96];
	s0 =	simm.s32 @p1 $0x1  }
0x15: {  	[smem:$0x3FB3] =	sst s0;
	s0 =	simm.s32 @!p2 $0x0  }
0x16: {  	s3 =	sld [smem:$0x3FDB];
	s0 =	simm.s32 @p2 $0x1  }
0x17: {  	s4 =	simm.s32 $0x1BF5;
	[smem:$0x3FB5] =	sst s0  }
0x18: {  	s0 =	sld [smem:$0x3F98];
	_ =	swait.ge [sflag:s4], $0x0  }
0x19: {  	s7 =	sld [smem:$0x3F99]  }
0x1a: {  	s8 =	sadd.s32 $0xFFFFE003, lr  }
0x1b: {  	s9 =	sadd.s32 $0xFFFFFEF7, lr;
	s5 =	simm.s32 $0xFFFFFFFF;
	p2 =	slt.u32 s8, $0xFFFFF086  }
0x1c: {  	p1 =	slt.u32 s9, $0xF7A;
	s5 =	simm.s32 @!p2 $0x0  }
0x1d: {  	s5 =	simm.s32 @p1 $0x1;
	p0 =	seq.s32 s7, s2  }
0x1e: {  	s7 =	smul.u32 @!p0 $0xF7A, s2;
	p2 =	seq.s32 @!p0 s5, $0x0  }
0x1f: {  	s9 =	smul.u32 $0xF7A, s1;
	s8 =	simm.s32 @!p0 $0x1BF5;
	p2 =	por !p2, p0  }
0x20: {  	[sflag:s8] =	ssyncset.s32 @!p0 $0xFFFFF086;
	s6 =	sadd.s32 @!p0 s3, s7;
	s7 =	simm.s32 @!p0 $0x108  }
0x21: {  	s3 =	sadd.s32 s3, s9;
	s6 =	sadd.s32 @!p0 $0x88, s6;
	s7 =	simm.s32 @p2 $0x1082  }
0x22: {  	[simem:s7], [sflag:s8] =	dma.local @!p0 [hbm:s6], $0xF7A  }
0x23: {  	s9 =	sor.u32 $0xD0000000, s2;
	s6 =	simm.s32 $0x108;
	_ =	swait.ge @!p0 [sflag:s8], $0x0  }
0x24: {  	s3 =	sadd.s32 $0x88, s3;
	s6 =	simm.s32 @!p1 $0x1082;
	[sflag:s4] =	ssyncset.s32 $0xFFFFF086  }
0x25: {  	[simem:s6], [sflag:s4] =	dma.local [hbm:s3], $0xF7A  }
0x26: {  	[smem:$0x3F99] =	sst s1;
	(tag) =	ssettag s2;
	_ =	strace s9  }
0x27: {  	s1 =	sld [smem:$0x3FA9]  }
0x28: {  	s2 =	sld [smem:$0x3FAA]  }
0x29: {  	s4 =	sld [smem:$0x3FAC]  }
0x2a: {  	p0 =	seq.s32 s5, $0x0;
	s5 =	sld [smem:$0x3FAD]  }
0x2b: {  	s6 =	sld [smem:$0x3FAE]  }
0x2c: {  	s7 =	sld [smem:$0x3FAF]  }
0x2d: {  	s3 =	simm.s32 $0x108;
	s8 =	sld [smem:$0x3FB0]  }
0x2e: {  	s3 =	simm.s32 @!p0 $0x1082;
	s9 =	sld [smem:$0x3FB1]  }
0x2f: {  	lr =	sadd.s32 s0, s3;
	s0 =	sld [smem:$0x3FA8]  }
0x30: {  	s3 =	sld [smem:$0x3FAB]  }
0x31: {  	[smem:$0x3FB4] =	sst s10  }
0x32: {  	s10 =	sld [smem:$0x3FB2];
	_ =	sdelay $0x3  }
0x33: {  	p0 =	seq.s32 s10, $0x1;
	s10 =	sld [smem:$0x3FB4];
	_ =	sdelay $0x3  }
0x34: {  	[smem:$0x3FB4] =	sst s10  }
0x35: {  	s10 =	sld [smem:$0x3FB3];
	_ =	sdelay $0x3  }
0x36: {  	p1 =	seq.s32 s10, $0x1;
	s10 =	sld [smem:$0x3FB4];
	_ =	sdelay $0x3  }
0x37: {  	[smem:$0x3FB4] =	sst s10  }
0x38: {  	s10 =	sld [smem:$0x3FB5]  }
0x39: {  	_ = 	snop;
	(pc) =	sbr.ind lr, $3  }
0x3a: {  	_ = 	snop  }
0x3b: {  	_ = 	snop  }
0x3c: {  	p2 =	seq.s32 s10, $0x1;
	s10 =	sld [smem:$0x3FB4]  }
0x3d: {  	_ =	shalt  }
0x3e: {  	_ =	shalt  }
0x3f: {  	_ =	shalt  }
0x40: {  	_ =	shalt  }
0x41: {  	_ =	shalt  }
0x42: {  	_ =	shalt  }
0x43: {  	_ =	shalt  }
0x44: {  	_ =	shalt  }
0x45: {  	_ =	shalt  }
0x46: {  	_ =	shalt  }
0x47: {  	_ =	shalt  }
0x48: {  	_ =	shalt  }
0x49: {  	_ =	shalt  }
0x4a: {  	_ =	shalt  }
0x4b: {  	_ =	shalt  }
0x4c: {  	_ =	shalt  }
0x4d: {  	_ =	shalt  }
0x4e: {  	_ =	shalt  }
0x4f: {  	_ =	shalt  }
0x50: {  	_ =	shalt  }
0x51: {  	_ =	shalt  }
0x52: {  	_ =	shalt  }
0x53: {  	_ =	shalt  }
0x54: {  	_ =	shalt  }
0x55: {  	_ =	shalt  }
0x56: {  	_ =	shalt  }
0x57: {  	_ =	shalt  }
0x58: {  	_ =	shalt  }
0x59: {  	_ =	shalt  }
0x5a: {  	_ =	shalt  }
0x5b: {  	_ =	shalt  }
0x5c: {  	_ =	shalt  }
0x5d: {  	_ =	shalt  }
0x5e: {  	_ =	shalt  }
0x5f: {  	_ =	shalt  }
0x60: {  	_ =	shalt  }
0x61: {  	_ =	shalt  }
0x62: {  	_ =	shalt  }
0x63: {  	_ =	shalt  }
0x64: {  	_ =	shalt  }
0x65: {  	_ =	shalt  }
0x66: {  	_ =	shalt  }
0x67: {  	_ =	shalt  }
0x68: {  	_ =	shalt  }
0x69: {  	_ =	shalt  }
0x6a: {  	_ =	shalt  }
0x6b: {  	_ =	shalt  }
0x6c: {  	_ =	shalt  }
0x6d: {  	_ =	shalt  }
0x6e: {  	_ =	shalt  }
0x6f: {  	_ =	shalt  }
0x70: {  	_ =	shalt  }
0x71: {  	_ =	shalt  }
0x72: {  	_ =	shalt  }
0x73: {  	_ =	shalt  }
0x74: {  	_ =	shalt  }
0x75: {  	_ =	shalt  }
0x76: {  	_ =	shalt  }
0x77: {  	_ =	shalt  }
0x78: {  	_ =	shalt  }
0x79: {  	_ =	shalt  }
0x7a: {  	_ =	shalt  }
0x7b: {  	_ =	shalt  }
0x7c: {  	_ =	shalt  }
0x7d: {  	_ =	shalt  }
0x7e: {  	_ =	shalt  }
0x7f: {  	_ =	shalt  }
0x80: {  	_ =	shalt  }
0x81: {  	_ =	shalt  }
0x82: {  	_ =	shalt  }
0x83: {  	_ =	shalt  }
0x84: {  	_ =	shalt  }
0x85: {  	_ =	shalt  }
0x86: {  	_ =	shalt  }
0x87: {  	_ =	shalt  }
.Lfunc_end0:
.L_simem_size_0:
called_computation.2_lowered:
.L_overlay_start_0:
0x88: {  	s2 =	sld [smem:$0x3FD9]  }
0x89: {  	s3 =	sld [smem:$0x3FFE];
	_ =	sdelay $0x1  }
0x8a: {  	s1 =	srdreg.scid  }
0x8b: {  	s0 =	sand.u32 $0x1, s1  }
0x8c: {  	s17 =	sshll.u32 s0, $0xA;
	s2 =	sadd.s32 s3, s2  }
0x8d: {  	s2 =	sadd.s32 s2, s17  }
0x8e: {  	[smem:$0x3FC0] =	sst s2  }
0x8f: {  	_ = 	snop  }
0x90: {  	s2 =	sld [smem:$0x3FD0];
	(tm) =	ssettm $0x1  }
0x91: {  	s18 =	sld [smem:$0x3FFB];
	_ =	sdelay $0x3  }
0x92: {  	_ =	strace s18  }
0x93: {  	s3 =	sld [smem:$0x3FFC];
	_ =	sdelay $0x3  }
0x94: {  	_ =	strace s3  }
0x95: {  	s3 =	sld [smem:$0x3FFD];
	_ =	sdelay $0x3  }
0x96: {  	_ =	strace s3  }
0x97: {  	_ =	strace $0x8FFFFFFF  }
0x98: {  	s19 =	sld [smem:$0x3FDB];
	_ =	sdelay $0x1  }
0x99: {  	s4 =	simm.s32 $_scs_section_size  }
0x9a: {  	s5 =	simm.s32 $_size__tile_overlayer_lowered;
	s6 =	simm.s32 $_tile_overlayer_lowered  }
0x9b: {  	s22 =	simm.s32 $0x1BFF;
	s21 =	sshll.u32 s6, $0x1;
	s3 =	sadd.s32 s4, s19  }
0x9c: {  	s7 =	simm.s32 $0x0;
	s20 =	sshll.u32 s5, $0x1;
	s5 =	sadd.s32 s21, s3  }
0x9d: {  	[timem:s7], [sflag:s22] =	dma.local [hbm:s5], s20  }
0x9e: {  	_ =	swait.ge [sflag:s22], s20  }
0x9f: {  	s4 =	ssub.s32 $0x0, s20;
	[sflag:s22] =	ssyncset.done $0x0  }
0xa0: {  	[sflag:s22] =	ssyncadd.s32 s4;
	_ =	sdelay $0x1  }
0xa1: {  	s23 =	simm.s32 $0x1B8B  }
0xa2: {  	_ =	swait.ge [sflag:s23], $0x1  }
0xa3: {  	[sflag:s23] =	ssyncset.done $0x0  }
0xa4: {  	s25 =	simm.s32 $0x1B8E;
	s24 =	sld [smem:$0x3FFE];
	[sflag:s23] =	ssyncadd.s32 $0xFFFFFFFF  }
0xa5: {  	s26 =	simm.s32 $execute0_lowered;
	[smem:$0x3FD2] =	sst s25  }
0xa6: {  	s5 =	sshll.u32 s26, $0x1;
	_ =	strace $0x8000004C;
	[dreg:$0x1] =	wrdreg $0xFFFFFFFF  }
0xa7: {  	s28 =	simm.s32 $_size_execute0_lowered;
	s3 =	sadd.s32 s3, s5;
	[dreg:$0x0] =	wrdreg $0x0  }
0xa8: {  	s5 =	sshll.u32 s28, $0x1;
	[dreg:$0x2] =	wrdreg s3  }
0xa9: {  	[dreg:$0x3] =	wrdreg s5  }
0xaa: {  	[dreg:$0x4] =	wrdreg $0xC0  }
0xab: {  	_ =	task [dreg:s7], $0x5FFFF  }
0xac: {  	[dreg:$0x1] =	wrdreg $0xFFFFFFFF  }
0xad: {  	[dreg:$0x0] =	wrdreg $0x60  }
0xae: {  	[dreg:$0x2] =	wrdreg s24  }
0xaf: {  	[dreg:$0x3] =	wrdreg s2  }
0xb0: {  	[dreg:$0x4] =	wrdreg $0xA8000  }
0xb1: {  	[dreg:$0x5] =	wrdreg $0x9  }
0xb2: {  	_ =	task.clear_ibuf [dreg:s7], $0x6FFFF;
	_ =	strace $0x9000004C  }
0xb3: {  	s29 =	simm.s32 $0x9;
	_ =	strace $0x8000004E  }
0xb4: {  	_ =	swait.ge [sflag:s29], $0x1  }
0xb5: {  	[sflag:s29] =	ssyncadd.s32 $0xFFFFFFFF  }
0xb6: {  	_ =	strace $0x9000004E  }
0xb7: {  	_ =	sfence  }
0xb8: {  	s30 =	sld [smem:$0x0];
	_ =	sdelay $0x2  }
0xb9: {  	s31 =	sshll.u32 s1, $0xD;
	s1 =	sshrl.u32 s1, $0x2  }
0xba: {  	s3 =	sand.u32 $0x4000, s31;
	s1 =	sadd.s32 s1, s30  }
0xbb: {  	s0 =	sor.u32 s3, s0;
	s1 =	sshll.u32 s1, $0x11  }
0xbc: {  	s0 =	sor.u32 s1, s0  }
0xbd: {  	s0 =	sadd.s32 $0x8F2B, s0  }
0xbe: {  	[sflag:s0] =	ssyncadd.remote.s32 $0x1  }
0xbf: {  	_ =	sfence.sel $0xFFFF  }
0xc0: {  	[dreg:$0x0] =	wrdreg $0xFFFFFFFF;
	(pc) =	sbr.abs _section_cstart, $3  }
0xc1: {  	[dreg:$0x1] =	wrdreg $0xFFFFFFFF  }
0xc2: {  	_ =	task.clear_ibuf [dreg:s7], $0x2FFFF;
	_ =	strace $0x9FFFFFFF  }
0xc3: {  	(tm) =	ssettm $0x7FFFFFFF  }
tec
execute0_lowered:
.L_overlay_start_1:
0x0: {  	(tag) =	ssettag $0x1  }
0x1: {  	s1 =	rddreg [dreg:$0x0]  }
0x2: {  	s2 =	srdreg.scid;
	s0 =	stileid.u32  }
0x3: {  	s10 =	rddreg [dreg:$0x1];
	s17 =	simm.s32 $0x1400;
	s20 =	simm.s32 $0x80  }
0x4: {  	s21 =	simm.s32 $0x2800;
	s22 =	simm.s32 $0x6800;
	s23 =	simm.s32 $0x1  }
0x5: {  	s24 =	simm.s32 $0x3;
	s28 =	simm.s32 $0x2700;
	s29 =	simm.s32 $0x2780  }
0x6: {  	s30 =	simm.s32 $0x0;
	s8 =	sand.u32 $0x1, s2;
	s3 =	sshll.u32 s0, $0x1  }
0x7: {  	s2 =	rddreg [dreg:$0x2];
	s12 =	smul.u32 $0x14000, s0;
	s5 =	sadd.s32 $0x82C00, s1  }
0x8: {  	s6 =	sadd.s32 $0xA9E00, s1;
	s7 =	sadd.s32 $0xD1000, s1;
	s15 =	smul.u32 $0x50000, s0  }
0x9: {  	s31 =	sshll.u32 s0, $0x6;
	s4 =	sor.u32 s8, s3;
	s3 =	simm.s32 $0x0  }
0xa: {  	s9 =	smul.u32 $0x500000, s8;
	s25 =	ssub.s32 $0x2, s8;
	s8 =	sadd.s32 $0x4200, s1  }
0xb: {  	s18 =	sor.u32 $0x1C05, s31;
	s11 =	smul.u32 $0x280, s4;
	[smem:$0x7FF] =	sst s3  }
0xc: {  	s4 =	sadd.s32 $0x5BA00, s1;
	s14 =	sshrl.u32 s25, $0x1;
	s26 =	sshrl.u32 s15, $0x2  }
0xd: {  	_ =	strace $0x8000004D;
	s9 =	sadd.s32 s12, s9;
	s16 =	ssub.s32 s25, s14  }
0xe: {  	s19 =	sadd.s32 s26, s2;
	s25 =	simm.s32 $0x2;
	s26 =	simm.s32 $0x4  }
0xf: {  	s13 =	sadd.s32 s11, s1;
	s9 =	sshrl.u32 s9, $0x3;
	s10 =	sadd.s32 s10, s11  }
0x10: {  	s15 =	smax.u32 s16, $0x1;
	s1 =	sadd.s32 s9, s1;
	s9 =	sadd.s32 $0x56A00, s13  }
0x11: {  	s16 =	simm.s32 $0x5;
	s11 =	sadd.s32 $0x1E6200, s1;
	s12 =	sadd.s32 $0x20E200, s1  }
0x12: {  	s19 =	sshrl.u32 s19, $0x3;
	s13 =	sadd.s32 $0x236200, s1;
	s14 =	sadd.s32 $0x25E200, s1  }
.LBB2_1:
0x13: {  	[tilespmem:s3], [sflag:$0x5] =	stream.linear.gather [hbm4b:s9+s3], $0x1400, $0x38;
	[tilespmem:$0x1E800] =	vst v63  }
0x14: {  	_ =	swait.ge [sflag:s16], $0x1400  }
0x15: {  	[sflag:s16] =	ssyncset.done $0x0  }
0x16: {  	[sflag:s16] =	ssyncadd.s32 $0xFFFFEC00  }
0x17: {  	[tilespmem:s17], [sflag:$0x5] =	stream.linear.gather [hbm4b:s10+s3], $0x1400, $0x38;
	[tilespmem:$0x1E800] =	vst v63  }
0x18: {  	_ =	swait.ge [sflag:s16], $0x1400  }
0x19: {  	[sflag:s16] =	ssyncset.done $0x0  }
0x1a: {  	[sflag:s16] =	ssyncadd.s32 $0xFFFFEC00  }
0x1b: {  	[spmem:s19], [sflag:s18] =	dma.local [hbm:s8], $0x2800  }
0x1c: {  	_ =	swait.ge [sflag:s16], $0x2800  }
0x1d: {  	[sflag:s16] =	ssyncset.done $0x0  }
0x1e: {  	[sflag:s16] =	ssyncadd.s32 $0xFFFFD800  }
0x1f: {  	[tilespmem:s21], [sflag:$0x1] =	stream.indirect.gather [hbm4b:s4+s20], $0x80, s3, s20, $0xb8;
	[tilespmem:$0x1E800] =	vst v63  }
0x20: {  	_ = 	snop  }
0x21: {  	[tilespmem:s22], [sflag:$0x2] =	stream.indirect.gather [hbm4b:s4+s20], $0x80, s20, s20, $0xb8;
	[tilespmem:$0x1E800] =	vst v63  }
0x22: {  	[bflag:$0x0] =	sbarrier.arrive $0xFFFF  }
0x23: {  	_ =	swait.ge [sflag:s23], $0x4000  }
0x24: {  	[sflag:s23] =	ssyncset.done $0x0  }
0x25: {  	s1 =	simm.s32 $0x1400;
	[sflag:s23] =	ssyncadd.s32 $0xFFFFC000  }
0x26: {  	[spmem:s2] =	stream.indirect.scatter.add.f32 [tilespmem:s21], [sflag:$0x3], $0x80, s1, s20, $0xb8;
	[tilespmem:$0x1E800] =	vst v63  }
0x27: {  	_ =	swait.ge [sflag:s24], $0x4000  }
0x28: {  	[sflag:s24] =	ssyncset.done $0x0  }
0x29: {  	s0 =	simm.s32 $0x100;
	[sflag:s24] =	ssyncadd.s32 $0xFFFFC000  }
0x2a: {  	[tilespmem:s21], [sflag:$0x1] =	stream.indirect.gather [hbm4b:s4+s20], $0x80, s0, s20, $0xb8;
	[tilespmem:$0x1E800] =	vst v63  }
0x2b: {  	_ =	swait.ge [sflag:s25], $0x4000  }
0x2c: {  	[sflag:s25] =	ssyncset.done $0x0  }
0x2d: {  	s0 =	simm.s32 $0x1480;
	[sflag:s25] =	ssyncadd.s32 $0xFFFFC000  }
0x2e: {  	[spmem:s2] =	stream.indirect.scatter.add.f32 [tilespmem:s22], [sflag:$0x4], $0x80, s0, s20, $0xb8;
	[tilespmem:$0x1E800] =	vst v63  }
0x2f: {  	_ =	swait.ge [sflag:s26], $0x4000  }
0x30: {  	[sflag:s26] =	ssyncset.done $0x0  }
0x31: {  	s31 =	simm.s32 $0x400;
	s1 =	simm.s32 $0x180;
	[sflag:s26] =	ssyncadd.s32 $0xFFFFC000  }
.LBB2_2:
0x32: {  	[tilespmem:s22], [sflag:$0x2] =	stream.indirect.gather [hbm4b:s4+s20], $0x80, s1, s20, $0xb8;
	[tilespmem:$0x1E800] =	vst v63  }
0x33: {  	s1 =	smov.u32 s31  }
0x34: {  	p0 =	sne.s32 s31, $0x4800;
	s31 =	sadd.s32 $0x400, s31;
	_ =	swait.ge [sflag:s23], $0x4000  }
0x35: {  	s1 =	sshra.s32 s1, $0x2;
	[sflag:s23] =	ssyncset.done $0x0  }
0x36: {  	s0 =	sadd.s32 $0x1400, s1;
	[sflag:s23] =	ssyncadd.s32 $0xFFFFC000  }
0x37: {  	[spmem:s2] =	stream.indirect.scatter.add.f32 [tilespmem:s21], [sflag:$0x3], $0x80, s0, s20, $0xb8;
	[tilespmem:$0x1E800] =	vst v63  }
0x38: {  	_ =	swait.ge [sflag:s24], $0x4000  }
0x39: {  	[sflag:s24] =	ssyncset.done $0x0  }
0x3a: {  	s0 =	sadd.s32 $0x100, s1;
	[sflag:s24] =	ssyncadd.s32 $0xFFFFC000  }
0x3b: {  	[tilespmem:s21], [sflag:$0x1] =	stream.indirect.gather [hbm4b:s4+s20], $0x80, s0, s20, $0xb8;
	[tilespmem:$0x1E800] =	vst v63  }
0x3c: {  	_ =	swait.ge [sflag:s25], $0x4000  }
0x3d: {  	[sflag:s25] =	ssyncset.done $0x0  }
.Ltmp0:
0x3e: {  	s0 =	sadd.s32 $0x1480, s1;
	[sflag:s25] =	ssyncadd.s32 $0xFFFFC000;
	(pc) =	sbr.rel @p0 .LBB2_2-.Ltmp0, $4  }
0x3f: {  	[spmem:s2] =	stream.indirect.scatter.add.f32 [tilespmem:s22], [sflag:$0x4], $0x80, s0, s20, $0xb8;
	[tilespmem:$0x1E800] =	vst v63  }
0x40: {  	_ =	swait.ge [sflag:s26], $0x4000  }
0x41: {  	[sflag:s26] =	ssyncset.done $0x0  }
0x42: {  	s1 =	sadd.s32 $0x180, s1;
	[sflag:s26] =	ssyncadd.s32 $0xFFFFC000  }
0x43: {  	[tilespmem:s22], [sflag:$0x2] =	stream.indirect.gather [hbm4b:s4+s20], $0x80, s1, s20, $0xb8;
	[tilespmem:$0x1E800] =	vst v63  }
0x44: {  	_ =	swait.ge [sflag:s23], $0x4000  }
0x45: {  	[sflag:s23] =	ssyncset.done $0x0  }
0x46: {  	[sflag:s23] =	ssyncadd.s32 $0xFFFFC000  }
0x47: {  	[spmem:s2] =	stream.indirect.scatter.add.f32 [tilespmem:s21], [sflag:$0x3], $0x80, s28, s20, $0xb8;
	[tilespmem:$0x1E800] =	vst v63  }
0x48: {  	_ =	swait.ge [sflag:s24], $0x4000  }
0x49: {  	[sflag:s24] =	ssyncset.done $0x0  }
0x4a: {  	[sflag:s24] =	ssyncadd.s32 $0xFFFFC000  }
0x4b: {  	_ =	swait.ge [sflag:s25], $0x4000  }
0x4c: {  	[sflag:s25] =	ssyncset.done $0x0  }
0x4d: {  	[sflag:s25] =	ssyncadd.s32 $0xFFFFC000  }
0x4e: {  	[spmem:s2] =	stream.indirect.scatter.add.f32 [tilespmem:s22], [sflag:$0x4], $0x80, s29, s20, $0xb8;
	[tilespmem:$0x1E800] =	vst v63  }
0x4f: {  	_ =	swait.ge [sflag:s26], $0x4000  }
0x50: {  	[sflag:s26] =	ssyncset.done $0x0  }
0x51: {  	s0 =	simm.s32 $0x0;
	[sflag:s26] =	ssyncadd.s32 $0xFFFFC000  }
0x52: {  	[tilespmem:s21], [sflag:$0x1] =	stream.indirect.gather [hbm4b:s5+s20], $0x80, s0, s20, $0xb8;
	[tilespmem:$0x1E800] =	vst v63  }
0x53: {  	_ = 	snop  }
0x54: {  	[tilespmem:s22], [sflag:$0x2] =	stream.indirect.gather [hbm4b:s5+s20], $0x80, s20, s20, $0xb8;
	[tilespmem:$0x1E800] =	vst v63  }
0x55: {  	[bflag:$0x0] =	sbarrier.arrive $0xFFFF  }
0x56: {  	[hbm:s11], [sflag:s18] =	dma.local [spmem:s19], $0x2800  }
0x57: {  	_ =	swait.ge [sflag:s16], $0x2800  }
0x58: {  	[sflag:s16] =	ssyncset.done $0x0  }
0x59: {  	[sflag:s16] =	ssyncadd.s32 $0xFFFFD800  }
0x5a: {  	[spmem:s19], [sflag:s18] =	dma.local [hbm:s8], $0x2800  }
0x5b: {  	_ =	swait.ge [sflag:s16], $0x2800  }
0x5c: {  	[sflag:s16] =	ssyncset.done $0x0  }
0x5d: {  	[sflag:s16] =	ssyncadd.s32 $0xFFFFD800  }
0x5e: {  	[bflag:$0x0] =	sbarrier.arrive $0xFFFF  }
0x5f: {  	_ =	swait.ge [sflag:s23], $0x4000  }
0x60: {  	[sflag:s23] =	ssyncset.done $0x0  }
0x61: {  	s1 =	simm.s32 $0x1400;
	[sflag:s23] =	ssyncadd.s32 $0xFFFFC000  }
0x62: {  	[spmem:s2] =	stream.indirect.scatter.add.f32 [tilespmem:s21], [sflag:$0x3], $0x80, s1, s20, $0xb8;
	[tilespmem:$0x1E800] =	vst v63  }
0x63: {  	_ =	swait.ge [sflag:s24], $0x4000  }
0x64: {  	[sflag:s24] =	ssyncset.done $0x0  }
0x65: {  	s1 =	simm.s32 $0x100;
	[sflag:s24] =	ssyncadd.s32 $0xFFFFC000  }
0x66: {  	[tilespmem:s21], [sflag:$0x1] =	stream.indirect.gather [hbm4b:s5+s20], $0x80, s1, s20, $0xb8;
	[tilespmem:$0x1E800] =	vst v63  }
0x67: {  	_ =	swait.ge [sflag:s25], $0x4000  }
0x68: {  	[sflag:s25] =	ssyncset.done $0x0  }
0x69: {  	s1 =	simm.s32 $0x1480;
	[sflag:s25] =	ssyncadd.s32 $0xFFFFC000  }
0x6a: {  	[spmem:s2] =	stream.indirect.scatter.add.f32 [tilespmem:s22], [sflag:$0x4], $0x80, s1, s20, $0xb8;
	[tilespmem:$0x1E800] =	vst v63  }
0x6b: {  	_ =	swait.ge [sflag:s26], $0x4000  }
0x6c: {  	[sflag:s26] =	ssyncset.done $0x0  }
0x6d: {  	s31 =	simm.s32 $0x400;
	s1 =	simm.s32 $0x180;
	[sflag:s26] =	ssyncadd.s32 $0xFFFFC000  }
.LBB2_4:
0x6e: {  	[tilespmem:s22], [sflag:$0x2] =	stream.indirect.gather [hbm4b:s5+s20], $0x80, s1, s20, $0xb8;
	[tilespmem:$0x1E800] =	vst v63  }
0x6f: {  	s0 =	smov.u32 s31  }
0x70: {  	p0 =	sne.s32 s31, $0x4800;
	s31 =	sadd.s32 $0x400, s31;
	_ =	swait.ge [sflag:s23], $0x4000  }
0x71: {  	s0 =	sshra.s32 s0, $0x2;
	[sflag:s23] =	ssyncset.done $0x0  }
0x72: {  	s1 =	sadd.s32 $0x1400, s0;
	[sflag:s23] =	ssyncadd.s32 $0xFFFFC000  }
0x73: {  	[spmem:s2] =	stream.indirect.scatter.add.f32 [tilespmem:s21], [sflag:$0x3], $0x80, s1, s20, $0xb8;
	[tilespmem:$0x1E800] =	vst v63  }
0x74: {  	_ =	swait.ge [sflag:s24], $0x4000  }
0x75: {  	[sflag:s24] =	ssyncset.done $0x0  }
0x76: {  	s1 =	sadd.s32 $0x100, s0;
	[sflag:s24] =	ssyncadd.s32 $0xFFFFC000  }
0x77: {  	[tilespmem:s21], [sflag:$0x1] =	stream.indirect.gather [hbm4b:s5+s20], $0x80, s1, s20, $0xb8;
	[tilespmem:$0x1E800] =	vst v63  }
0x78: {  	_ =	swait.ge [sflag:s25], $0x4000  }
0x79: {  	[sflag:s25] =	ssyncset.done $0x0  }
.Ltmp1:
0x7a: {  	s1 =	sadd.s32 $0x1480, s0;
	[sflag:s25] =	ssyncadd.s32 $0xFFFFC000;
	(pc) =	sbr.rel @p0 .LBB2_4-.Ltmp1, $4  }
0x7b: {  	[spmem:s2] =	stream.indirect.scatter.add.f32 [tilespmem:s22], [sflag:$0x4], $0x80, s1, s20, $0xb8;
	[tilespmem:$0x1E800] =	vst v63  }
0x7c: {  	_ =	swait.ge [sflag:s26], $0x4000  }
0x7d: {  	[sflag:s26] =	ssyncset.done $0x0  }
0x7e: {  	s1 =	sadd.s32 $0x180, s0;
	[sflag:s26] =	ssyncadd.s32 $0xFFFFC000  }
0x7f: {  	[tilespmem:s22], [sflag:$0x2] =	stream.indirect.gather [hbm4b:s5+s20], $0x80, s1, s20, $0xb8;
	[tilespmem:$0x1E800] =	vst v63  }
0x80: {  	_ =	swait.ge [sflag:s23], $0x4000  }
0x81: {  	[sflag:s23] =	ssyncset.done $0x0  }
0x82: {  	[sflag:s23] =	ssyncadd.s32 $0xFFFFC000  }
0x83: {  	[spmem:s2] =	stream.indirect.scatter.add.f32 [tilespmem:s21], [sflag:$0x3], $0x80, s28, s20, $0xb8;
	[tilespmem:$0x1E800] =	vst v63  }
0x84: {  	_ =	swait.ge [sflag:s24], $0x4000  }
0x85: {  	[sflag:s24] =	ssyncset.done $0x0  }
0x86: {  	[sflag:s24] =	ssyncadd.s32 $0xFFFFC000  }
0x87: {  	_ =	swait.ge [sflag:s25], $0x4000  }
0x88: {  	[sflag:s25] =	ssyncset.done $0x0  }
0x89: {  	[sflag:s25] =	ssyncadd.s32 $0xFFFFC000  }
0x8a: {  	[spmem:s2] =	stream.indirect.scatter.add.f32 [tilespmem:s22], [sflag:$0x4], $0x80, s29, s20, $0xb8;
	[tilespmem:$0x1E800] =	vst v63  }
0x8b: {  	_ =	swait.ge [sflag:s26], $0x4000  }
0x8c: {  	[sflag:s26] =	ssyncset.done $0x0  }
0x8d: {  	s0 =	simm.s32 $0x0;
	[sflag:s26] =	ssyncadd.s32 $0xFFFFC000  }
0x8e: {  	[tilespmem:s21], [sflag:$0x1] =	stream.indirect.gather [hbm4b:s6+s20], $0x80, s0, s20, $0xb8;
	[tilespmem:$0x1E800] =	vst v63  }
0x8f: {  	_ = 	snop  }
0x90: {  	[tilespmem:s22], [sflag:$0x2] =	stream.indirect.gather [hbm4b:s6+s20], $0x80, s20, s20, $0xb8;
	[tilespmem:$0x1E800] =	vst v63  }
0x91: {  	[bflag:$0x0] =	sbarrier.arrive $0xFFFF  }
0x92: {  	[hbm:s12], [sflag:s18] =	dma.local [spmem:s19], $0x2800  }
0x93: {  	_ =	swait.ge [sflag:s16], $0x2800  }
0x94: {  	[sflag:s16] =	ssyncset.done $0x0  }
0x95: {  	[sflag:s16] =	ssyncadd.s32 $0xFFFFD800  }
0x96: {  	[spmem:s19], [sflag:s18] =	dma.local [hbm:s8], $0x2800  }
0x97: {  	_ =	swait.ge [sflag:s16], $0x2800  }
0x98: {  	[sflag:s16] =	ssyncset.done $0x0  }
0x99: {  	[sflag:s16] =	ssyncadd.s32 $0xFFFFD800  }
0x9a: {  	[bflag:$0x0] =	sbarrier.arrive $0xFFFF  }
0x9b: {  	_ =	swait.ge [sflag:s23], $0x4000  }
0x9c: {  	[sflag:s23] =	ssyncset.done $0x0  }
0x9d: {  	s1 =	simm.s32 $0x1400;
	[sflag:s23] =	ssyncadd.s32 $0xFFFFC000  }
0x9e: {  	[spmem:s2] =	stream.indirect.scatter.add.f32 [tilespmem:s21], [sflag:$0x3], $0x80, s1, s20, $0xb8;
	[tilespmem:$0x1E800] =	vst v63  }
0x9f: {  	_ =	swait.ge [sflag:s24], $0x4000  }
0xa0: {  	[sflag:s24] =	ssyncset.done $0x0  }
0xa1: {  	s1 =	simm.s32 $0x100;
	[sflag:s24] =	ssyncadd.s32 $0xFFFFC000  }
0xa2: {  	[tilespmem:s21], [sflag:$0x1] =	stream.indirect.gather [hbm4b:s6+s20], $0x80, s1, s20, $0xb8;
	[tilespmem:$0x1E800] =	vst v63  }
0xa3: {  	_ =	swait.ge [sflag:s25], $0x4000  }
0xa4: {  	[sflag:s25] =	ssyncset.done $0x0  }
0xa5: {  	s1 =	simm.s32 $0x1480;
	[sflag:s25] =	ssyncadd.s32 $0xFFFFC000  }
0xa6: {  	[spmem:s2] =	stream.indirect.scatter.add.f32 [tilespmem:s22], [sflag:$0x4], $0x80, s1, s20, $0xb8;
	[tilespmem:$0x1E800] =	vst v63  }
0xa7: {  	_ =	swait.ge [sflag:s26], $0x4000  }
0xa8: {  	[sflag:s26] =	ssyncset.done $0x0  }
0xa9: {  	s31 =	simm.s32 $0x400;
	s1 =	simm.s32 $0x180;
	[sflag:s26] =	ssyncadd.s32 $0xFFFFC000  }
.LBB2_6:
0xaa: {  	[tilespmem:s22], [sflag:$0x2] =	stream.indirect.gather [hbm4b:s6+s20], $0x80, s1, s20, $0xb8;
	[tilespmem:$0x1E800] =	vst v63  }
0xab: {  	s0 =	smov.u32 s31  }
0xac: {  	p0 =	sne.s32 s31, $0x4800;
	s31 =	sadd.s32 $0x400, s31;
	_ =	swait.ge [sflag:s23], $0x4000  }
0xad: {  	s0 =	sshra.s32 s0, $0x2;
	[sflag:s23] =	ssyncset.done $0x0  }
0xae: {  	s1 =	sadd.s32 $0x1400, s0;
	[sflag:s23] =	ssyncadd.s32 $0xFFFFC000  }
0xaf: {  	[spmem:s2] =	stream.indirect.scatter.add.f32 [tilespmem:s21], [sflag:$0x3], $0x80, s1, s20, $0xb8;
	[tilespmem:$0x1E800] =	vst v63  }
0xb0: {  	_ =	swait.ge [sflag:s24], $0x4000  }
0xb1: {  	[sflag:s24] =	ssyncset.done $0x0  }
0xb2: {  	s1 =	sadd.s32 $0x100, s0;
	[sflag:s24] =	ssyncadd.s32 $0xFFFFC000  }
0xb3: {  	[tilespmem:s21], [sflag:$0x1] =	stream.indirect.gather [hbm4b:s6+s20], $0x80, s1, s20, $0xb8;
	[tilespmem:$0x1E800] =	vst v63  }
0xb4: {  	_ =	swait.ge [sflag:s25], $0x4000  }
0xb5: {  	[sflag:s25] =	ssyncset.done $0x0  }
.Ltmp2:
0xb6: {  	s1 =	sadd.s32 $0x1480, s0;
	[sflag:s25] =	ssyncadd.s32 $0xFFFFC000;
	(pc) =	sbr.rel @p0 .LBB2_6-.Ltmp2, $4  }
0xb7: {  	[spmem:s2] =	stream.indirect.scatter.add.f32 [tilespmem:s22], [sflag:$0x4], $0x80, s1, s20, $0xb8;
	[tilespmem:$0x1E800] =	vst v63  }
0xb8: {  	_ =	swait.ge [sflag:s26], $0x4000  }
0xb9: {  	[sflag:s26] =	ssyncset.done $0x0  }
0xba: {  	s1 =	sadd.s32 $0x180, s0;
	[sflag:s26] =	ssyncadd.s32 $0xFFFFC000  }
0xbb: {  	[tilespmem:s22], [sflag:$0x2] =	stream.indirect.gather [hbm4b:s6+s20], $0x80, s1, s20, $0xb8;
	[tilespmem:$0x1E800] =	vst v63  }
0xbc: {  	_ =	swait.ge [sflag:s23], $0x4000  }
0xbd: {  	[sflag:s23] =	ssyncset.done $0x0  }
0xbe: {  	[sflag:s23] =	ssyncadd.s32 $0xFFFFC000  }
0xbf: {  	[spmem:s2] =	stream.indirect.scatter.add.f32 [tilespmem:s21], [sflag:$0x3], $0x80, s28, s20, $0xb8;
	[tilespmem:$0x1E800] =	vst v63  }
0xc0: {  	_ =	swait.ge [sflag:s24], $0x4000  }
0xc1: {  	[sflag:s24] =	ssyncset.done $0x0  }
0xc2: {  	[sflag:s24] =	ssyncadd.s32 $0xFFFFC000  }
0xc3: {  	_ =	swait.ge [sflag:s25], $0x4000  }
0xc4: {  	[sflag:s25] =	ssyncset.done $0x0  }
0xc5: {  	[sflag:s25] =	ssyncadd.s32 $0xFFFFC000  }
0xc6: {  	[spmem:s2] =	stream.indirect.scatter.add.f32 [tilespmem:s22], [sflag:$0x4], $0x80, s29, s20, $0xb8;
	[tilespmem:$0x1E800] =	vst v63  }
0xc7: {  	_ =	swait.ge [sflag:s26], $0x4000  }
0xc8: {  	[sflag:s26] =	ssyncset.done $0x0  }
0xc9: {  	s0 =	simm.s32 $0x0;
	[sflag:s26] =	ssyncadd.s32 $0xFFFFC000  }
0xca: {  	[tilespmem:s21], [sflag:$0x1] =	stream.indirect.gather [hbm4b:s7+s20], $0x80, s0, s20, $0xb8;
	[tilespmem:$0x1E800] =	vst v63  }
0xcb: {  	_ = 	snop  }
0xcc: {  	[tilespmem:s22], [sflag:$0x2] =	stream.indirect.gather [hbm4b:s7+s20], $0x80, s20, s20, $0xb8;
	[tilespmem:$0x1E800] =	vst v63  }
0xcd: {  	[bflag:$0x0] =	sbarrier.arrive $0xFFFF  }
0xce: {  	[hbm:s13], [sflag:s18] =	dma.local [spmem:s19], $0x2800  }
0xcf: {  	_ =	swait.ge [sflag:s16], $0x2800  }
0xd0: {  	[sflag:s16] =	ssyncset.done $0x0  }
0xd1: {  	[sflag:s16] =	ssyncadd.s32 $0xFFFFD800  }
0xd2: {  	[spmem:s19], [sflag:s18] =	dma.local [hbm:s8], $0x2800  }
0xd3: {  	_ =	swait.ge [sflag:s16], $0x2800  }
0xd4: {  	[sflag:s16] =	ssyncset.done $0x0  }
0xd5: {  	[sflag:s16] =	ssyncadd.s32 $0xFFFFD800  }
0xd6: {  	[bflag:$0x0] =	sbarrier.arrive $0xFFFF  }
0xd7: {  	_ =	swait.ge [sflag:s23], $0x4000  }
0xd8: {  	[sflag:s23] =	ssyncset.done $0x0  }
0xd9: {  	s1 =	simm.s32 $0x1400;
	[sflag:s23] =	ssyncadd.s32 $0xFFFFC000  }
0xda: {  	[spmem:s2] =	stream.indirect.scatter.add.f32 [tilespmem:s21], [sflag:$0x3], $0x80, s1, s20, $0xb8;
	[tilespmem:$0x1E800] =	vst v63  }
0xdb: {  	_ =	swait.ge [sflag:s24], $0x4000  }
0xdc: {  	[sflag:s24] =	ssyncset.done $0x0  }
0xdd: {  	s1 =	simm.s32 $0x100;
	[sflag:s24] =	ssyncadd.s32 $0xFFFFC000  }
0xde: {  	[tilespmem:s21], [sflag:$0x1] =	stream.indirect.gather [hbm4b:s7+s20], $0x80, s1, s20, $0xb8;
	[tilespmem:$0x1E800] =	vst v63  }
0xdf: {  	_ =	swait.ge [sflag:s25], $0x4000  }
0xe0: {  	[sflag:s25] =	ssyncset.done $0x0  }
0xe1: {  	s1 =	simm.s32 $0x1480;
	[sflag:s25] =	ssyncadd.s32 $0xFFFFC000  }
0xe2: {  	[spmem:s2] =	stream.indirect.scatter.add.f32 [tilespmem:s22], [sflag:$0x4], $0x80, s1, s20, $0xb8;
	[tilespmem:$0x1E800] =	vst v63  }
0xe3: {  	_ =	swait.ge [sflag:s26], $0x4000  }
0xe4: {  	[sflag:s26] =	ssyncset.done $0x0  }
0xe5: {  	s31 =	simm.s32 $0x400;
	s1 =	simm.s32 $0x180;
	[sflag:s26] =	ssyncadd.s32 $0xFFFFC000  }
.LBB2_8:
0xe6: {  	[tilespmem:s22], [sflag:$0x2] =	stream.indirect.gather [hbm4b:s7+s20], $0x80, s1, s20, $0xb8;
	[tilespmem:$0x1E800] =	vst v63  }
0xe7: {  	s0 =	smov.u32 s31  }
0xe8: {  	p0 =	sne.s32 s31, $0x4800;
	s31 =	sadd.s32 $0x400, s31;
	_ =	swait.ge [sflag:s23], $0x4000  }
0xe9: {  	s0 =	sshra.s32 s0, $0x2;
	[sflag:s23] =	ssyncset.done $0x0  }
0xea: {  	s1 =	sadd.s32 $0x1400, s0;
	[sflag:s23] =	ssyncadd.s32 $0xFFFFC000  }
0xeb: {  	[spmem:s2] =	stream.indirect.scatter.add.f32 [tilespmem:s21], [sflag:$0x3], $0x80, s1, s20, $0xb8;
	[tilespmem:$0x1E800] =	vst v63  }
0xec: {  	_ =	swait.ge [sflag:s24], $0x4000  }
0xed: {  	[sflag:s24] =	ssyncset.done $0x0  }
0xee: {  	s1 =	sadd.s32 $0x100, s0;
	[sflag:s24] =	ssyncadd.s32 $0xFFFFC000  }
0xef: {  	[tilespmem:s21], [sflag:$0x1] =	stream.indirect.gather [hbm4b:s7+s20], $0x80, s1, s20, $0xb8;
	[tilespmem:$0x1E800] =	vst v63  }
0xf0: {  	_ =	swait.ge [sflag:s25], $0x4000  }
0xf1: {  	[sflag:s25] =	ssyncset.done $0x0  }
.Ltmp3:
0xf2: {  	s1 =	sadd.s32 $0x1480, s0;
	[sflag:s25] =	ssyncadd.s32 $0xFFFFC000;
	(pc) =	sbr.rel @p0 .LBB2_8-.Ltmp3, $4  }
0xf3: {  	[spmem:s2] =	stream.indirect.scatter.add.f32 [tilespmem:s22], [sflag:$0x4], $0x80, s1, s20, $0xb8;
	[tilespmem:$0x1E800] =	vst v63  }
0xf4: {  	_ =	swait.ge [sflag:s26], $0x4000  }
0xf5: {  	[sflag:s26] =	ssyncset.done $0x0  }
0xf6: {  	s1 =	sadd.s32 $0x180, s0;
	[sflag:s26] =	ssyncadd.s32 $0xFFFFC000  }
0xf7: {  	[tilespmem:s22], [sflag:$0x2] =	stream.indirect.gather [hbm4b:s7+s20], $0x80, s1, s20, $0xb8;
	[tilespmem:$0x1E800] =	vst v63  }
0xf8: {  	_ =	swait.ge [sflag:s23], $0x4000  }
0xf9: {  	[sflag:s23] =	ssyncset.done $0x0  }
0xfa: {  	[sflag:s23] =	ssyncadd.s32 $0xFFFFC000  }
0xfb: {  	[spmem:s2] =	stream.indirect.scatter.add.f32 [tilespmem:s21], [sflag:$0x3], $0x80, s28, s20, $0xb8;
	[tilespmem:$0x1E800] =	vst v63  }
0xfc: {  	_ =	swait.ge [sflag:s24], $0x4000  }
0xfd: {  	[sflag:s24] =	ssyncset.done $0x0  }
0xfe: {  	[sflag:s24] =	ssyncadd.s32 $0xFFFFC000  }
0xff: {  	_ =	swait.ge [sflag:s25], $0x4000  }
0x100: {  	[sflag:s25] =	ssyncset.done $0x0  }
0x101: {  	[sflag:s25] =	ssyncadd.s32 $0xFFFFC000  }
0x102: {  	[spmem:s2] =	stream.indirect.scatter.add.f32 [tilespmem:s22], [sflag:$0x4], $0x80, s29, s20, $0xb8;
	[tilespmem:$0x1E800] =	vst v63  }
0x103: {  	_ =	swait.ge [sflag:s26], $0x4000  }
0x104: {  	s30 =	sadd.s32 $0x1, s30;
	[sflag:s26] =	ssyncset.done $0x0  }
0x105: {  	p0 =	sne.s32 s30, s15;
	[sflag:s26] =	ssyncadd.s32 $0xFFFFC000  }
.Ltmp4:
0x106: {  	[bflag:$0x0] =	sbarrier.arrive $0xFFFF;
	(pc) =	sbr.rel @p0 .LBB2_1-.Ltmp4, $4  }
0x107: {  	[hbm:s14], [sflag:s18] =	dma.local [spmem:s19], $0x2800  }
0x108: {  	_ =	swait.ge [sflag:s16], $0x2800  }
0x109: {  	[sflag:s16] =	ssyncset.done $0x0  }
0x10a: {  	[sflag:s16] =	ssyncadd.s32 $0xFFFFD800  }
0x10b: {  	_ =	sfence.sel $0x180000  }
0x10c: {  	[bflag:$0x0] =	sbarrier.arrive $0xFFFF  }
0x10d: {  	_ =	strace $0x9000004D  }
0x10e: {  	s0 =	stileid.u32;
	[bflag:$0x2] =	sbarrier.arrive $0xFFFF  }
0x10f: {  	p0 =	sne.s32 s0, $0x0;
	s0 =	rddreg [dreg:$0x3]  }
0x110: {  	s0 =	sadd.s32 @!p0 $0x100000, s0  }
0x111: {  	[sflag:s0] =	ssyncadd.tile.s32 @!p0 $0x1;
	_ =	shalt  }
.Lfunc_end2:
_tile_overlayer_lowered:
.L_overlay_start_2:
0x112: {  	(tag) =	ssettag $0x2  }
0x113: {  	s0 =	rddreg [dreg:$0x0];
	s2 =	stileid.u32  }
0x114: {  	s1 =	rddreg [dreg:$0x1];
	p0 =	sne.s32 s2, $0x0  }
0x115: {  	s3 =	rddreg [dreg:$0x2];
	[bflag:$0x3] =	sbarrier.arrive $0xFFFF;
	s2 =	simm.s32 @!p0 $0x1C05  }
0x116: {  	[timem:s3], [sflag:s2] =	dma.local @!p0 [hbm:s0], s1  }
0x117: {  	s0 =	simm.s32 @!p0 $0x5  }
0x118: {  	_ =	swait.ge @!p0 [sflag:s0], s1  }
0x119: {  	s1 =	ssub.s32 @!p0 $0x0, s1;
	[sflag:s0] =	ssyncset.done @!p0 $0x0  }
0x11a: {  	[sflag:s0] =	ssyncadd.s32 @!p0 s1  }
0x11b: {  	[bflag:$0x3] =	sbarrier.arrive $0xFFFF  }
0x11c: {  	_ =	shalt  }

// kernel: kernel.8.cloned.1.call-start
scs
__scs_entry_jumppad:
0x0: {  	(pc) =	sbr.rel $0x88, $3  }
0x1: {  	(tag) =	ssettag $0x0;
	lr =	simm.s32 $0x1  }
0x2: {  	[smem:$0x3F99] =	sst lr;
	_ =	strace $0xD0000000  }
0x3: {  	_ = 	snop  }
0x4: {  	_ = 	snop  }
0x5: {  	_ = 	snop  }
0x6: {  	_ = 	snop  }
0x7: {  	_ = 	snop  }
__scs_overlays_trampoline_lowered:
0x8: {  	[smem:$0x3FA8] =	sst s0  }
0x9: {  	[smem:$0x3FA9] =	sst s1  }
0xa: {  	[smem:$0x3FAA] =	sst s2  }
0xb: {  	[smem:$0x3FAB] =	sst s3  }
0xc: {  	[smem:$0x3FAC] =	sst s4  }
0xd: {  	[smem:$0x3FAD] =	sst s5  }
0xe: {  	[smem:$0x3FAE] =	sst s6  }
0xf: {  	[smem:$0x3FAF] =	sst s7  }
0x10: {  	[smem:$0x3FB0] =	sst s8  }
0x11: {  	[smem:$0x3FB1] =	sst s9;
	s0 =	simm.s32 @!p0 $0x0  }
0x12: {  	s1 =	sld [smem:$0x3F97];
	s0 =	simm.s32 @p0 $0x1  }
0x13: {  	[smem:$0x3FB2] =	sst s0;
	s0 =	simm.s32 @!p1 $0x0  }
0x14: {  	s2 =	sld [smem:$0x3F96];
	s0 =	simm.s32 @p1 $0x1  }
0x15: {  	[smem:$0x3FB3] =	sst s0;
	s0 =	simm.s32 @!p2 $0x0  }
0x16: {  	s3 =	sld [smem:$0x3FDB];
	s0 =	simm.s32 @p2 $0x1  }
0x17: {  	s4 =	simm.s32 $0x1BF5;
	[smem:$0x3FB5] =	sst s0  }
0x18: {  	s0 =	sld [smem:$0x3F98];
	_ =	swait.ge [sflag:s4], $0x0  }
0x19: {  	s7 =	sld [smem:$0x3F99]  }
0x1a: {  	s8 =	sadd.s32 $0xFFFFE003, lr  }
0x1b: {  	s9 =	sadd.s32 $0xFFFFFEF7, lr;
	s5 =	simm.s32 $0xFFFFFFFF;
	p2 =	slt.u32 s8, $0xFFFFF086  }
0x1c: {  	p1 =	slt.u32 s9, $0xF7A;
	s5 =	simm.s32 @!p2 $0x0  }
0x1d: {  	s5 =	simm.s32 @p1 $0x1;
	p0 =	seq.s32 s7, s2  }
0x1e: {  	s7 =	smul.u32 @!p0 $0xF7A, s2;
	p2 =	seq.s32 @!p0 s5, $0x0  }
0x1f: {  	s9 =	smul.u32 $0xF7A, s1;
	s8 =	simm.s32 @!p0 $0x1BF5;
	p2 =	por !p2, p0  }
0x20: {  	[sflag:s8] =	ssyncset.s32 @!p0 $0xFFFFF086;
	s6 =	sadd.s32 @!p0 s3, s7;
	s7 =	simm.s32 @!p0 $0x108  }
0x21: {  	s3 =	sadd.s32 s3, s9;
	s6 =	sadd.s32 @!p0 $0x88, s6;
	s7 =	simm.s32 @p2 $0x1082  }
0x22: {  	[simem:s7], [sflag:s8] =	dma.local @!p0 [hbm:s6], $0xF7A  }
0x23: {  	s9 =	sor.u32 $0xD0000000, s2;
	s6 =	simm.s32 $0x108;
	_ =	swait.ge @!p0 [sflag:s8], $0x0  }
0x24: {  	s3 =	sadd.s32 $0x88, s3;
	s6 =	simm.s32 @!p1 $0x1082;
	[sflag:s4] =	ssyncset.s32 $0xFFFFF086  }
0x25: {  	[simem:s6], [sflag:s4] =	dma.local [hbm:s3], $0xF7A  }
0x26: {  	[smem:$0x3F99] =	sst s1;
	(tag) =	ssettag s2;
	_ =	strace s9  }
0x27: {  	s1 =	sld [smem:$0x3FA9]  }
0x28: {  	s2 =	sld [smem:$0x3FAA]  }
0x29: {  	s4 =	sld [smem:$0x3FAC]  }
0x2a: {  	p0 =	seq.s32 s5, $0x0;
	s5 =	sld [smem:$0x3FAD]  }
0x2b: {  	s6 =	sld [smem:$0x3FAE]  }
0x2c: {  	s7 =	sld [smem:$0x3FAF]  }
0x2d: {  	s3 =	simm.s32 $0x108;
	s8 =	sld [smem:$0x3FB0]  }
0x2e: {  	s3 =	simm.s32 @!p0 $0x1082;
	s9 =	sld [smem:$0x3FB1]  }
0x2f: {  	lr =	sadd.s32 s0, s3;
	s0 =	sld [smem:$0x3FA8]  }
0x30: {  	s3 =	sld [smem:$0x3FAB]  }
0x31: {  	[smem:$0x3FB4] =	sst s10  }
0x32: {  	s10 =	sld [smem:$0x3FB2];
	_ =	sdelay $0x3  }
0x33: {  	p0 =	seq.s32 s10, $0x1;
	s10 =	sld [smem:$0x3FB4];
	_ =	sdelay $0x3  }
0x34: {  	[smem:$0x3FB4] =	sst s10  }
0x35: {  	s10 =	sld [smem:$0x3FB3];
	_ =	sdelay $0x3  }
0x36: {  	p1 =	seq.s32 s10, $0x1;
	s10 =	sld [smem:$0x3FB4];
	_ =	sdelay $0x3  }
0x37: {  	[smem:$0x3FB4] =	sst s10  }
0x38: {  	s10 =	sld [smem:$0x3FB5]  }
0x39: {  	_ = 	snop;
	(pc) =	sbr.ind lr, $3  }
0x3a: {  	_ = 	snop  }
0x3b: {  	_ = 	snop  }
0x3c: {  	p2 =	seq.s32 s10, $0x1;
	s10 =	sld [smem:$0x3FB4]  }
0x3d: {  	_ =	shalt  }
0x3e: {  	_ =	shalt  }
0x3f: {  	_ =	shalt  }
0x40: {  	_ =	shalt  }
0x41: {  	_ =	shalt  }
0x42: {  	_ =	shalt  }
0x43: {  	_ =	shalt  }
0x44: {  	_ =	shalt  }
0x45: {  	_ =	shalt  }
0x46: {  	_ =	shalt  }
0x47: {  	_ =	shalt  }
0x48: {  	_ =	shalt  }
0x49: {  	_ =	shalt  }
0x4a: {  	_ =	shalt  }
0x4b: {  	_ =	shalt  }
0x4c: {  	_ =	shalt  }
0x4d: {  	_ =	shalt  }
0x4e: {  	_ =	shalt  }
0x4f: {  	_ =	shalt  }
0x50: {  	_ =	shalt  }
0x51: {  	_ =	shalt  }
0x52: {  	_ =	shalt  }
0x53: {  	_ =	shalt  }
0x54: {  	_ =	shalt  }
0x55: {  	_ =	shalt  }
0x56: {  	_ =	shalt  }
0x57: {  	_ =	shalt  }
0x58: {  	_ =	shalt  }
0x59: {  	_ =	shalt  }
0x5a: {  	_ =	shalt  }
0x5b: {  	_ =	shalt  }
0x5c: {  	_ =	shalt  }
0x5d: {  	_ =	shalt  }
0x5e: {  	_ =	shalt  }
0x5f: {  	_ =	shalt  }
0x60: {  	_ =	shalt  }
0x61: {  	_ =	shalt  }
0x62: {  	_ =	shalt  }
0x63: {  	_ =	shalt  }
0x64: {  	_ =	shalt  }
0x65: {  	_ =	shalt  }
0x66: {  	_ =	shalt  }
0x67: {  	_ =	shalt  }
0x68: {  	_ =	shalt  }
0x69: {  	_ =	shalt  }
0x6a: {  	_ =	shalt  }
0x6b: {  	_ =	shalt  }
0x6c: {  	_ =	shalt  }
0x6d: {  	_ =	shalt  }
0x6e: {  	_ =	shalt  }
0x6f: {  	_ =	shalt  }
0x70: {  	_ =	shalt  }
0x71: {  	_ =	shalt  }
0x72: {  	_ =	shalt  }
0x73: {  	_ =	shalt  }
0x74: {  	_ =	shalt  }
0x75: {  	_ =	shalt  }
0x76: {  	_ =	shalt  }
0x77: {  	_ =	shalt  }
0x78: {  	_ =	shalt  }
0x79: {  	_ =	shalt  }
0x7a: {  	_ =	shalt  }
0x7b: {  	_ =	shalt  }
0x7c: {  	_ =	shalt  }
0x7d: {  	_ =	shalt  }
0x7e: {  	_ =	shalt  }
0x7f: {  	_ =	shalt  }
0x80: {  	_ =	shalt  }
0x81: {  	_ =	shalt  }
0x82: {  	_ =	shalt  }
0x83: {  	_ =	shalt  }
0x84: {  	_ =	shalt  }
0x85: {  	_ =	shalt  }
0x86: {  	_ =	shalt  }
0x87: {  	_ =	shalt  }
.Lfunc_end0:
.L_simem_size_0:
called_computation_lowered:
.L_overlay_start_0:
0x88: {  	s2 =	sld [smem:$0x3FD9]  }
0x89: {  	s3 =	sld [smem:$0x3FFE];
	_ =	sdelay $0x1  }
0x8a: {  	s1 =	srdreg.scid  }
0x8b: {  	s0 =	sand.u32 $0x1, s1  }
0x8c: {  	s17 =	sshll.u32 s0, $0xA;
	s2 =	sadd.s32 s3, s2  }
0x8d: {  	s2 =	sadd.s32 s2, s17  }
0x8e: {  	[smem:$0x3FC0] =	sst s2  }
0x8f: {  	_ = 	snop  }
0x90: {  	s2 =	sld [smem:$0x3FD0];
	(tm) =	ssettm $0x1  }
0x91: {  	s18 =	sld [smem:$0x3FFB];
	_ =	sdelay $0x3  }
0x92: {  	_ =	strace s18  }
0x93: {  	s3 =	sld [smem:$0x3FFC];
	_ =	sdelay $0x3  }
0x94: {  	_ =	strace s3  }
0x95: {  	s3 =	sld [smem:$0x3FFD];
	_ =	sdelay $0x3  }
0x96: {  	_ =	strace s3  }
0x97: {  	_ =	strace $0x8FFFFFFF  }
0x98: {  	s19 =	sld [smem:$0x3FDB];
	_ =	sdelay $0x1  }
0x99: {  	s4 =	simm.s32 $_scs_section_size  }
0x9a: {  	s5 =	simm.s32 $_size__tile_overlayer_lowered;
	s6 =	simm.s32 $_tile_overlayer_lowered  }
0x9b: {  	s22 =	simm.s32 $0x1BFF;
	s21 =	sshll.u32 s6, $0x1;
	s3 =	sadd.s32 s4, s19  }
0x9c: {  	s7 =	simm.s32 $0x0;
	s20 =	sshll.u32 s5, $0x1;
	s5 =	sadd.s32 s21, s3  }
0x9d: {  	[timem:s7], [sflag:s22] =	dma.local [hbm:s5], s20  }
0x9e: {  	_ =	swait.ge [sflag:s22], s20  }
0x9f: {  	s4 =	ssub.s32 $0x0, s20;
	[sflag:s22] =	ssyncset.done $0x0  }
0xa0: {  	[sflag:s22] =	ssyncadd.s32 s4;
	_ =	sdelay $0x1  }
0xa1: {  	s23 =	simm.s32 $0x1B8B  }
0xa2: {  	_ =	swait.ge [sflag:s23], $0x1  }
0xa3: {  	[sflag:s23] =	ssyncset.done $0x0  }
0xa4: {  	s25 =	simm.s32 $0x1B8E;
	s24 =	sld [smem:$0x3FFE];
	[sflag:s23] =	ssyncadd.s32 $0xFFFFFFFF  }
0xa5: {  	s26 =	simm.s32 $execute0_lowered;
	[smem:$0x3FD2] =	sst s25  }
0xa6: {  	s5 =	sshll.u32 s26, $0x1;
	_ =	strace $0x80000046;
	[dreg:$0x1] =	wrdreg $0xFFFFFFFF  }
0xa7: {  	s28 =	simm.s32 $_size_execute0_lowered;
	s3 =	sadd.s32 s3, s5;
	[dreg:$0x0] =	wrdreg $0x0  }
0xa8: {  	s5 =	sshll.u32 s28, $0x1;
	[dreg:$0x2] =	wrdreg s3  }
0xa9: {  	[dreg:$0x3] =	wrdreg s5  }
0xaa: {  	[dreg:$0x4] =	wrdreg $0xC0  }
0xab: {  	_ =	task [dreg:s7], $0x5FFFF  }
0xac: {  	[dreg:$0x1] =	wrdreg $0xFFFFFFFF  }
0xad: {  	[dreg:$0x0] =	wrdreg $0x60  }
0xae: {  	[dreg:$0x2] =	wrdreg s2  }
0xaf: {  	[dreg:$0x3] =	wrdreg s24  }
0xb0: {  	[dreg:$0x4] =	wrdreg $0x54000  }
0xb1: {  	[dreg:$0x5] =	wrdreg $0x9  }
0xb2: {  	_ =	task.clear_ibuf [dreg:s7], $0x6FFFF;
	_ =	strace $0x90000046  }
0xb3: {  	s29 =	simm.s32 $0x9;
	_ =	strace $0x80000048  }
0xb4: {  	_ =	swait.ge [sflag:s29], $0x1  }
0xb5: {  	[sflag:s29] =	ssyncadd.s32 $0xFFFFFFFF  }
0xb6: {  	_ =	strace $0x90000048  }
0xb7: {  	_ =	sfence  }
0xb8: {  	s30 =	sld [smem:$0x0];
	_ =	sdelay $0x2  }
0xb9: {  	s31 =	sshll.u32 s1, $0xD;
	s1 =	sshrl.u32 s1, $0x2  }
0xba: {  	s3 =	sand.u32 $0x4000, s31;
	s1 =	sadd.s32 s1, s30  }
0xbb: {  	s0 =	sor.u32 s3, s0;
	s1 =	sshll.u32 s1, $0x11  }
0xbc: {  	s0 =	sor.u32 s1, s0  }
0xbd: {  	s0 =	sadd.s32 $0x8F2B, s0  }
0xbe: {  	[sflag:s0] =	ssyncadd.remote.s32 $0x1  }
0xbf: {  	_ =	sfence.sel $0xFFFF  }
0xc0: {  	[dreg:$0x0] =	wrdreg $0xFFFFFFFF;
	(pc) =	sbr.abs _section_cstart, $3  }
0xc1: {  	[dreg:$0x1] =	wrdreg $0xFFFFFFFF  }
0xc2: {  	_ =	task.clear_ibuf [dreg:s7], $0x2FFFF;
	_ =	strace $0x9FFFFFFF  }
0xc3: {  	(tm) =	ssettm $0x7FFFFFFF  }
tec
execute0_lowered:
.L_overlay_start_1:
0x0: {  	(tag) =	ssettag $0x1  }
0x1: {  	s6 =	rddreg [dreg:$0x0]  }
0x2: {  	s7 =	rddreg [dreg:$0x1]  }
0x3: {  	s1 =	rddreg [dreg:$0x2]  }
0x4: {  	s0 =	rddreg [dreg:$0x3];
	s3 =	simm.s32 $0x0;
	s2 =	srdreg.scid  }
0x5: {  	s13 =	simm.s32 $0x80;
	[smem:$0x7FF] =	sst s3;
	s8 =	sand.u32 $0x1, s2  }
0x6: {  	s14 =	simm.s32 $0x0;
	s2 =	stileid.u32;
	s9 =	smul.u32 $0x140000, s8  }
0x7: {  	s4 =	sadd.s32 $0x3A00, s7;
	s5 =	sadd.s32 $0x4200, s7;
	s10 =	smul.u32 $0x14000, s2  }
0x8: {  	_ =	strace $0x80000047;
	s11 =	sshll.u32 s2, $0x1;
	s29 =	smul.u32 $0x50000, s2  }
0x9: {  	s31 =	sshll.u32 s2, $0x6;
	s28 =	sor.u32 s8, s11;
	s8 =	ssub.s32 $0x2, s8  }
0xa: {  	s9 =	sadd.s32 s10, s9;
	s10 =	smul.u32 $0x280, s28;
	s30 =	sshrl.u32 s8, $0x1  }
0xb: {  	s11 =	sshrl.u32 s29, $0x2;
	s9 =	sshrl.u32 s9, $0x3;
	s8 =	ssub.s32 s8, s30  }
0xc: {  	s12 =	sadd.s32 s11, s1;
	s11 =	sor.u32 $0x1C01, s31;
	s7 =	sadd.s32 s9, s7  }
0xd: {  	s6 =	sadd.s32 s6, s10;
	s8 =	smax.u32 s8, $0x1;
	s9 =	simm.s32 $0x1400  }
0xe: {  	s10 =	simm.s32 $0x1;
	s12 =	sshrl.u32 s12, $0x3;
	s7 =	sadd.s32 $0x6A00, s7  }
.LBB2_1:
0xf: {  	[tilespmem:s9], [sflag:$0x1] =	stream.linear.gather [hbm4b:s4+s3], $0x4000, $0x38;
	[tilespmem:$0x19400] =	vst v63  }
0x10: {  	_ =	swait.ge [sflag:s10], $0x4000  }
0x11: {  	[sflag:s10] =	ssyncset.done $0x0  }
0x12: {  	[sflag:s10] =	ssyncadd.s32 $0xFFFFC000  }
0x13: {  	[tilespmem:s3], [sflag:$0x1] =	stream.linear.gather [hbm4b:s6+s3], $0x1400, $0x38;
	[tilespmem:$0x19400] =	vst v63  }
0x14: {  	_ =	swait.ge [sflag:s10], $0x1400  }
0x15: {  	[sflag:s10] =	ssyncset.done $0x0  }
0x16: {  	[sflag:s10] =	ssyncadd.s32 $0xFFFFEC00  }
0x17: {  	[spmem:s12], [sflag:s11] =	dma.local [hbm:s5], $0x2800  }
0x18: {  	_ =	swait.ge [sflag:s10], $0x2800  }
0x19: {  	[sflag:s10] =	ssyncset.done $0x0  }
0x1a: {  	[sflag:s10] =	ssyncadd.s32 $0xFFFFD800  }
0x1b: {  	s15 =	simm.s32 $0x0;
	[bflag:$0x0] =	sbarrier.arrive $0xFFFF  }
0x1c: {  	[spmem:s1] =	stream.indirect.scatter.add.f32 [tilespmem:s9], [sflag:$0x1], $0x80, s15, s13, $0xb8;
	[tilespmem:$0x19400] =	vst v63  }
0x1d: {  	_ =	swait.ge [sflag:s10], $0x4000  }
0x1e: {  	s15 =	simm.s32 $0x200;
	[sflag:s10] =	ssyncset.done $0x0  }
.LBB2_2:
0x1f: {  	s16 =	sshra.s32 s15, $0x2;
	[sflag:s10] =	ssyncadd.s32 $0xFFFFC000;
	p0 =	sne.s32 s15, $0x4E00  }
0x20: {  	[spmem:s1] =	stream.indirect.scatter.add.f32 [tilespmem:s9], [sflag:$0x1], $0x80, s16, s13, $0xb8;
	[tilespmem:$0x19400] =	vst v63  }
.Ltmp0:
0x21: {  	_ = 	snop;
	(pc) =	sbr.rel @p0 .LBB2_2-.Ltmp0, $4  }
0x22: {  	_ = 	snop  }
0x23: {  	s15 =	sadd.s32 $0x200, s15  }
0x24: {  	_ =	swait.ge [sflag:s10], $0x4000  }
0x25: {  	[sflag:s10] =	ssyncset.done $0x0  }
0x26: {  	s14 =	sadd.s32 $0x1, s14  }
0x27: {  	[sflag:s10] =	ssyncadd.s32 $0xFFFFC000;
	p0 =	sne.s32 s14, s8  }
.Ltmp1:
0x28: {  	[bflag:$0x0] =	sbarrier.arrive $0xFFFF;
	(pc) =	sbr.rel @p0 .LBB2_1-.Ltmp1, $4  }
0x29: {  	[hbm:s7], [sflag:s11] =	dma.local [spmem:s12], $0x2800  }
0x2a: {  	_ =	swait.ge [sflag:s10], $0x2800  }
0x2b: {  	[sflag:s10] =	ssyncset.done $0x0  }
0x2c: {  	[sflag:s10] =	ssyncadd.s32 $0xFFFFD800  }
0x2d: {  	_ =	sfence.sel $0x180000  }
0x2e: {  	[bflag:$0x0] =	sbarrier.arrive $0xFFFF  }
0x2f: {  	p0 =	sne.s32 s2, $0x0;
	_ =	strace $0x90000047  }
0x30: {  	s0 =	sadd.s32 @!p0 $0x100000, s0;
	[bflag:$0x2] =	sbarrier.arrive $0xFFFF  }
0x31: {  	[sflag:s0] =	ssyncadd.tile.s32 @!p0 $0x1;
	_ =	shalt  }
.Lfunc_end2:
_tile_overlayer_lowered:
.L_overlay_start_2:
0x32: {  	(tag) =	ssettag $0x2  }
0x33: {  	s0 =	rddreg [dreg:$0x0];
	s2 =	stileid.u32  }
0x34: {  	s1 =	rddreg [dreg:$0x1];
	p0 =	sne.s32 s2, $0x0  }
0x35: {  	s3 =	rddreg [dreg:$0x2];
	[bflag:$0x3] =	sbarrier.arrive $0xFFFF;
	s2 =	simm.s32 @!p0 $0x1C01  }
0x36: {  	[timem:s3], [sflag:s2] =	dma.local @!p0 [hbm:s0], s1  }
0x37: {  	s0 =	simm.s32 @!p0 $0x1  }
0x38: {  	_ =	swait.ge @!p0 [sflag:s0], s1  }
0x39: {  	s1 =	ssub.s32 @!p0 $0x0, s1;
	[sflag:s0] =	ssyncset.done @!p0 $0x0  }
0x3a: {  	[sflag:s0] =	ssyncadd.s32 @!p0 s1  }
0x3b: {  	[bflag:$0x3] =	sbarrier.arrive $0xFFFF  }
0x3c: {  	_ =	shalt  }

</sc_bundles>
